<compile_context>
chip_gen: v7x
topology: tpu7x:2x2x1
jax: 0.10.2.dev20260603
libtpu: 0.0.44.dev20260713+nightly
codegen_flags: <defaults>
</compile_context>

<pallas_src>
import functools

import jax
import jax.numpy as jnp
from jax import lax
from jax.experimental import pallas as pl
from jax.experimental.pallas import tpu as pltpu
from jax.experimental.pallas import tpu_sc as plsc

N_NODES = 100000
N_EDGES = 3200000
N_POS = 5000
N_UNL = 95000
PI_HAT = 0.6
PI_CHECK = 0.4

L = 16
NC = 2
NT = 16
NW = NC * NT
NPAD = 102400
NODE_PER_TILE = NPAD // NT
E_PER_W = N_EDGES // NW
ECHUNK = 10000
NCHUNK = E_PER_W // ECHUNK
PPAD = 5008
UPAD = 95232
U_PER_TILE = UPAD // NT
U_PER_W = UPAD // NW

_mesh2 = plsc.VectorSubcoreMesh(
    core_axis_name="c", subcore_axis_name="s", num_cores=NC)
_mesh1 = plsc.VectorSubcoreMesh(
    core_axis_name="c", subcore_axis_name="s", num_cores=1)
_params = pltpu.CompilerParams(needs_layout_passes=False)

_EDGE_SCRATCH = [
    pltpu.VMEM((ECHUNK,), jnp.int32),
    pltpu.VMEM((ECHUNK,), jnp.int32),
    pltpu.VMEM((ECHUNK,), jnp.int32),
    pltpu.VMEM((ECHUNK,), jnp.int32),
    pltpu.VMEM((ECHUNK,), jnp.float32),
    pltpu.VMEM((NODE_PER_TILE,), jnp.float32),
    pltpu.VMEM((NODE_PER_TILE,), jnp.float32),
    pltpu.SemaphoreType.DMA,
    pltpu.SemaphoreType.DMA,
    pltpu.SemaphoreType.DMA,
    pltpu.SemaphoreType.DMA,
]


def _edge_round(edges, src_arr, dst_arr, wid,
                srcb0, srcb1, dstb0, dstb1, valb, sems):
    srcbs, dstbs = (srcb0, srcb1), (dstb0, dstb1)
    ebase = wid * E_PER_W

    def issue(i):
        k = i % 2
        off = pl.multiple_of(ebase + i * ECHUNK, 8)
        offd = pl.multiple_of(N_EDGES + ebase + i * ECHUNK, 8)
        ds = pltpu.async_copy(edges.at[pl.ds(off, ECHUNK)], srcbs[k], sems[k])
        dd = pltpu.async_copy(edges.at[pl.ds(offd, ECHUNK)], dstbs[k],
                              sems[2 + k])
        return ds, dd

    pend = issue(0)
    for i in range(NCHUNK):
        nxt = issue(i + 1) if i + 1 < NCHUNK else None
        pend[0].wait()
        pend[1].wait()
        k = i % 2
        pltpu.sync_copy(src_arr.at[srcbs[k]], valb)
        pltpu.sync_copy(valb, dst_arr.at[dstbs[k]], add=True)
        pend = nxt


@functools.partial(
    pl.kernel,
    out_type=[jax.ShapeDtypeStruct((NPAD,), jnp.float32),
              jax.ShapeDtypeStruct((NPAD,), jnp.float32)],
    mesh=_mesh2,
    compiler_params=_params,
    scratch_types=_EDGE_SCRATCH + [
        pltpu.VMEM((PPAD,), jnp.int32),
        pltpu.VMEM((PPAD,), jnp.float32),
        pltpu.VMEM_SHARED((NPAD,), jnp.float32),
        pltpu.VMEM_SHARED((NPAD,), jnp.float32),
    ],
)
def _sc_round1(posi, edges, zeros, outA, outB,
               srcb0, srcb1, dstb0, dstb1, valb, mb1, mb2,
               sem0, sem1, sem2, sem3, pidx, pval, P, S1):
    c = lax.axis_index("c")
    s = lax.axis_index("s")
    wid = s * NC + c
    nslc = pl.ds(s * NODE_PER_TILE, NODE_PER_TILE)

    pltpu.sync_copy(zeros.at[nslc], P.at[nslc])
    pltpu.sync_copy(zeros.at[nslc], S1.at[nslc])

    @pl.when(s == 0)
    def _():
        pltpu.sync_copy(posi, pidx)

        def fill(j, cc):
            off = pl.multiple_of(j * L, L)
            pos = j * L + lax.iota(jnp.int32, L)
            pval[pl.ds(off, L)] = jnp.where(pos < N_POS, 1.0, 0.0)
            return cc

        lax.fori_loop(0, PPAD // L, fill, 0)
        pltpu.sync_copy(pval, P.at[pidx], add=True)

    plsc.subcore_barrier()

    _edge_round(edges, P, S1, wid, srcb0, srcb1, dstb0, dstb1, valb,
                (sem0, sem1, sem2, sem3))
    plsc.subcore_barrier()

    pltpu.sync_copy(S1.at[nslc], mb1)

    @pl.when(c == 0)
    def _():
        pltpu.sync_copy(P.at[nslc], mb2)

        def addb(j, cc):
            off = pl.multiple_of(j * L, L)
            mb1[pl.ds(off, L)] = mb1[pl.ds(off, L)] + mb2[pl.ds(off, L)]
            return cc

        lax.fori_loop(0, NODE_PER_TILE // L, addb, 0)
        pltpu.sync_copy(mb1, outA.at[nslc])

    @pl.when(c == 1)
    def _():
        pltpu.sync_copy(mb1, outB.at[nslc])


@functools.partial(
    pl.kernel,
    out_type=[jax.ShapeDtypeStruct((NPAD,), jnp.float32),
              jax.ShapeDtypeStruct((NPAD,), jnp.float32),
              jax.ShapeDtypeStruct((NPAD,), jnp.float32),
              jax.ShapeDtypeStruct((UPAD,), jnp.float32)],
    mesh=_mesh2,
    compiler_params=_params,
    scratch_types=_EDGE_SCRATCH + [
        pltpu.VMEM((U_PER_W,), jnp.int32),
        pltpu.VMEM((U_PER_W,), jnp.float32),
        pltpu.SemaphoreType.DMA,
        pltpu.VMEM_SHARED((NPAD,), jnp.float32),
        pltpu.VMEM_SHARED((NPAD,), jnp.float32),
    ],
)
def _sc_round2(edges, a, b, zeros, ypred, unli, outS1G, outS2A, outS2B, outY,
               srcb0, srcb1, dstb0, dstb1, valb, mb1, mb2,
               sem0, sem1, sem2, sem3, uidx2, yub2, semy, S1G, S2):
    c = lax.axis_index("c")
    s = lax.axis_index("s")
    wid = s * NC + c
    nslc = pl.ds(s * NODE_PER_TILE, NODE_PER_TILE)

    ub32 = wid * U_PER_W
    pltpu.sync_copy(unli.at[pl.ds(ub32, U_PER_W)], uidx2)
    ydesc = pltpu.async_copy(ypred.at[uidx2], yub2, semy)

    pltpu.sync_copy(zeros.at[nslc], S2.at[nslc])

    pltpu.sync_copy(a.at[nslc], mb1)
    pltpu.sync_copy(b.at[nslc], mb2)

    def addb(j, cc):
        off = pl.multiple_of(j * L, L)
        mb1[pl.ds(off, L)] = mb1[pl.ds(off, L)] + mb2[pl.ds(off, L)]
        return cc

    lax.fori_loop(0, NODE_PER_TILE // L, addb, 0)
    pltpu.sync_copy(mb1, S1G.at[nslc])

    @pl.when(c == 0)
    def _():
        pltpu.sync_copy(mb1, outS1G.at[nslc])

    plsc.subcore_barrier()

    _edge_round(edges, S1G, S2, wid, srcb0, srcb1, dstb0, dstb1, valb,
                (sem0, sem1, sem2, sem3))
    plsc.subcore_barrier()

    @pl.when(c == 0)
    def _():
        pltpu.sync_copy(S2.at[nslc], outS2A.at[nslc])

    @pl.when(c == 1)
    def _():
        pltpu.sync_copy(S2.at[nslc], outS2B.at[nslc])

    ydesc.wait()
    pltpu.sync_copy(yub2, outY.at[pl.ds(ub32, U_PER_W)])


@functools.partial(
    pl.kernel,
    out_type=jax.ShapeDtypeStruct((L,), jnp.float32),
    mesh=_mesh1,
    compiler_params=_params,
    scratch_types=[
        pltpu.VMEM((PPAD,), jnp.int32),
        pltpu.VMEM((PPAD,), jnp.float32),
        pltpu.VMEM((NODE_PER_TILE,), jnp.float32),
        pltpu.VMEM((NODE_PER_TILE,), jnp.float32),
        pltpu.VMEM((U_PER_TILE,), jnp.int32),
        pltpu.VMEM((U_PER_TILE,), jnp.float32),
        pltpu.VMEM((U_PER_TILE,), jnp.float32),
        pltpu.VMEM((4 * L,), jnp.float32),
        pltpu.VMEM((4 * L,), jnp.int32),
        pltpu.VMEM((8 * L,), jnp.float32),
        pltpu.VMEM((L,), jnp.float32),
        pltpu.VMEM_SHARED((NPAD,), jnp.float32),
        pltpu.VMEM_SHARED((8 * L,), jnp.float32),
    ],
)
def _sc_loss(ypred, posi, unli, s1g, s2a, s2b, yflat, zeros, out,
             pidx, pval, mb1, mb2, uidx, yub, fb, accb, aidx, redb, outb,
             REACH, SACC):
    w = lax.axis_index("s")
    z = jnp.zeros((L,), jnp.float32)
    nslc = pl.ds(w * NODE_PER_TILE, NODE_PER_TILE)

    pltpu.sync_copy(s1g.at[nslc], mb1)
    pltpu.sync_copy(s2a.at[nslc], mb2)

    def addb(j, cc):
        off = pl.multiple_of(j * L, L)
        mb1[pl.ds(off, L)] = mb1[pl.ds(off, L)] + mb2[pl.ds(off, L)]
        return cc

    lax.fori_loop(0, NODE_PER_TILE // L, addb, 0)
    pltpu.sync_copy(s2b.at[nslc], mb2)
    lax.fori_loop(0, NODE_PER_TILE // L, addb, 0)
    pltpu.sync_copy(mb1, REACH.at[nslc])

    @pl.when(w == 0)
    def _():
        pltpu.sync_copy(zeros.at[pl.ds(0, 8 * L)], SACC)

    plsc.subcore_barrier()

    ub = w * U_PER_TILE
    uslc = pl.ds(ub, U_PER_TILE)
    pltpu.sync_copy(unli.at[uslc], uidx)
    pltpu.sync_copy(yflat.at[uslc], yub)
    pltpu.sync_copy(REACH.at[uidx], fb)

    def lbody(j, carry):
        nc_, nl, fl = carry
        off = pl.multiple_of(j * L, L)
        gpos = ub + j * L + lax.iota(jnp.int32, L)
        valid = gpos < N_UNL
        y = yub[pl.ds(off, L)]
        near = (fb[pl.ds(off, L)] > 0.0) & valid
        far = valid & jnp.logical_not(near)
        nearf = jnp.where(near, 1.0, 0.0)
        farf = jnp.where(far, 1.0, 0.0)
        return (nc_ + nearf,
                nl + nearf * jnp.abs(y - PI_HAT),
                fl + farf * jnp.abs(y - PI_CHECK))

    nc_, nl, fl = lax.fori_loop(0, U_PER_TILE // L, lbody, (z, z, z))
    accb[pl.ds(0, L)] = nc_
    accb[pl.ds(L, L)] = nl
    accb[pl.ds(2 * L, L)] = fl
    accb[pl.ds(3 * L, L)] = z

    @pl.when(w == 0)
    def _():
        pltpu.sync_copy(posi, pidx)
        pltpu.sync_copy(ypred.at[pidx], pval)

        def pbody(j, carry):
            off = pl.multiple_of(j * L, L)
            pos = j * L + lax.iota(jnp.int32, L)
            vf = jnp.where(pos < N_POS, 1.0, 0.0)
            return carry + vf * jnp.abs(pval[pl.ds(off, L)] - 1.0)

        accb[pl.ds(3 * L, L)] = lax.fori_loop(0, PPAD // L, pbody, z)

    def ibody(j, cc):
        off = pl.multiple_of(j * L, L)
        aidx[pl.ds(off, L)] = j * L + lax.iota(jnp.int32, L)
        return cc

    lax.fori_loop(0, 4, ibody, 0)
    pltpu.sync_copy(accb, SACC.at[aidx], add=True)
    plsc.subcore_barrier()

    @pl.when(w == 0)
    def _():
        pltpu.sync_copy(SACC, redb)
        ncs = z + jnp.sum(redb[pl.ds(0, L)])
        nls = z + jnp.sum(redb[pl.ds(L, L)])
        fls = z + jnp.sum(redb[pl.ds(2 * L, L)])
        lls = z + jnp.sum(redb[pl.ds(3 * L, L)])
        loss = (2.0 * (PI_HAT + PI_CHECK) * lls * (1.0 / N_POS)
                + nls / jnp.maximum(ncs, 1.0)
                + fls / jnp.maximum(N_UNL - ncs, 1.0))
        outb[...] = loss
        pltpu.sync_copy(outb, out)


def kernel(y_pred, y_true, pos_idx, unlabeled_idx, edge_index):
    del y_true
    posp = jnp.zeros((PPAD,), jnp.int32).at[:N_POS].set(pos_idx)
    unlp = jnp.zeros((UPAD,), jnp.int32).at[:N_UNL].set(unlabeled_idx)
    zeros = jnp.zeros((NPAD,), jnp.float32)
    edges = edge_index.reshape(-1)
    a, b = _sc_round1(posp, edges, zeros)
    s1g, s2a, s2b, yflat = _sc_round2(edges, a, b, zeros, y_pred, unlp)
    out = _sc_loss(y_pred, posp, unlp, s1g, s2a, s2b, yflat, zeros)
    return out[0]

# --- scband reference (transcript-rebuilt; emitter-appended) ---
"""Pipeline reference for scband-distance-aware-puloss-23210003268196 (READ-ONLY COPY).

The authoritative reference and input builder live on the scoring server;
editing this copy changes nothing except your own understanding.
"""

import jax, jax.numpy as jnp
import numpy as np

PRIOR_POSITIVE = 0.5
DELTA = 2
N_NODES = 100000
N_EDGES = 3200000
N_POS = 5000
N_UNL = 95000


def shortest_path(edge_index, pos_idx, n_nodes):
    # Multi-source BFS distances from positive seeds, exact up to DELTA hops
    # (anything further stays at inf, which is correctly > DELTA for the mask).
    dist = jnp.full((n_nodes,), jnp.inf, dtype=jnp.float32)
    dist = dist.at[pos_idx].set(0.0)
    src = edge_index[0]
    dst = edge_index[1]
    for _ in range(DELTA):
        dist = dist.at[dst].min(dist[src] + 1.0)
    return dist


def setup_inputs(seed: int = 0) -> dict:
    key = jax.random.key(seed)
    k1, k2, k3, k4 = jax.random.split(key, 4)
    y_pred = jax.random.normal(k1, (N_NODES,), dtype=jnp.float32)
    y_true = jnp.ones((N_NODES,), dtype=jnp.float32)
    pos_idx = jax.random.randint(k2, (N_POS,), 0, N_NODES, dtype=jnp.int32)
    unlabeled_idx = jax.random.randint(k3, (N_UNL,), 0, N_NODES, dtype=jnp.int32)
    edge_index = jax.random.randint(k4, (2, N_EDGES), 0, N_NODES, dtype=jnp.int32)
    return {
        "y_pred": y_pred,
        "y_true": y_true,
        "pos_idx": pos_idx,
        "unlabeled_idx": unlabeled_idx,
        "edge_index": edge_index,
    }


def reference(y_pred, y_true, pos_idx, unlabeled_idx, edge_index):
    n_L = pos_idx.shape[0]
    dist = shortest_path(edge_index, pos_idx, y_pred.shape[0])
    du = dist[unlabeled_idx]
    near_mask = (du <= DELTA).astype(jnp.float32)
    far_mask = 1.0 - near_mask
    n_nearU = jnp.maximum(jnp.sum(near_mask), 1.0)
    n_farU = jnp.maximum(jnp.sum(far_mask), 1.0)
    pi_hat = PRIOR_POSITIVE * 1.2
    pi_check = PRIOR_POSITIVE * 0.8
    loss_L = jnp.sum(jnp.abs(y_pred[pos_idx] - 1.0)) / n_L
    yu = y_pred[unlabeled_idx]
    loss_nearU = jnp.sum(near_mask * jnp.abs(yu - pi_hat)) / n_nearU
    loss_farU = jnp.sum(far_mask * jnp.abs(yu - pi_check)) / n_farU
    return 2.0 * (pi_hat + pi_check) * loss_L + loss_nearU + loss_farU

if __name__ == "__main__":
    import jax
    _d = setup_inputs()
    print(jax.jit(kernel)(*tuple(_d.values())))

</pallas_src>

<mosaic_0001>
#map = affine_map<(d0, d1) -> (0)>
module attributes {stable_mosaic.version = 14 : i64} {
  func.func @_sc_round1(%arg0: i32, %arg1: i32, %arg2: memref<5008xi32, #tpu.memory_space<hbm>>, %arg3: memref<6400000xi32, #tpu.memory_space<hbm>>, %arg4: memref<102400xf32, #tpu.memory_space<hbm>>, %arg5: memref<102400xf32, #tpu.memory_space<hbm>>, %arg6: memref<102400xf32, #tpu.memory_space<hbm>>, %arg7: memref<10000xi32, #tpu.memory_space<vmem>>, %arg8: memref<10000xi32, #tpu.memory_space<vmem>>, %arg9: memref<10000xi32, #tpu.memory_space<vmem>>, %arg10: memref<10000xi32, #tpu.memory_space<vmem>>, %arg11: memref<10000xf32, #tpu.memory_space<vmem>>, %arg12: memref<6400xf32, #tpu.memory_space<vmem>>, %arg13: memref<6400xf32, #tpu.memory_space<vmem>>, %arg14: memref<!tpu.dma_semaphore, #tpu.memory_space<semaphore_mem>>, %arg15: memref<!tpu.dma_semaphore, #tpu.memory_space<semaphore_mem>>, %arg16: memref<!tpu.dma_semaphore, #tpu.memory_space<semaphore_mem>>, %arg17: memref<!tpu.dma_semaphore, #tpu.memory_space<semaphore_mem>>, %arg18: memref<5008xi32, #tpu.memory_space<vmem>>, %arg19: memref<5008xf32, #tpu.memory_space<vmem>>, %arg20: memref<102400xf32, #tpu.memory_space<vmem_shared>>, %arg21: memref<102400xf32, #tpu.memory_space<vmem_shared>>) attributes {dimension_semantics = [#tpu.dimension_semantics<core_parallel>, #tpu.dimension_semantics<subcore_parallel>], iteration_bounds = array<i64: 2, 16>, scalar_prefetch = 0 : i64, scratch_operands = 15 : i64, tpu.core_type = #tpu.core_type<sc_vector_subcore>, window_params = [{transform_indices = #map}, {transform_indices = #map}, {transform_indices = #map}, {transform_indices = #map}, {transform_indices = #map}]} {
    %mul3A = arith.constant 2 : i32
    %mul3A_0 = arith.muli %arg1, %mul3A : i32
    %add3A = arith.addi %mul3A_0, %arg0 : i32
    %mul3A_1 = arith.constant 6400 : i32
    %mul3A_2 = arith.muli %arg1, %mul3A_1 : i32
    "tpu.region"() ({
      %run_scoped3A = tpu.sem_alloc : memref<!tpu.dma_semaphore, #tpu.memory_space<semaphore_mem>>
      %dma_start3A_175 = tpu.memref_slice %arg20[%mul3A_2] : memref<102400xf32, #tpu.memory_space<vmem_shared>> -> memref<6400xf32, #tpu.memory_space<vmem_shared>>
      %dma_start3A_176 = tpu.memref_slice %arg4[%mul3A_2] : memref<102400xf32, #tpu.memory_space<hbm>> -> memref<6400xf32, #tpu.memory_space<hbm>>
      tpu.enqueue_dma source(%dma_start3A_176 : memref<6400xf32, #tpu.memory_space<hbm>>) target(%dma_start3A_175 : memref<6400xf32, #tpu.memory_space<vmem_shared>>) target_semaphore(%run_scoped3A : memref<!tpu.dma_semaphore, #tpu.memory_space<semaphore_mem>>)
      %dma_wait3A_177 = tpu.memref_slice %arg20[%mul3A_2] : memref<102400xf32, #tpu.memory_space<vmem_shared>> -> memref<6400xf32, #tpu.memory_space<vmem_shared>>
      %dma_wait3A_178 = tpu.memref_slice %arg4[%mul3A_2] : memref<102400xf32, #tpu.memory_space<hbm>> -> memref<6400xf32, #tpu.memory_space<hbm>>
      tpu.wait_dma2 semaphore(%run_scoped3A : memref<!tpu.dma_semaphore, #tpu.memory_space<semaphore_mem>>) src(%dma_wait3A_178 : memref<6400xf32, #tpu.memory_space<hbm>>) dst(%dma_wait3A_177 : memref<6400xf32, #tpu.memory_space<vmem_shared>>)
      tpu.yield
    }) : () -> ()
    "tpu.region"() ({
      %run_scoped3A = tpu.sem_alloc : memref<!tpu.dma_semaphore, #tpu.memory_space<semaphore_mem>>
      %dma_start3A_175 = tpu.memref_slice %arg21[%mul3A_2] : memref<102400xf32, #tpu.memory_space<vmem_shared>> -> memref<6400xf32, #tpu.memory_space<vmem_shared>>
      %dma_start3A_176 = tpu.memref_slice %arg4[%mul3A_2] : memref<102400xf32, #tpu.memory_space<hbm>> -> memref<6400xf32, #tpu.memory_space<hbm>>
      tpu.enqueue_dma source(%dma_start3A_176 : memref<6400xf32, #tpu.memory_space<hbm>>) target(%dma_start3A_175 : memref<6400xf32, #tpu.memory_space<vmem_shared>>) target_semaphore(%run_scoped3A : memref<!tpu.dma_semaphore, #tpu.memory_space<semaphore_mem>>)
      %dma_wait3A_177 = tpu.memref_slice %arg21[%mul3A_2] : memref<102400xf32, #tpu.memory_space<vmem_shared>> -> memref<6400xf32, #tpu.memory_space<vmem_shared>>
      %dma_wait3A_178 = tpu.memref_slice %arg4[%mul3A_2] : memref<102400xf32, #tpu.memory_space<hbm>> -> memref<6400xf32, #tpu.memory_space<hbm>>
      tpu.wait_dma2 semaphore(%run_scoped3A : memref<!tpu.dma_semaphore, #tpu.memory_space<semaphore_mem>>) src(%dma_wait3A_178 : memref<6400xf32, #tpu.memory_space<hbm>>) dst(%dma_wait3A_177 : memref<6400xf32, #tpu.memory_space<vmem_shared>>)
      tpu.yield
    }) : () -> ()
    %eq3A = arith.constant 0 : i32
    %eq3A_3 = arith.cmpi eq, %arg1, %eq3A : i32
    %convert_element_type3A = arith.extui %eq3A_3 : i1 to i32
    %cond3A = arith.constant 0 : i32
    %cond3A_4 = arith.cmpi ne, %convert_element_type3A, %cond3A : i32
    scf.if %cond3A_4 {
      "tpu.region"() ({
        %run_scoped3A = tpu.sem_alloc : memref<!tpu.dma_semaphore, #tpu.memory_space<semaphore_mem>>
        tpu.enqueue_dma source(%arg2 : memref<5008xi32, #tpu.memory_space<hbm>>) target(%arg18 : memref<5008xi32, #tpu.memory_space<vmem>>) target_semaphore(%run_scoped3A : memref<!tpu.dma_semaphore, #tpu.memory_space<semaphore_mem>>)
        tpu.wait_dma2 semaphore(%run_scoped3A : memref<!tpu.dma_semaphore, #tpu.memory_space<semaphore_mem>>) src(%arg2 : memref<5008xi32, #tpu.memory_space<hbm>>) dst(%arg18 : memref<5008xi32, #tpu.memory_space<vmem>>)
        tpu.yield
      }) : () -> ()
      %scan3A = arith.constant 0 : i32
      %scan3A_175 = arith.constant 0 : i32
      %scan3A_176 = arith.constant 313 : i32
      %scan3A_177 = arith.addi %scan3A_175, %scan3A_176 : i32
      %scan3A_178 = arith.constant 1 : i32
      scf.for %scan3A_180 = %scan3A_175 to %scan3A_177 step %scan3A_178  : i32 {
        %mul3A_181 = arith.constant 16 : i32
        %mul3A_182 = arith.muli %scan3A_180, %mul3A_181 : i32
        %multiple_of3A_183 = tpu.assume_multiple %mul3A_182, 16 : i32
        %mul3A_184 = arith.constant 16 : i32
        %mul3A_185 = arith.muli %scan3A_180, %mul3A_184 : i32
        %iota3A = tpu.iota {dimensions = array<i32: 0>} : vector<16xi32>
        %add3A_186 = vector.broadcast %mul3A_185 : i32 to vector<16xi32>
        %add3A_187 = arith.addi %add3A_186, %iota3A : vector<16xi32>
        %lt3A = arith.constant 5000 : i32
        %lt3A_188 = vector.broadcast %lt3A : i32 to vector<16xi32>
        %lt3A_189 = arith.cmpi slt, %add3A_187, %lt3A_188 : vector<16xi32>
        %jit3A = arith.constant 1.000000e+00 : f32
        %jit3A_190 = arith.constant 0.000000e+00 : f32
        %broadcast_in_dim3A = vector.broadcast %jit3A : f32 to vector<16xf32>
        %broadcast_in_dim3A_191 = vector.broadcast %jit3A_190 : f32 to vector<16xf32>
        %select_n3A = arith.select %lt3A_189, %broadcast_in_dim3A, %broadcast_in_dim3A_191 : vector<16xi1>, vector<16xf32>
        %swap3A = arith.index_cast %multiple_of3A_183 : i32 to index
        %swap3A_192 = tpu.vector_load %arg19[%swap3A] {strides = array<i32>} : memref<5008xf32, #tpu.memory_space<vmem>>, vector<16xf32>,
        tpu.vector_store %arg19[%swap3A], %select_n3A {strides = array<i32>} : memref<5008xf32, #tpu.memory_space<vmem>>, vector<16xf32>,
      }
      %scan3A_179 = arith.constant 313 : i32
      "tpu.region"() ({
        %run_scoped3A = tpu.sem_alloc : memref<!tpu.dma_semaphore, #tpu.memory_space<semaphore_mem>>
        %dma_start3A_180 = arith.constant 0 : i32
        %dma_start3A_181 = tpu.memref_slice %arg20[%dma_start3A_180] : memref<102400xf32, #tpu.memory_space<vmem_shared>> -> memref<102400xf32, #tpu.memory_space<vmem_shared>>
        tpu.enqueue_indirect_dma source(%arg19 : memref<5008xf32, #tpu.memory_space<vmem>>) target(%dma_start3A_181 : memref<102400xf32, #tpu.memory_space<vmem_shared>>) offsets(%arg18 : memref<5008xi32, #tpu.memory_space<vmem>>) semaphore(%run_scoped3A : memref<!tpu.dma_semaphore, #tpu.memory_space<semaphore_mem>>) {add = true}
        %dma_wait3A_182 = arith.constant 0 : i32
        %dma_wait3A_183 = tpu.memref_slice %arg20[%dma_wait3A_182] : memref<102400xf32, #tpu.memory_space<vmem_shared>> -> memref<102400xf32, #tpu.memory_space<vmem_shared>>
        tpu.wait_indirect_dma semaphore(%run_scoped3A : memref<!tpu.dma_semaphore, #tpu.memory_space<semaphore_mem>>) src(%arg19 : memref<5008xf32, #tpu.memory_space<vmem>>) dst(%dma_wait3A_183 : memref<102400xf32, #tpu.memory_space<vmem_shared>>)
        tpu.yield
      }) : () -> ()
    } else {
    }
    %barrier3A = arith.constant 0 : index
    tpu.barrier barrier_id(%barrier3A)
    %mul3A_5 = arith.constant 100000 : i32
    %mul3A_6 = arith.muli %add3A, %mul3A_5 : i32
    %add3A_7 = arith.constant 0 : i32
    %add3A_8 = arith.addi %mul3A_6, %add3A_7 : i32
    %multiple_of3A = tpu.assume_multiple %add3A_8, 8 : i32
    %add3A_9 = arith.constant 3200000 : i32
    %add3A_10 = arith.addi %add3A_9, %mul3A_6 : i32
    %add3A_11 = arith.constant 0 : i32
    %add3A_12 = arith.addi %add3A_10, %add3A_11 : i32
    %multiple_of3A_13 = tpu.assume_multiple %add3A_12, 8 : i32
    %dma_start3A = tpu.memref_slice %arg3[%multiple_of3A] : memref<6400000xi32, #tpu.memory_space<hbm>> -> memref<10000xi32, #tpu.memory_space<hbm>>
    %dma_start3A_14 = tpu.memref_slice %arg3[%multiple_of3A] : memref<6400000xi32, #tpu.memory_space<hbm>> -> memref<10000xi32, #tpu.memory_space<hbm>>
    tpu.enqueue_dma source(%dma_start3A_14 : memref<10000xi32, #tpu.memory_space<hbm>>) target(%arg7 : memref<10000xi32, #tpu.memory_space<vmem>>) target_semaphore(%arg14 : memref<!tpu.dma_semaphore, #tpu.memory_space<semaphore_mem>>)
    %dma_start3A_15 = tpu.memref_slice %arg3[%multiple_of3A_13] : memref<6400000xi32, #tpu.memory_space<hbm>> -> memref<10000xi32, #tpu.memory_space<hbm>>
    %dma_start3A_16 = tpu.memref_slice %arg3[%multiple_of3A_13] : memref<6400000xi32, #tpu.memory_space<hbm>> -> memref<10000xi32, #tpu.memory_space<hbm>>
    tpu.enqueue_dma source(%dma_start3A_16 : memref<10000xi32, #tpu.memory_space<hbm>>) target(%arg9 : memref<10000xi32, #tpu.memory_space<vmem>>) target_semaphore(%arg16 : memref<!tpu.dma_semaphore, #tpu.memory_space<semaphore_mem>>)
    %add3A_17 = arith.constant 10000 : i32
    %add3A_18 = arith.addi %mul3A_6, %add3A_17 : i32
    %multiple_of3A_19 = tpu.assume_multiple %add3A_18, 8 : i32
    %add3A_20 = arith.constant 3200000 : i32
    %add3A_21 = arith.addi %add3A_20, %mul3A_6 : i32
    %add3A_22 = arith.constant 10000 : i32
    %add3A_23 = arith.addi %add3A_21, %add3A_22 : i32
    %multiple_of3A_24 = tpu.assume_multiple %add3A_23, 8 : i32
    %dma_start3A_25 = tpu.memref_slice %arg3[%multiple_of3A_19] : memref<6400000xi32, #tpu.memory_space<hbm>> -> memref<10000xi32, #tpu.memory_space<hbm>>
    %dma_start3A_26 = tpu.memref_slice %arg3[%multiple_of3A_19] : memref<6400000xi32, #tpu.memory_space<hbm>> -> memref<10000xi32, #tpu.memory_space<hbm>>
    tpu.enqueue_dma source(%dma_start3A_26 : memref<10000xi32, #tpu.memory_space<hbm>>) target(%arg8 : memref<10000xi32, #tpu.memory_space<vmem>>) target_semaphore(%arg15 : memref<!tpu.dma_semaphore, #tpu.memory_space<semaphore_mem>>)
    %dma_start3A_27 = tpu.memref_slice %arg3[%multiple_of3A_24] : memref<6400000xi32, #tpu.memory_space<hbm>> -> memref<10000xi32, #tpu.memory_space<hbm>>
    %dma_start3A_28 = tpu.memref_slice %arg3[%multiple_of3A_24] : memref<6400000xi32, #tpu.memory_space<hbm>> -> memref<10000xi32, #tpu.memory_space<hbm>>
    tpu.enqueue_dma source(%dma_start3A_28 : memref<10000xi32, #tpu.memory_space<hbm>>) target(%arg10 : memref<10000xi32, #tpu.memory_space<vmem>>) target_semaphore(%arg17 : memref<!tpu.dma_semaphore, #tpu.memory_space<semaphore_mem>>)
    %dma_wait3A = tpu.memref_slice %arg3[%multiple_of3A] : memref<6400000xi32, #tpu.memory_space<hbm>> -> memref<10000xi32, #tpu.memory_space<hbm>>
    %dma_wait3A_29 = tpu.memref_slice %arg3[%multiple_of3A] : memref<6400000xi32, #tpu.memory_space<hbm>> -> memref<10000xi32, #tpu.memory_space<hbm>>
    tpu.wait_dma2 semaphore(%arg14 : memref<!tpu.dma_semaphore, #tpu.memory_space<semaphore_mem>>) src(%dma_wait3A_29 : memref<10000xi32, #tpu.memory_space<hbm>>) dst(%arg7 : memref<10000xi32, #tpu.memory_space<vmem>>)
    %dma_wait3A_30 = tpu.memref_slice %arg3[%multiple_of3A_13] : memref<6400000xi32, #tpu.memory_space<hbm>> -> memref<10000xi32, #tpu.memory_space<hbm>>
    %dma_wait3A_31 = tpu.memref_slice %arg3[%multiple_of3A_13] : memref<6400000xi32, #tpu.memory_space<hbm>> -> memref<10000xi32, #tpu.memory_space<hbm>>
    tpu.wait_dma2 semaphore(%arg16 : memref<!tpu.dma_semaphore, #tpu.memory_space<semaphore_mem>>) src(%dma_wait3A_31 : memref<10000xi32, #tpu.memory_space<hbm>>) dst(%arg9 : memref<10000xi32, #tpu.memory_space<vmem>>)
    "tpu.region"() ({
      %run_scoped3A = tpu.sem_alloc : memref<!tpu.dma_semaphore, #tpu.memory_space<semaphore_mem>>
      %dma_start3A_175 = arith.constant 0 : i32
      %dma_start3A_176 = tpu.memref_slice %arg20[%dma_start3A_175] : memref<102400xf32, #tpu.memory_space<vmem_shared>> -> memref<102400xf32, #tpu.memory_space<vmem_shared>>
      tpu.enqueue_indirect_dma source(%dma_start3A_176 : memref<102400xf32, #tpu.memory_space<vmem_shared>>) target(%arg11 : memref<10000xf32, #tpu.memory_space<vmem>>) offsets(%arg7 : memref<10000xi32, #tpu.memory_space<vmem>>) semaphore(%run_scoped3A : memref<!tpu.dma_semaphore, #tpu.memory_space<semaphore_mem>>)
      %dma_wait3A_177 = arith.constant 0 : i32
      %dma_wait3A_178 = tpu.memref_slice %arg20[%dma_wait3A_177] : memref<102400xf32, #tpu.memory_space<vmem_shared>> -> memref<102400xf32, #tpu.memory_space<vmem_shared>>
      tpu.wait_indirect_dma semaphore(%run_scoped3A : memref<!tpu.dma_semaphore, #tpu.memory_space<semaphore_mem>>) src(%dma_wait3A_178 : memref<102400xf32, #tpu.memory_space<vmem_shared>>) dst(%arg11 : memref<10000xf32, #tpu.memory_space<vmem>>)
      tpu.yield
    }) : () -> ()
    "tpu.region"() ({
      %run_scoped3A = tpu.sem_alloc : memref<!tpu.dma_semaphore, #tpu.memory_space<semaphore_mem>>
      %dma_start3A_175 = arith.constant 0 : i32
      %dma_start3A_176 = tpu.memref_slice %arg21[%dma_start3A_175] : memref<102400xf32, #tpu.memory_space<vmem_shared>> -> memref<102400xf32, #tpu.memory_space<vmem_shared>>
      tpu.enqueue_indirect_dma source(%arg11 : memref<10000xf32, #tpu.memory_space<vmem>>) target(%dma_start3A_176 : memref<102400xf32, #tpu.memory_space<vmem_shared>>) offsets(%arg9 : memref<10000xi32, #tpu.memory_space<vmem>>) semaphore(%run_scoped3A : memref<!tpu.dma_semaphore, #tpu.memory_space<semaphore_mem>>) {add = true}
      %dma_wait3A_177 = arith.constant 0 : i32
      %dma_wait3A_178 = tpu.memref_slice %arg21[%dma_wait3A_177] : memref<102400xf32, #tpu.memory_space<vmem_shared>> -> memref<102400xf32, #tpu.memory_space<vmem_shared>>
      tpu.wait_indirect_dma semaphore(%run_scoped3A : memref<!tpu.dma_semaphore, #tpu.memory_space<semaphore_mem>>) src(%arg11 : memref<10000xf32, #tpu.memory_space<vmem>>) dst(%dma_wait3A_178 : memref<102400xf32, #tpu.memory_space<vmem_shared>>)
      tpu.yield
    }) : () -> ()
    %add3A_32 = arith.constant 20000 : i32
    %add3A_33 = arith.addi %mul3A_6, %add3A_32 : i32
    %multiple_of3A_34 = tpu.assume_multiple %add3A_33, 8 : i32
    %add3A_35 = arith.constant 3200000 : i32
    %add3A_36 = arith.addi %add3A_35, %mul3A_6 : i32
    %add3A_37 = arith.constant 20000 : i32
    %add3A_38 = arith.addi %add3A_36, %add3A_37 : i32
    %multiple_of3A_39 = tpu.assume_multiple %add3A_38, 8 : i32
    %dma_start3A_40 = tpu.memref_slice %arg3[%multiple_of3A_34] : memref<6400000xi32, #tpu.memory_space<hbm>> -> memref<10000xi32, #tpu.memory_space<hbm>>
    %dma_start3A_41 = tpu.memref_slice %arg3[%multiple_of3A_34] : memref<6400000xi32, #tpu.memory_space<hbm>> -> memref<10000xi32, #tpu.memory_space<hbm>>
    tpu.enqueue_dma source(%dma_start3A_41 : memref<10000xi32, #tpu.memory_space<hbm>>) target(%arg7 : memref<10000xi32, #tpu.memory_space<vmem>>) target_semaphore(%arg14 : memref<!tpu.dma_semaphore, #tpu.memory_space<semaphore_mem>>)
    %dma_start3A_42 = tpu.memref_slice %arg3[%multiple_of3A_39] : memref<6400000xi32, #tpu.memory_space<hbm>> -> memref<10000xi32, #tpu.memory_space<hbm>>
    %dma_start3A_43 = tpu.memref_slice %arg3[%multiple_of3A_39] : memref<6400000xi32, #tpu.memory_space<hbm>> -> memref<10000xi32, #tpu.memory_space<hbm>>
    tpu.enqueue_dma source(%dma_start3A_43 : memref<10000xi32, #tpu.memory_space<hbm>>) target(%arg9 : memref<10000xi32, #tpu.memory_space<vmem>>) target_semaphore(%arg16 : memref<!tpu.dma_semaphore, #tpu.memory_space<semaphore_mem>>)
    %dma_wait3A_44 = tpu.memref_slice %arg3[%multiple_of3A_19] : memref<6400000xi32, #tpu.memory_space<hbm>> -> memref<10000xi32, #tpu.memory_space<hbm>>
    %dma_wait3A_45 = tpu.memref_slice %arg3[%multiple_of3A_19] : memref<6400000xi32, #tpu.memory_space<hbm>> -> memref<10000xi32, #tpu.memory_space<hbm>>
    tpu.wait_dma2 semaphore(%arg15 : memref<!tpu.dma_semaphore, #tpu.memory_space<semaphore_mem>>) src(%dma_wait3A_45 : memref<10000xi32, #tpu.memory_space<hbm>>) dst(%arg8 : memref<10000xi32, #tpu.memory_space<vmem>>)
    %dma_wait3A_46 = tpu.memref_slice %arg3[%multiple_of3A_24] : memref<6400000xi32, #tpu.memory_space<hbm>> -> memref<10000xi32, #tpu.memory_space<hbm>>
    %dma_wait3A_47 = tpu.memref_slice %arg3[%multiple_of3A_24] : memref<6400000xi32, #tpu.memory_space<hbm>> -> memref<10000xi32, #tpu.memory_space<hbm>>
    tpu.wait_dma2 semaphore(%arg17 : memref<!tpu.dma_semaphore, #tpu.memory_space<semaphore_mem>>) src(%dma_wait3A_47 : memref<10000xi32, #tpu.memory_space<hbm>>) dst(%arg10 : memref<10000xi32, #tpu.memory_space<vmem>>)
    "tpu.region"() ({
      %run_scoped3A = tpu.sem_alloc : memref<!tpu.dma_semaphore, #tpu.memory_space<semaphore_mem>>
      %dma_start3A_175 = arith.constant 0 : i32
      %dma_start3A_176 = tpu.memref_slice %arg20[%dma_start3A_175] : memref<102400xf32, #tpu.memory_space<vmem_shared>> -> memref<102400xf32, #tpu.memory_space<vmem_shared>>
      tpu.enqueue_indirect_dma source(%dma_start3A_176 : memref<102400xf32, #tpu.memory_space<vmem_shared>>) target(%arg11 : memref<10000xf32, #tpu.memory_space<vmem>>) offsets(%arg8 : memref<10000xi32, #tpu.memory_space<vmem>>) semaphore(%run_scoped3A : memref<!tpu.dma_semaphore, #tpu.memory_space<semaphore_mem>>)
      %dma_wait3A_177 = arith.constant 0 : i32
      %dma_wait3A_178 = tpu.memref_slice %arg20[%dma_wait3A_177] : memref<102400xf32, #tpu.memory_space<vmem_shared>> -> memref<102400xf32, #tpu.memory_space<vmem_shared>>
      tpu.wait_indirect_dma semaphore(%run_scoped3A : memref<!tpu.dma_semaphore, #tpu.memory_space<semaphore_mem>>) src(%dma_wait3A_178 : memref<102400xf32, #tpu.memory_space<vmem_shared>>) dst(%arg11 : memref<10000xf32, #tpu.memory_space<vmem>>)
      tpu.yield
    }) : () -> ()
    "tpu.region"() ({
      %run_scoped3A = tpu.sem_alloc : memref<!tpu.dma_semaphore, #tpu.memory_space<semaphore_mem>>
      %dma_start3A_175 = arith.constant 0 : i32
      %dma_start3A_176 = tpu.memref_slice %arg21[%dma_start3A_175] : memref<102400xf32, #tpu.memory_space<vmem_shared>> -> memref<102400xf32, #tpu.memory_space<vmem_shared>>
      tpu.enqueue_indirect_dma source(%arg11 : memref<10000xf32, #tpu.memory_space<vmem>>) target(%dma_start3A_176 : memref<102400xf32, #tpu.memory_space<vmem_shared>>) offsets(%arg10 : memref<10000xi32, #tpu.memory_space<vmem>>) semaphore(%run_scoped3A : memref<!tpu.dma_semaphore, #tpu.memory_space<semaphore_mem>>) {add = true}
      %dma_wait3A_177 = arith.constant 0 : i32
      %dma_wait3A_178 = tpu.memref_slice %arg21[%dma_wait3A_177] : memref<102400xf32, #tpu.memory_space<vmem_shared>> -> memref<102400xf32, #tpu.memory_space<vmem_shared>>
      tpu.wait_indirect_dma semaphore(%run_scoped3A : memref<!tpu.dma_semaphore, #tpu.memory_space<semaphore_mem>>) src(%arg11 : memref<10000xf32, #tpu.memory_space<vmem>>) dst(%dma_wait3A_178 : memref<102400xf32, #tpu.memory_space<vmem_shared>>)
      tpu.yield
    }) : () -> ()
    %add3A_48 = arith.constant 30000 : i32
    %add3A_49 = arith.addi %mul3A_6, %add3A_48 : i32
    %multiple_of3A_50 = tpu.assume_multiple %add3A_49, 8 : i32
    %add3A_51 = arith.constant 3200000 : i32
    %add3A_52 = arith.addi %add3A_51, %mul3A_6 : i32
    %add3A_53 = arith.constant 30000 : i32
    %add3A_54 = arith.addi %add3A_52, %add3A_53 : i32
    %multiple_of3A_55 = tpu.assume_multiple %add3A_54, 8 : i32
    %dma_start3A_56 = tpu.memref_slice %arg3[%multiple_of3A_50] : memref<6400000xi32, #tpu.memory_space<hbm>> -> memref<10000xi32, #tpu.memory_space<hbm>>
    %dma_start3A_57 = tpu.memref_slice %arg3[%multiple_of3A_50] : memref<6400000xi32, #tpu.memory_space<hbm>> -> memref<10000xi32, #tpu.memory_space<hbm>>
    tpu.enqueue_dma source(%dma_start3A_57 : memref<10000xi32, #tpu.memory_space<hbm>>) target(%arg8 : memref<10000xi32, #tpu.memory_space<vmem>>) target_semaphore(%arg15 : memref<!tpu.dma_semaphore, #tpu.memory_space<semaphore_mem>>)
    %dma_start3A_58 = tpu.memref_slice %arg3[%multiple_of3A_55] : memref<6400000xi32, #tpu.memory_space<hbm>> -> memref<10000xi32, #tpu.memory_space<hbm>>
    %dma_start3A_59 = tpu.memref_slice %arg3[%multiple_of3A_55] : memref<6400000xi32, #tpu.memory_space<hbm>> -> memref<10000xi32, #tpu.memory_space<hbm>>
    tpu.enqueue_dma source(%dma_start3A_59 : memref<10000xi32, #tpu.memory_space<hbm>>) target(%arg10 : memref<10000xi32, #tpu.memory_space<vmem>>) target_semaphore(%arg17 : memref<!tpu.dma_semaphore, #tpu.memory_space<semaphore_mem>>)
    %dma_wait3A_60 = tpu.memref_slice %arg3[%multiple_of3A_34] : memref<6400000xi32, #tpu.memory_space<hbm>> -> memref<10000xi32, #tpu.memory_space<hbm>>
    %dma_wait3A_61 = tpu.memref_slice %arg3[%multiple_of3A_34] : memref<6400000xi32, #tpu.memory_space<hbm>> -> memref<10000xi32, #tpu.memory_space<hbm>>
    tpu.wait_dma2 semaphore(%arg14 : memref<!tpu.dma_semaphore, #tpu.memory_space<semaphore_mem>>) src(%dma_wait3A_61 : memref<10000xi32, #tpu.memory_space<hbm>>) dst(%arg7 : memref<10000xi32, #tpu.memory_space<vmem>>)
    %dma_wait3A_62 = tpu.memref_slice %arg3[%multiple_of3A_39] : memref<6400000xi32, #tpu.memory_space<hbm>> -> memref<10000xi32, #tpu.memory_space<hbm>>
    %dma_wait3A_63 = tpu.memref_slice %arg3[%multiple_of3A_39] : memref<6400000xi32, #tpu.memory_space<hbm>> -> memref<10000xi32, #tpu.memory_space<hbm>>
    tpu.wait_dma2 semaphore(%arg16 : memref<!tpu.dma_semaphore, #tpu.memory_space<semaphore_mem>>) src(%dma_wait3A_63 : memref<10000xi32, #tpu.memory_space<hbm>>) dst(%arg9 : memref<10000xi32, #tpu.memory_space<vmem>>)
    "tpu.region"() ({
      %run_scoped3A = tpu.sem_alloc : memref<!tpu.dma_semaphore, #tpu.memory_space<semaphore_mem>>
      %dma_start3A_175 = arith.constant 0 : i32
      %dma_start3A_176 = tpu.memref_slice %arg20[%dma_start3A_175] : memref<102400xf32, #tpu.memory_space<vmem_shared>> -> memref<102400xf32, #tpu.memory_space<vmem_shared>>
      tpu.enqueue_indirect_dma source(%dma_start3A_176 : memref<102400xf32, #tpu.memory_space<vmem_shared>>) target(%arg11 : memref<10000xf32, #tpu.memory_space<vmem>>) offsets(%arg7 : memref<10000xi32, #tpu.memory_space<vmem>>) semaphore(%run_scoped3A : memref<!tpu.dma_semaphore, #tpu.memory_space<semaphore_mem>>)
      %dma_wait3A_177 = arith.constant 0 : i32
      %dma_wait3A_178 = tpu.memref_slice %arg20[%dma_wait3A_177] : memref<102400xf32, #tpu.memory_space<vmem_shared>> -> memref<102400xf32, #tpu.memory_space<vmem_shared>>
      tpu.wait_indirect_dma semaphore(%run_scoped3A : memref<!tpu.dma_semaphore, #tpu.memory_space<semaphore_mem>>) src(%dma_wait3A_178 : memref<102400xf32, #tpu.memory_space<vmem_shared>>) dst(%arg11 : memref<10000xf32, #tpu.memory_space<vmem>>)
      tpu.yield
    }) : () -> ()
    "tpu.region"() ({
      %run_scoped3A = tpu.sem_alloc : memref<!tpu.dma_semaphore, #tpu.memory_space<semaphore_mem>>
      %dma_start3A_175 = arith.constant 0 : i32
      %dma_start3A_176 = tpu.memref_slice %arg21[%dma_start3A_175] : memref<102400xf32, #tpu.memory_space<vmem_shared>> -> memref<102400xf32, #tpu.memory_space<vmem_shared>>
      tpu.enqueue_indirect_dma source(%arg11 : memref<10000xf32, #tpu.memory_space<vmem>>) target(%dma_start3A_176 : memref<102400xf32, #tpu.memory_space<vmem_shared>>) offsets(%arg9 : memref<10000xi32, #tpu.memory_space<vmem>>) semaphore(%run_scoped3A : memref<!tpu.dma_semaphore, #tpu.memory_space<semaphore_mem>>) {add = true}
      %dma_wait3A_177 = arith.constant 0 : i32
      %dma_wait3A_178 = tpu.memref_slice %arg21[%dma_wait3A_177] : memref<102400xf32, #tpu.memory_space<vmem_shared>> -> memref<102400xf32, #tpu.memory_space<vmem_shared>>
      tpu.wait_indirect_dma semaphore(%run_scoped3A : memref<!tpu.dma_semaphore, #tpu.memory_space<semaphore_mem>>) src(%arg11 : memref<10000xf32, #tpu.memory_space<vmem>>) dst(%dma_wait3A_178 : memref<102400xf32, #tpu.memory_space<vmem_shared>>)
      tpu.yield
    }) : () -> ()
    %add3A_64 = arith.constant 40000 : i32
    %add3A_65 = arith.addi %mul3A_6, %add3A_64 : i32
    %multiple_of3A_66 = tpu.assume_multiple %add3A_65, 8 : i32
    %add3A_67 = arith.constant 3200000 : i32
    %add3A_68 = arith.addi %add3A_67, %mul3A_6 : i32
    %add3A_69 = arith.constant 40000 : i32
    %add3A_70 = arith.addi %add3A_68, %add3A_69 : i32
    %multiple_of3A_71 = tpu.assume_multiple %add3A_70, 8 : i32
    %dma_start3A_72 = tpu.memref_slice %arg3[%multiple_of3A_66] : memref<6400000xi32, #tpu.memory_space<hbm>> -> memref<10000xi32, #tpu.memory_space<hbm>>
    %dma_start3A_73 = tpu.memref_slice %arg3[%multiple_of3A_66] : memref<6400000xi32, #tpu.memory_space<hbm>> -> memref<10000xi32, #tpu.memory_space<hbm>>
    tpu.enqueue_dma source(%dma_start3A_73 : memref<10000xi32, #tpu.memory_space<hbm>>) target(%arg7 : memref<10000xi32, #tpu.memory_space<vmem>>) target_semaphore(%arg14 : memref<!tpu.dma_semaphore, #tpu.memory_space<semaphore_mem>>)
    %dma_start3A_74 = tpu.memref_slice %arg3[%multiple_of3A_71] : memref<6400000xi32, #tpu.memory_space<hbm>> -> memref<10000xi32, #tpu.memory_space<hbm>>
    %dma_start3A_75 = tpu.memref_slice %arg3[%multiple_of3A_71] : memref<6400000xi32, #tpu.memory_space<hbm>> -> memref<10000xi32, #tpu.memory_space<hbm>>
    tpu.enqueue_dma source(%dma_start3A_75 : memref<10000xi32, #tpu.memory_space<hbm>>) target(%arg9 : memref<10000xi32, #tpu.memory_space<vmem>>) target_semaphore(%arg16 : memref<!tpu.dma_semaphore, #tpu.memory_space<semaphore_mem>>)
    %dma_wait3A_76 = tpu.memref_slice %arg3[%multiple_of3A_50] : memref<6400000xi32, #tpu.memory_space<hbm>> -> memref<10000xi32, #tpu.memory_space<hbm>>
    %dma_wait3A_77 = tpu.memref_slice %arg3[%multiple_of3A_50] : memref<6400000xi32, #tpu.memory_space<hbm>> -> memref<10000xi32, #tpu.memory_space<hbm>>
    tpu.wait_dma2 semaphore(%arg15 : memref<!tpu.dma_semaphore, #tpu.memory_space<semaphore_mem>>) src(%dma_wait3A_77 : memref<10000xi32, #tpu.memory_space<hbm>>) dst(%arg8 : memref<10000xi32, #tpu.memory_space<vmem>>)
    %dma_wait3A_78 = tpu.memref_slice %arg3[%multiple_of3A_55] : memref<6400000xi32, #tpu.memory_space<hbm>> -> memref<10000xi32, #tpu.memory_space<hbm>>
    %dma_wait3A_79 = tpu.memref_slice %arg3[%multiple_of3A_55] : memref<6400000xi32, #tpu.memory_space<hbm>> -> memref<10000xi32, #tpu.memory_space<hbm>>
    tpu.wait_dma2 semaphore(%arg17 : memref<!tpu.dma_semaphore, #tpu.memory_space<semaphore_mem>>) src(%dma_wait3A_79 : memref<10000xi32, #tpu.memory_space<hbm>>) dst(%arg10 : memref<10000xi32, #tpu.memory_space<vmem>>)
    "tpu.region"() ({
      %run_scoped3A = tpu.sem_alloc : memref<!tpu.dma_semaphore, #tpu.memory_space<semaphore_mem>>
      %dma_start3A_175 = arith.constant 0 : i32
      %dma_start3A_176 = tpu.memref_slice %arg20[%dma_start3A_175] : memref<102400xf32, #tpu.memory_space<vmem_shared>> -> memref<102400xf32, #tpu.memory_space<vmem_shared>>
      tpu.enqueue_indirect_dma source(%dma_start3A_176 : memref<102400xf32, #tpu.memory_space<vmem_shared>>) target(%arg11 : memref<10000xf32, #tpu.memory_space<vmem>>) offsets(%arg8 : memref<10000xi32, #tpu.memory_space<vmem>>) semaphore(%run_scoped3A : memref<!tpu.dma_semaphore, #tpu.memory_space<semaphore_mem>>)
      %dma_wait3A_177 = arith.constant 0 : i32
      %dma_wait3A_178 = tpu.memref_slice %arg20[%dma_wait3A_177] : memref<102400xf32, #tpu.memory_space<vmem_shared>> -> memref<102400xf32, #tpu.memory_space<vmem_shared>>
      tpu.wait_indirect_dma semaphore(%run_scoped3A : memref<!tpu.dma_semaphore, #tpu.memory_space<semaphore_mem>>) src(%dma_wait3A_178 : memref<102400xf32, #tpu.memory_space<vmem_shared>>) dst(%arg11 : memref<10000xf32, #tpu.memory_space<vmem>>)
      tpu.yield
    }) : () -> ()
    "tpu.region"() ({
      %run_scoped3A = tpu.sem_alloc : memref<!tpu.dma_semaphore, #tpu.memory_space<semaphore_mem>>
      %dma_start3A_175 = arith.constant 0 : i32
      %dma_start3A_176 = tpu.memref_slice %arg21[%dma_start3A_175] : memref<102400xf32, #tpu.memory_space<vmem_shared>> -> memref<102400xf32, #tpu.memory_space<vmem_shared>>
      tpu.enqueue_indirect_dma source(%arg11 : memref<10000xf32, #tpu.memory_space<vmem>>) target(%dma_start3A_176 : memref<102400xf32, #tpu.memory_space<vmem_shared>>) offsets(%arg10 : memref<10000xi32, #tpu.memory_space<vmem>>) semaphore(%run_scoped3A : memref<!tpu.dma_semaphore, #tpu.memory_space<semaphore_mem>>) {add = true}
      %dma_wait3A_177 = arith.constant 0 : i32
      %dma_wait3A_178 = tpu.memref_slice %arg21[%dma_wait3A_177] : memref<102400xf32, #tpu.memory_space<vmem_shared>> -> memref<102400xf32, #tpu.memory_space<vmem_shared>>
      tpu.wait_indirect_dma semaphore(%run_scoped3A : memref<!tpu.dma_semaphore, #tpu.memory_space<semaphore_mem>>) src(%arg11 : memref<10000xf32, #tpu.memory_space<vmem>>) dst(%dma_wait3A_178 : memref<102400xf32, #tpu.memory_space<vmem_shared>>)
      tpu.yield
    }) : () -> ()
    %add3A_80 = arith.constant 50000 : i32
    %add3A_81 = arith.addi %mul3A_6, %add3A_80 : i32
    %multiple_of3A_82 = tpu.assume_multiple %add3A_81, 8 : i32
    %add3A_83 = arith.constant 3200000 : i32
    %add3A_84 = arith.addi %add3A_83, %mul3A_6 : i32
    %add3A_85 = arith.constant 50000 : i32
    %add3A_86 = arith.addi %add3A_84, %add3A_85 : i32
    %multiple_of3A_87 = tpu.assume_multiple %add3A_86, 8 : i32
    %dma_start3A_88 = tpu.memref_slice %arg3[%multiple_of3A_82] : memref<6400000xi32, #tpu.memory_space<hbm>> -> memref<10000xi32, #tpu.memory_space<hbm>>
    %dma_start3A_89 = tpu.memref_slice %arg3[%multiple_of3A_82] : memref<6400000xi32, #tpu.memory_space<hbm>> -> memref<10000xi32, #tpu.memory_space<hbm>>
    tpu.enqueue_dma source(%dma_start3A_89 : memref<10000xi32, #tpu.memory_space<hbm>>) target(%arg8 : memref<10000xi32, #tpu.memory_space<vmem>>) target_semaphore(%arg15 : memref<!tpu.dma_semaphore, #tpu.memory_space<semaphore_mem>>)
    %dma_start3A_90 = tpu.memref_slice %arg3[%multiple_of3A_87] : memref<6400000xi32, #tpu.memory_space<hbm>> -> memref<10000xi32, #tpu.memory_space<hbm>>
    %dma_start3A_91 = tpu.memref_slice %arg3[%multiple_of3A_87] : memref<6400000xi32, #tpu.memory_space<hbm>> -> memref<10000xi32, #tpu.memory_space<hbm>>
    tpu.enqueue_dma source(%dma_start3A_91 : memref<10000xi32, #tpu.memory_space<hbm>>) target(%arg10 : memref<10000xi32, #tpu.memory_space<vmem>>) target_semaphore(%arg17 : memref<!tpu.dma_semaphore, #tpu.memory_space<semaphore_mem>>)
    %dma_wait3A_92 = tpu.memref_slice %arg3[%multiple_of3A_66] : memref<6400000xi32, #tpu.memory_space<hbm>> -> memref<10000xi32, #tpu.memory_space<hbm>>
    %dma_wait3A_93 = tpu.memref_slice %arg3[%multiple_of3A_66] : memref<6400000xi32, #tpu.memory_space<hbm>> -> memref<10000xi32, #tpu.memory_space<hbm>>
    tpu.wait_dma2 semaphore(%arg14 : memref<!tpu.dma_semaphore, #tpu.memory_space<semaphore_mem>>) src(%dma_wait3A_93 : memref<10000xi32, #tpu.memory_space<hbm>>) dst(%arg7 : memref<10000xi32, #tpu.memory_space<vmem>>)
    %dma_wait3A_94 = tpu.memref_slice %arg3[%multiple_of3A_71] : memref<6400000xi32, #tpu.memory_space<hbm>> -> memref<10000xi32, #tpu.memory_space<hbm>>
    %dma_wait3A_95 = tpu.memref_slice %arg3[%multiple_of3A_71] : memref<6400000xi32, #tpu.memory_space<hbm>> -> memref<10000xi32, #tpu.memory_space<hbm>>
    tpu.wait_dma2 semaphore(%arg16 : memref<!tpu.dma_semaphore, #tpu.memory_space<semaphore_mem>>) src(%dma_wait3A_95 : memref<10000xi32, #tpu.memory_space<hbm>>) dst(%arg9 : memref<10000xi32, #tpu.memory_space<vmem>>)
    "tpu.region"() ({
      %run_scoped3A = tpu.sem_alloc : memref<!tpu.dma_semaphore, #tpu.memory_space<semaphore_mem>>
      %dma_start3A_175 = arith.constant 0 : i32
      %dma_start3A_176 = tpu.memref_slice %arg20[%dma_start3A_175] : memref<102400xf32, #tpu.memory_space<vmem_shared>> -> memref<102400xf32, #tpu.memory_space<vmem_shared>>
      tpu.enqueue_indirect_dma source(%dma_start3A_176 : memref<102400xf32, #tpu.memory_space<vmem_shared>>) target(%arg11 : memref<10000xf32, #tpu.memory_space<vmem>>) offsets(%arg7 : memref<10000xi32, #tpu.memory_space<vmem>>) semaphore(%run_scoped3A : memref<!tpu.dma_semaphore, #tpu.memory_space<semaphore_mem>>)
      %dma_wait3A_177 = arith.constant 0 : i32
      %dma_wait3A_178 = tpu.memref_slice %arg20[%dma_wait3A_177] : memref<102400xf32, #tpu.memory_space<vmem_shared>> -> memref<102400xf32, #tpu.memory_space<vmem_shared>>
      tpu.wait_indirect_dma semaphore(%run_scoped3A : memref<!tpu.dma_semaphore, #tpu.memory_space<semaphore_mem>>) src(%dma_wait3A_178 : memref<102400xf32, #tpu.memory_space<vmem_shared>>) dst(%arg11 : memref<10000xf32, #tpu.memory_space<vmem>>)
      tpu.yield
    }) : () -> ()
    "tpu.region"() ({
      %run_scoped3A = tpu.sem_alloc : memref<!tpu.dma_semaphore, #tpu.memory_space<semaphore_mem>>
      %dma_start3A_175 = arith.constant 0 : i32
      %dma_start3A_176 = tpu.memref_slice %arg21[%dma_start3A_175] : memref<102400xf32, #tpu.memory_space<vmem_shared>> -> memref<102400xf32, #tpu.memory_space<vmem_shared>>
      tpu.enqueue_indirect_dma source(%arg11 : memref<10000xf32, #tpu.memory_space<vmem>>) target(%dma_start3A_176 : memref<102400xf32, #tpu.memory_space<vmem_shared>>) offsets(%arg9 : memref<10000xi32, #tpu.memory_space<vmem>>) semaphore(%run_scoped3A : memref<!tpu.dma_semaphore, #tpu.memory_space<semaphore_mem>>) {add = true}
      %dma_wait3A_177 = arith.constant 0 : i32
      %dma_wait3A_178 = tpu.memref_slice %arg21[%dma_wait3A_177] : memref<102400xf32, #tpu.memory_space<vmem_shared>> -> memref<102400xf32, #tpu.memory_space<vmem_shared>>
      tpu.wait_indirect_dma semaphore(%run_scoped3A : memref<!tpu.dma_semaphore, #tpu.memory_space<semaphore_mem>>) src(%arg11 : memref<10000xf32, #tpu.memory_space<vmem>>) dst(%dma_wait3A_178 : memref<102400xf32, #tpu.memory_space<vmem_shared>>)
      tpu.yield
    }) : () -> ()
    %add3A_96 = arith.constant 60000 : i32
    %add3A_97 = arith.addi %mul3A_6, %add3A_96 : i32
    %multiple_of3A_98 = tpu.assume_multiple %add3A_97, 8 : i32
    %add3A_99 = arith.constant 3200000 : i32
    %add3A_100 = arith.addi %add3A_99, %mul3A_6 : i32
    %add3A_101 = arith.constant 60000 : i32
    %add3A_102 = arith.addi %add3A_100, %add3A_101 : i32
    %multiple_of3A_103 = tpu.assume_multiple %add3A_102, 8 : i32
    %dma_start3A_104 = tpu.memref_slice %arg3[%multiple_of3A_98] : memref<6400000xi32, #tpu.memory_space<hbm>> -> memref<10000xi32, #tpu.memory_space<hbm>>
    %dma_start3A_105 = tpu.memref_slice %arg3[%multiple_of3A_98] : memref<6400000xi32, #tpu.memory_space<hbm>> -> memref<10000xi32, #tpu.memory_space<hbm>>
    tpu.enqueue_dma source(%dma_start3A_105 : memref<10000xi32, #tpu.memory_space<hbm>>) target(%arg7 : memref<10000xi32, #tpu.memory_space<vmem>>) target_semaphore(%arg14 : memref<!tpu.dma_semaphore, #tpu.memory_space<semaphore_mem>>)
    %dma_start3A_106 = tpu.memref_slice %arg3[%multiple_of3A_103] : memref<6400000xi32, #tpu.memory_space<hbm>> -> memref<10000xi32, #tpu.memory_space<hbm>>
    %dma_start3A_107 = tpu.memref_slice %arg3[%multiple_of3A_103] : memref<6400000xi32, #tpu.memory_space<hbm>> -> memref<10000xi32, #tpu.memory_space<hbm>>
    tpu.enqueue_dma source(%dma_start3A_107 : memref<10000xi32, #tpu.memory_space<hbm>>) target(%arg9 : memref<10000xi32, #tpu.memory_space<vmem>>) target_semaphore(%arg16 : memref<!tpu.dma_semaphore, #tpu.memory_space<semaphore_mem>>)
    %dma_wait3A_108 = tpu.memref_slice %arg3[%multiple_of3A_82] : memref<6400000xi32, #tpu.memory_space<hbm>> -> memref<10000xi32, #tpu.memory_space<hbm>>
    %dma_wait3A_109 = tpu.memref_slice %arg3[%multiple_of3A_82] : memref<6400000xi32, #tpu.memory_space<hbm>> -> memref<10000xi32, #tpu.memory_space<hbm>>
    tpu.wait_dma2 semaphore(%arg15 : memref<!tpu.dma_semaphore, #tpu.memory_space<semaphore_mem>>) src(%dma_wait3A_109 : memref<10000xi32, #tpu.memory_space<hbm>>) dst(%arg8 : memref<10000xi32, #tpu.memory_space<vmem>>)
    %dma_wait3A_110 = tpu.memref_slice %arg3[%multiple_of3A_87] : memref<6400000xi32, #tpu.memory_space<hbm>> -> memref<10000xi32, #tpu.memory_space<hbm>>
    %dma_wait3A_111 = tpu.memref_slice %arg3[%multiple_of3A_87] : memref<6400000xi32, #tpu.memory_space<hbm>> -> memref<10000xi32, #tpu.memory_space<hbm>>
    tpu.wait_dma2 semaphore(%arg17 : memref<!tpu.dma_semaphore, #tpu.memory_space<semaphore_mem>>) src(%dma_wait3A_111 : memref<10000xi32, #tpu.memory_space<hbm>>) dst(%arg10 : memref<10000xi32, #tpu.memory_space<vmem>>)
    "tpu.region"() ({
      %run_scoped3A = tpu.sem_alloc : memref<!tpu.dma_semaphore, #tpu.memory_space<semaphore_mem>>
      %dma_start3A_175 = arith.constant 0 : i32
      %dma_start3A_176 = tpu.memref_slice %arg20[%dma_start3A_175] : memref<102400xf32, #tpu.memory_space<vmem_shared>> -> memref<102400xf32, #tpu.memory_space<vmem_shared>>
      tpu.enqueue_indirect_dma source(%dma_start3A_176 : memref<102400xf32, #tpu.memory_space<vmem_shared>>) target(%arg11 : memref<10000xf32, #tpu.memory_space<vmem>>) offsets(%arg8 : memref<10000xi32, #tpu.memory_space<vmem>>) semaphore(%run_scoped3A : memref<!tpu.dma_semaphore, #tpu.memory_space<semaphore_mem>>)
      %dma_wait3A_177 = arith.constant 0 : i32
      %dma_wait3A_178 = tpu.memref_slice %arg20[%dma_wait3A_177] : memref<102400xf32, #tpu.memory_space<vmem_shared>> -> memref<102400xf32, #tpu.memory_space<vmem_shared>>
      tpu.wait_indirect_dma semaphore(%run_scoped3A : memref<!tpu.dma_semaphore, #tpu.memory_space<semaphore_mem>>) src(%dma_wait3A_178 : memref<102400xf32, #tpu.memory_space<vmem_shared>>) dst(%arg11 : memref<10000xf32, #tpu.memory_space<vmem>>)
      tpu.yield
    }) : () -> ()
    "tpu.region"() ({
      %run_scoped3A = tpu.sem_alloc : memref<!tpu.dma_semaphore, #tpu.memory_space<semaphore_mem>>
      %dma_start3A_175 = arith.constant 0 : i32
      %dma_start3A_176 = tpu.memref_slice %arg21[%dma_start3A_175] : memref<102400xf32, #tpu.memory_space<vmem_shared>> -> memref<102400xf32, #tpu.memory_space<vmem_shared>>
      tpu.enqueue_indirect_dma source(%arg11 : memref<10000xf32, #tpu.memory_space<vmem>>) target(%dma_start3A_176 : memref<102400xf32, #tpu.memory_space<vmem_shared>>) offsets(%arg10 : memref<10000xi32, #tpu.memory_space<vmem>>) semaphore(%run_scoped3A : memref<!tpu.dma_semaphore, #tpu.memory_space<semaphore_mem>>) {add = true}
      %dma_wait3A_177 = arith.constant 0 : i32
      %dma_wait3A_178 = tpu.memref_slice %arg21[%dma_wait3A_177] : memref<102400xf32, #tpu.memory_space<vmem_shared>> -> memref<102400xf32, #tpu.memory_space<vmem_shared>>
      tpu.wait_indirect_dma semaphore(%run_scoped3A : memref<!tpu.dma_semaphore, #tpu.memory_space<semaphore_mem>>) src(%arg11 : memref<10000xf32, #tpu.memory_space<vmem>>) dst(%dma_wait3A_178 : memref<102400xf32, #tpu.memory_space<vmem_shared>>)
      tpu.yield
    }) : () -> ()
    %add3A_112 = arith.constant 70000 : i32
    %add3A_113 = arith.addi %mul3A_6, %add3A_112 : i32
    %multiple_of3A_114 = tpu.assume_multiple %add3A_113, 8 : i32
    %add3A_115 = arith.constant 3200000 : i32
    %add3A_116 = arith.addi %add3A_115, %mul3A_6 : i32
    %add3A_117 = arith.constant 70000 : i32
    %add3A_118 = arith.addi %add3A_116, %add3A_117 : i32
    %multiple_of3A_119 = tpu.assume_multiple %add3A_118, 8 : i32
    %dma_start3A_120 = tpu.memref_slice %arg3[%multiple_of3A_114] : memref<6400000xi32, #tpu.memory_space<hbm>> -> memref<10000xi32, #tpu.memory_space<hbm>>
    %dma_start3A_121 = tpu.memref_slice %arg3[%multiple_of3A_114] : memref<6400000xi32, #tpu.memory_space<hbm>> -> memref<10000xi32, #tpu.memory_space<hbm>>
    tpu.enqueue_dma source(%dma_start3A_121 : memref<10000xi32, #tpu.memory_space<hbm>>) target(%arg8 : memref<10000xi32, #tpu.memory_space<vmem>>) target_semaphore(%arg15 : memref<!tpu.dma_semaphore, #tpu.memory_space<semaphore_mem>>)
    %dma_start3A_122 = tpu.memref_slice %arg3[%multiple_of3A_119] : memref<6400000xi32, #tpu.memory_space<hbm>> -> memref<10000xi32, #tpu.memory_space<hbm>>
    %dma_start3A_123 = tpu.memref_slice %arg3[%multiple_of3A_119] : memref<6400000xi32, #tpu.memory_space<hbm>> -> memref<10000xi32, #tpu.memory_space<hbm>>
    tpu.enqueue_dma source(%dma_start3A_123 : memref<10000xi32, #tpu.memory_space<hbm>>) target(%arg10 : memref<10000xi32, #tpu.memory_space<vmem>>) target_semaphore(%arg17 : memref<!tpu.dma_semaphore, #tpu.memory_space<semaphore_mem>>)
    %dma_wait3A_124 = tpu.memref_slice %arg3[%multiple_of3A_98] : memref<6400000xi32, #tpu.memory_space<hbm>> -> memref<10000xi32, #tpu.memory_space<hbm>>
    %dma_wait3A_125 = tpu.memref_slice %arg3[%multiple_of3A_98] : memref<6400000xi32, #tpu.memory_space<hbm>> -> memref<10000xi32, #tpu.memory_space<hbm>>
    tpu.wait_dma2 semaphore(%arg14 : memref<!tpu.dma_semaphore, #tpu.memory_space<semaphore_mem>>) src(%dma_wait3A_125 : memref<10000xi32, #tpu.memory_space<hbm>>) dst(%arg7 : memref<10000xi32, #tpu.memory_space<vmem>>)
    %dma_wait3A_126 = tpu.memref_slice %arg3[%multiple_of3A_103] : memref<6400000xi32, #tpu.memory_space<hbm>> -> memref<10000xi32, #tpu.memory_space<hbm>>
    %dma_wait3A_127 = tpu.memref_slice %arg3[%multiple_of3A_103] : memref<6400000xi32, #tpu.memory_space<hbm>> -> memref<10000xi32, #tpu.memory_space<hbm>>
    tpu.wait_dma2 semaphore(%arg16 : memref<!tpu.dma_semaphore, #tpu.memory_space<semaphore_mem>>) src(%dma_wait3A_127 : memref<10000xi32, #tpu.memory_space<hbm>>) dst(%arg9 : memref<10000xi32, #tpu.memory_space<vmem>>)
    "tpu.region"() ({
      %run_scoped3A = tpu.sem_alloc : memref<!tpu.dma_semaphore, #tpu.memory_space<semaphore_mem>>
      %dma_start3A_175 = arith.constant 0 : i32
      %dma_start3A_176 = tpu.memref_slice %arg20[%dma_start3A_175] : memref<102400xf32, #tpu.memory_space<vmem_shared>> -> memref<102400xf32, #tpu.memory_space<vmem_shared>>
      tpu.enqueue_indirect_dma source(%dma_start3A_176 : memref<102400xf32, #tpu.memory_space<vmem_shared>>) target(%arg11 : memref<10000xf32, #tpu.memory_space<vmem>>) offsets(%arg7 : memref<10000xi32, #tpu.memory_space<vmem>>) semaphore(%run_scoped3A : memref<!tpu.dma_semaphore, #tpu.memory_space<semaphore_mem>>)
      %dma_wait3A_177 = arith.constant 0 : i32
      %dma_wait3A_178 = tpu.memref_slice %arg20[%dma_wait3A_177] : memref<102400xf32, #tpu.memory_space<vmem_shared>> -> memref<102400xf32, #tpu.memory_space<vmem_shared>>
      tpu.wait_indirect_dma semaphore(%run_scoped3A : memref<!tpu.dma_semaphore, #tpu.memory_space<semaphore_mem>>) src(%dma_wait3A_178 : memref<102400xf32, #tpu.memory_space<vmem_shared>>) dst(%arg11 : memref<10000xf32, #tpu.memory_space<vmem>>)
      tpu.yield
    }) : () -> ()
    "tpu.region"() ({
      %run_scoped3A = tpu.sem_alloc : memref<!tpu.dma_semaphore, #tpu.memory_space<semaphore_mem>>
      %dma_start3A_175 = arith.constant 0 : i32
      %dma_start3A_176 = tpu.memref_slice %arg21[%dma_start3A_175] : memref<102400xf32, #tpu.memory_space<vmem_shared>> -> memref<102400xf32, #tpu.memory_space<vmem_shared>>
      tpu.enqueue_indirect_dma source(%arg11 : memref<10000xf32, #tpu.memory_space<vmem>>) target(%dma_start3A_176 : memref<102400xf32, #tpu.memory_space<vmem_shared>>) offsets(%arg9 : memref<10000xi32, #tpu.memory_space<vmem>>) semaphore(%run_scoped3A : memref<!tpu.dma_semaphore, #tpu.memory_space<semaphore_mem>>) {add = true}
      %dma_wait3A_177 = arith.constant 0 : i32
      %dma_wait3A_178 = tpu.memref_slice %arg21[%dma_wait3A_177] : memref<102400xf32, #tpu.memory_space<vmem_shared>> -> memref<102400xf32, #tpu.memory_space<vmem_shared>>
      tpu.wait_indirect_dma semaphore(%run_scoped3A : memref<!tpu.dma_semaphore, #tpu.memory_space<semaphore_mem>>) src(%arg11 : memref<10000xf32, #tpu.memory_space<vmem>>) dst(%dma_wait3A_178 : memref<102400xf32, #tpu.memory_space<vmem_shared>>)
      tpu.yield
    }) : () -> ()
    %add3A_128 = arith.constant 80000 : i32
    %add3A_129 = arith.addi %mul3A_6, %add3A_128 : i32
    %multiple_of3A_130 = tpu.assume_multiple %add3A_129, 8 : i32
    %add3A_131 = arith.constant 3200000 : i32
    %add3A_132 = arith.addi %add3A_131, %mul3A_6 : i32
    %add3A_133 = arith.constant 80000 : i32
    %add3A_134 = arith.addi %add3A_132, %add3A_133 : i32
    %multiple_of3A_135 = tpu.assume_multiple %add3A_134, 8 : i32
    %dma_start3A_136 = tpu.memref_slice %arg3[%multiple_of3A_130] : memref<6400000xi32, #tpu.memory_space<hbm>> -> memref<10000xi32, #tpu.memory_space<hbm>>
    %dma_start3A_137 = tpu.memref_slice %arg3[%multiple_of3A_130] : memref<6400000xi32, #tpu.memory_space<hbm>> -> memref<10000xi32, #tpu.memory_space<hbm>>
    tpu.enqueue_dma source(%dma_start3A_137 : memref<10000xi32, #tpu.memory_space<hbm>>) target(%arg7 : memref<10000xi32, #tpu.memory_space<vmem>>) target_semaphore(%arg14 : memref<!tpu.dma_semaphore, #tpu.memory_space<semaphore_mem>>)
    %dma_start3A_138 = tpu.memref_slice %arg3[%multiple_of3A_135] : memref<6400000xi32, #tpu.memory_space<hbm>> -> memref<10000xi32, #tpu.memory_space<hbm>>
    %dma_start3A_139 = tpu.memref_slice %arg3[%multiple_of3A_135] : memref<6400000xi32, #tpu.memory_space<hbm>> -> memref<10000xi32, #tpu.memory_space<hbm>>
    tpu.enqueue_dma source(%dma_start3A_139 : memref<10000xi32, #tpu.memory_space<hbm>>) target(%arg9 : memref<10000xi32, #tpu.memory_space<vmem>>) target_semaphore(%arg16 : memref<!tpu.dma_semaphore, #tpu.memory_space<semaphore_mem>>)
    %dma_wait3A_140 = tpu.memref_slice %arg3[%multiple_of3A_114] : memref<6400000xi32, #tpu.memory_space<hbm>> -> memref<10000xi32, #tpu.memory_space<hbm>>
    %dma_wait3A_141 = tpu.memref_slice %arg3[%multiple_of3A_114] : memref<6400000xi32, #tpu.memory_space<hbm>> -> memref<10000xi32, #tpu.memory_space<hbm>>
    tpu.wait_dma2 semaphore(%arg15 : memref<!tpu.dma_semaphore, #tpu.memory_space<semaphore_mem>>) src(%dma_wait3A_141 : memref<10000xi32, #tpu.memory_space<hbm>>) dst(%arg8 : memref<10000xi32, #tpu.memory_space<vmem>>)
    %dma_wait3A_142 = tpu.memref_slice %arg3[%multiple_of3A_119] : memref<6400000xi32, #tpu.memory_space<hbm>> -> memref<10000xi32, #tpu.memory_space<hbm>>
    %dma_wait3A_143 = tpu.memref_slice %arg3[%multiple_of3A_119] : memref<6400000xi32, #tpu.memory_space<hbm>> -> memref<10000xi32, #tpu.memory_space<hbm>>
    tpu.wait_dma2 semaphore(%arg17 : memref<!tpu.dma_semaphore, #tpu.memory_space<semaphore_mem>>) src(%dma_wait3A_143 : memref<10000xi32, #tpu.memory_space<hbm>>) dst(%arg10 : memref<10000xi32, #tpu.memory_space<vmem>>)
    "tpu.region"() ({
      %run_scoped3A = tpu.sem_alloc : memref<!tpu.dma_semaphore, #tpu.memory_space<semaphore_mem>>
      %dma_start3A_175 = arith.constant 0 : i32
      %dma_start3A_176 = tpu.memref_slice %arg20[%dma_start3A_175] : memref<102400xf32, #tpu.memory_space<vmem_shared>> -> memref<102400xf32, #tpu.memory_space<vmem_shared>>
      tpu.enqueue_indirect_dma source(%dma_start3A_176 : memref<102400xf32, #tpu.memory_space<vmem_shared>>) target(%arg11 : memref<10000xf32, #tpu.memory_space<vmem>>) offsets(%arg8 : memref<10000xi32, #tpu.memory_space<vmem>>) semaphore(%run_scoped3A : memref<!tpu.dma_semaphore, #tpu.memory_space<semaphore_mem>>)
      %dma_wait3A_177 = arith.constant 0 : i32
      %dma_wait3A_178 = tpu.memref_slice %arg20[%dma_wait3A_177] : memref<102400xf32, #tpu.memory_space<vmem_shared>> -> memref<102400xf32, #tpu.memory_space<vmem_shared>>
      tpu.wait_indirect_dma semaphore(%run_scoped3A : memref<!tpu.dma_semaphore, #tpu.memory_space<semaphore_mem>>) src(%dma_wait3A_178 : memref<102400xf32, #tpu.memory_space<vmem_shared>>) dst(%arg11 : memref<10000xf32, #tpu.memory_space<vmem>>)
      tpu.yield
    }) : () -> ()
    "tpu.region"() ({
      %run_scoped3A = tpu.sem_alloc : memref<!tpu.dma_semaphore, #tpu.memory_space<semaphore_mem>>
      %dma_start3A_175 = arith.constant 0 : i32
      %dma_start3A_176 = tpu.memref_slice %arg21[%dma_start3A_175] : memref<102400xf32, #tpu.memory_space<vmem_shared>> -> memref<102400xf32, #tpu.memory_space<vmem_shared>>
      tpu.enqueue_indirect_dma source(%arg11 : memref<10000xf32, #tpu.memory_space<vmem>>) target(%dma_start3A_176 : memref<102400xf32, #tpu.memory_space<vmem_shared>>) offsets(%arg10 : memref<10000xi32, #tpu.memory_space<vmem>>) semaphore(%run_scoped3A : memref<!tpu.dma_semaphore, #tpu.memory_space<semaphore_mem>>) {add = true}
      %dma_wait3A_177 = arith.constant 0 : i32
      %dma_wait3A_178 = tpu.memref_slice %arg21[%dma_wait3A_177] : memref<102400xf32, #tpu.memory_space<vmem_shared>> -> memref<102400xf32, #tpu.memory_space<vmem_shared>>
      tpu.wait_indirect_dma semaphore(%run_scoped3A : memref<!tpu.dma_semaphore, #tpu.memory_space<semaphore_mem>>) src(%arg11 : memref<10000xf32, #tpu.memory_space<vmem>>) dst(%dma_wait3A_178 : memref<102400xf32, #tpu.memory_space<vmem_shared>>)
      tpu.yield
    }) : () -> ()
    %add3A_144 = arith.constant 90000 : i32
    %add3A_145 = arith.addi %mul3A_6, %add3A_144 : i32
    %multiple_of3A_146 = tpu.assume_multiple %add3A_145, 8 : i32
    %add3A_147 = arith.constant 3200000 : i32
    %add3A_148 = arith.addi %add3A_147, %mul3A_6 : i32
    %add3A_149 = arith.constant 90000 : i32
    %add3A_150 = arith.addi %add3A_148, %add3A_149 : i32
    %multiple_of3A_151 = tpu.assume_multiple %add3A_150, 8 : i32
    %dma_start3A_152 = tpu.memref_slice %arg3[%multiple_of3A_146] : memref<6400000xi32, #tpu.memory_space<hbm>> -> memref<10000xi32, #tpu.memory_space<hbm>>
    %dma_start3A_153 = tpu.memref_slice %arg3[%multiple_of3A_146] : memref<6400000xi32, #tpu.memory_space<hbm>> -> memref<10000xi32, #tpu.memory_space<hbm>>
    tpu.enqueue_dma source(%dma_start3A_153 : memref<10000xi32, #tpu.memory_space<hbm>>) target(%arg8 : memref<10000xi32, #tpu.memory_space<vmem>>) target_semaphore(%arg15 : memref<!tpu.dma_semaphore, #tpu.memory_space<semaphore_mem>>)
    %dma_start3A_154 = tpu.memref_slice %arg3[%multiple_of3A_151] : memref<6400000xi32, #tpu.memory_space<hbm>> -> memref<10000xi32, #tpu.memory_space<hbm>>
    %dma_start3A_155 = tpu.memref_slice %arg3[%multiple_of3A_151] : memref<6400000xi32, #tpu.memory_space<hbm>> -> memref<10000xi32, #tpu.memory_space<hbm>>
    tpu.enqueue_dma source(%dma_start3A_155 : memref<10000xi32, #tpu.memory_space<hbm>>) target(%arg10 : memref<10000xi32, #tpu.memory_space<vmem>>) target_semaphore(%arg17 : memref<!tpu.dma_semaphore, #tpu.memory_space<semaphore_mem>>)
    %dma_wait3A_156 = tpu.memref_slice %arg3[%multiple_of3A_130] : memref<6400000xi32, #tpu.memory_space<hbm>> -> memref<10000xi32, #tpu.memory_space<hbm>>
    %dma_wait3A_157 = tpu.memref_slice %arg3[%multiple_of3A_130] : memref<6400000xi32, #tpu.memory_space<hbm>> -> memref<10000xi32, #tpu.memory_space<hbm>>
    tpu.wait_dma2 semaphore(%arg14 : memref<!tpu.dma_semaphore, #tpu.memory_space<semaphore_mem>>) src(%dma_wait3A_157 : memref<10000xi32, #tpu.memory_space<hbm>>) dst(%arg7 : memref<10000xi32, #tpu.memory_space<vmem>>)
    %dma_wait3A_158 = tpu.memref_slice %arg3[%multiple_of3A_135] : memref<6400000xi32, #tpu.memory_space<hbm>> -> memref<10000xi32, #tpu.memory_space<hbm>>
    %dma_wait3A_159 = tpu.memref_slice %arg3[%multiple_of3A_135] : memref<6400000xi32, #tpu.memory_space<hbm>> -> memref<10000xi32, #tpu.memory_space<hbm>>
    tpu.wait_dma2 semaphore(%arg16 : memref<!tpu.dma_semaphore, #tpu.memory_space<semaphore_mem>>) src(%dma_wait3A_159 : memref<10000xi32, #tpu.memory_space<hbm>>) dst(%arg9 : memref<10000xi32, #tpu.memory_space<vmem>>)
    "tpu.region"() ({
      %run_scoped3A = tpu.sem_alloc : memref<!tpu.dma_semaphore, #tpu.memory_space<semaphore_mem>>
      %dma_start3A_175 = arith.constant 0 : i32
      %dma_start3A_176 = tpu.memref_slice %arg20[%dma_start3A_175] : memref<102400xf32, #tpu.memory_space<vmem_shared>> -> memref<102400xf32, #tpu.memory_space<vmem_shared>>
      tpu.enqueue_indirect_dma source(%dma_start3A_176 : memref<102400xf32, #tpu.memory_space<vmem_shared>>) target(%arg11 : memref<10000xf32, #tpu.memory_space<vmem>>) offsets(%arg7 : memref<10000xi32, #tpu.memory_space<vmem>>) semaphore(%run_scoped3A : memref<!tpu.dma_semaphore, #tpu.memory_space<semaphore_mem>>)
      %dma_wait3A_177 = arith.constant 0 : i32
      %dma_wait3A_178 = tpu.memref_slice %arg20[%dma_wait3A_177] : memref<102400xf32, #tpu.memory_space<vmem_shared>> -> memref<102400xf32, #tpu.memory_space<vmem_shared>>
      tpu.wait_indirect_dma semaphore(%run_scoped3A : memref<!tpu.dma_semaphore, #tpu.memory_space<semaphore_mem>>) src(%dma_wait3A_178 : memref<102400xf32, #tpu.memory_space<vmem_shared>>) dst(%arg11 : memref<10000xf32, #tpu.memory_space<vmem>>)
      tpu.yield
    }) : () -> ()
    "tpu.region"() ({
      %run_scoped3A = tpu.sem_alloc : memref<!tpu.dma_semaphore, #tpu.memory_space<semaphore_mem>>
      %dma_start3A_175 = arith.constant 0 : i32
      %dma_start3A_176 = tpu.memref_slice %arg21[%dma_start3A_175] : memref<102400xf32, #tpu.memory_space<vmem_shared>> -> memref<102400xf32, #tpu.memory_space<vmem_shared>>
      tpu.enqueue_indirect_dma source(%arg11 : memref<10000xf32, #tpu.memory_space<vmem>>) target(%dma_start3A_176 : memref<102400xf32, #tpu.memory_space<vmem_shared>>) offsets(%arg9 : memref<10000xi32, #tpu.memory_space<vmem>>) semaphore(%run_scoped3A : memref<!tpu.dma_semaphore, #tpu.memory_space<semaphore_mem>>) {add = true}
      %dma_wait3A_177 = arith.constant 0 : i32
      %dma_wait3A_178 = tpu.memref_slice %arg21[%dma_wait3A_177] : memref<102400xf32, #tpu.memory_space<vmem_shared>> -> memref<102400xf32, #tpu.memory_space<vmem_shared>>
      tpu.wait_indirect_dma semaphore(%run_scoped3A : memref<!tpu.dma_semaphore, #tpu.memory_space<semaphore_mem>>) src(%arg11 : memref<10000xf32, #tpu.memory_space<vmem>>) dst(%dma_wait3A_178 : memref<102400xf32, #tpu.memory_space<vmem_shared>>)
      tpu.yield
    }) : () -> ()
    %dma_wait3A_160 = tpu.memref_slice %arg3[%multiple_of3A_146] : memref<6400000xi32, #tpu.memory_space<hbm>> -> memref<10000xi32, #tpu.memory_space<hbm>>
    %dma_wait3A_161 = tpu.memref_slice %arg3[%multiple_of3A_146] : memref<6400000xi32, #tpu.memory_space<hbm>> -> memref<10000xi32, #tpu.memory_space<hbm>>
    tpu.wait_dma2 semaphore(%arg15 : memref<!tpu.dma_semaphore, #tpu.memory_space<semaphore_mem>>) src(%dma_wait3A_161 : memref<10000xi32, #tpu.memory_space<hbm>>) dst(%arg8 : memref<10000xi32, #tpu.memory_space<vmem>>)
    %dma_wait3A_162 = tpu.memref_slice %arg3[%multiple_of3A_151] : memref<6400000xi32, #tpu.memory_space<hbm>> -> memref<10000xi32, #tpu.memory_space<hbm>>
    %dma_wait3A_163 = tpu.memref_slice %arg3[%multiple_of3A_151] : memref<6400000xi32, #tpu.memory_space<hbm>> -> memref<10000xi32, #tpu.memory_space<hbm>>
    tpu.wait_dma2 semaphore(%arg17 : memref<!tpu.dma_semaphore, #tpu.memory_space<semaphore_mem>>) src(%dma_wait3A_163 : memref<10000xi32, #tpu.memory_space<hbm>>) dst(%arg10 : memref<10000xi32, #tpu.memory_space<vmem>>)
    "tpu.region"() ({
      %run_scoped3A = tpu.sem_alloc : memref<!tpu.dma_semaphore, #tpu.memory_space<semaphore_mem>>
      %dma_start3A_175 = arith.constant 0 : i32
      %dma_start3A_176 = tpu.memref_slice %arg20[%dma_start3A_175] : memref<102400xf32, #tpu.memory_space<vmem_shared>> -> memref<102400xf32, #tpu.memory_space<vmem_shared>>
      tpu.enqueue_indirect_dma source(%dma_start3A_176 : memref<102400xf32, #tpu.memory_space<vmem_shared>>) target(%arg11 : memref<10000xf32, #tpu.memory_space<vmem>>) offsets(%arg8 : memref<10000xi32, #tpu.memory_space<vmem>>) semaphore(%run_scoped3A : memref<!tpu.dma_semaphore, #tpu.memory_space<semaphore_mem>>)
      %dma_wait3A_177 = arith.constant 0 : i32
      %dma_wait3A_178 = tpu.memref_slice %arg20[%dma_wait3A_177] : memref<102400xf32, #tpu.memory_space<vmem_shared>> -> memref<102400xf32, #tpu.memory_space<vmem_shared>>
      tpu.wait_indirect_dma semaphore(%run_scoped3A : memref<!tpu.dma_semaphore, #tpu.memory_space<semaphore_mem>>) src(%dma_wait3A_178 : memref<102400xf32, #tpu.memory_space<vmem_shared>>) dst(%arg11 : memref<10000xf32, #tpu.memory_space<vmem>>)
      tpu.yield
    }) : () -> ()
    "tpu.region"() ({
      %run_scoped3A = tpu.sem_alloc : memref<!tpu.dma_semaphore, #tpu.memory_space<semaphore_mem>>
      %dma_start3A_175 = arith.constant 0 : i32
      %dma_start3A_176 = tpu.memref_slice %arg21[%dma_start3A_175] : memref<102400xf32, #tpu.memory_space<vmem_shared>> -> memref<102400xf32, #tpu.memory_space<vmem_shared>>
      tpu.enqueue_indirect_dma source(%arg11 : memref<10000xf32, #tpu.memory_space<vmem>>) target(%dma_start3A_176 : memref<102400xf32, #tpu.memory_space<vmem_shared>>) offsets(%arg10 : memref<10000xi32, #tpu.memory_space<vmem>>) semaphore(%run_scoped3A : memref<!tpu.dma_semaphore, #tpu.memory_space<semaphore_mem>>) {add = true}
      %dma_wait3A_177 = arith.constant 0 : i32
      %dma_wait3A_178 = tpu.memref_slice %arg21[%dma_wait3A_177] : memref<102400xf32, #tpu.memory_space<vmem_shared>> -> memref<102400xf32, #tpu.memory_space<vmem_shared>>
      tpu.wait_indirect_dma semaphore(%run_scoped3A : memref<!tpu.dma_semaphore, #tpu.memory_space<semaphore_mem>>) src(%arg11 : memref<10000xf32, #tpu.memory_space<vmem>>) dst(%dma_wait3A_178 : memref<102400xf32, #tpu.memory_space<vmem_shared>>)
      tpu.yield
    }) : () -> ()
    %barrier3A_164 = arith.constant 0 : index
    tpu.barrier barrier_id(%barrier3A_164)
    "tpu.region"() ({
      %run_scoped3A = tpu.sem_alloc : memref<!tpu.dma_semaphore, #tpu.memory_space<semaphore_mem>>
      %dma_start3A_175 = tpu.memref_slice %arg21[%mul3A_2] : memref<102400xf32, #tpu.memory_space<vmem_shared>> -> memref<6400xf32, #tpu.memory_space<vmem_shared>>
      %dma_start3A_176 = tpu.memref_slice %arg21[%mul3A_2] : memref<102400xf32, #tpu.memory_space<vmem_shared>> -> memref<6400xf32, #tpu.memory_space<vmem_shared>>
      tpu.enqueue_dma source(%dma_start3A_176 : memref<6400xf32, #tpu.memory_space<vmem_shared>>) target(%arg12 : memref<6400xf32, #tpu.memory_space<vmem>>) target_semaphore(%run_scoped3A : memref<!tpu.dma_semaphore, #tpu.memory_space<semaphore_mem>>)
      %dma_wait3A_177 = tpu.memref_slice %arg21[%mul3A_2] : memref<102400xf32, #tpu.memory_space<vmem_shared>> -> memref<6400xf32, #tpu.memory_space<vmem_shared>>
      %dma_wait3A_178 = tpu.memref_slice %arg21[%mul3A_2] : memref<102400xf32, #tpu.memory_space<vmem_shared>> -> memref<6400xf32, #tpu.memory_space<vmem_shared>>
      tpu.wait_dma2 semaphore(%run_scoped3A : memref<!tpu.dma_semaphore, #tpu.memory_space<semaphore_mem>>) src(%dma_wait3A_178 : memref<6400xf32, #tpu.memory_space<vmem_shared>>) dst(%arg12 : memref<6400xf32, #tpu.memory_space<vmem>>)
      tpu.yield
    }) : () -> ()
    %eq3A_165 = arith.constant 0 : i32
    %eq3A_166 = arith.cmpi eq, %arg0, %eq3A_165 : i32
    %convert_element_type3A_167 = arith.extui %eq3A_166 : i1 to i32
    %cond3A_168 = arith.constant 0 : i32
    %cond3A_169 = arith.cmpi ne, %convert_element_type3A_167, %cond3A_168 : i32
    scf.if %cond3A_169 {
      "tpu.region"() ({
        %run_scoped3A = tpu.sem_alloc : memref<!tpu.dma_semaphore, #tpu.memory_space<semaphore_mem>>
        %dma_start3A_180 = tpu.memref_slice %arg20[%mul3A_2] : memref<102400xf32, #tpu.memory_space<vmem_shared>> -> memref<6400xf32, #tpu.memory_space<vmem_shared>>
        %dma_start3A_181 = tpu.memref_slice %arg20[%mul3A_2] : memref<102400xf32, #tpu.memory_space<vmem_shared>> -> memref<6400xf32, #tpu.memory_space<vmem_shared>>
        tpu.enqueue_dma source(%dma_start3A_181 : memref<6400xf32, #tpu.memory_space<vmem_shared>>) target(%arg13 : memref<6400xf32, #tpu.memory_space<vmem>>) target_semaphore(%run_scoped3A : memref<!tpu.dma_semaphore, #tpu.memory_space<semaphore_mem>>)
        %dma_wait3A_182 = tpu.memref_slice %arg20[%mul3A_2] : memref<102400xf32, #tpu.memory_space<vmem_shared>> -> memref<6400xf32, #tpu.memory_space<vmem_shared>>
        %dma_wait3A_183 = tpu.memref_slice %arg20[%mul3A_2] : memref<102400xf32, #tpu.memory_space<vmem_shared>> -> memref<6400xf32, #tpu.memory_space<vmem_shared>>
        tpu.wait_dma2 semaphore(%run_scoped3A : memref<!tpu.dma_semaphore, #tpu.memory_space<semaphore_mem>>) src(%dma_wait3A_183 : memref<6400xf32, #tpu.memory_space<vmem_shared>>) dst(%arg13 : memref<6400xf32, #tpu.memory_space<vmem>>)
        tpu.yield
      }) : () -> ()
      %scan3A = arith.constant 0 : i32
      %scan3A_175 = arith.constant 0 : i32
      %scan3A_176 = arith.constant 400 : i32
      %scan3A_177 = arith.addi %scan3A_175, %scan3A_176 : i32
      %scan3A_178 = arith.constant 1 : i32
      scf.for %scan3A_180 = %scan3A_175 to %scan3A_177 step %scan3A_178  : i32 {
        %mul3A_181 = arith.constant 16 : i32
        %mul3A_182 = arith.muli %scan3A_180, %mul3A_181 : i32
        %multiple_of3A_183 = tpu.assume_multiple %mul3A_182, 16 : i32
        %get3A = arith.index_cast %multiple_of3A_183 : i32 to index
        %get3A_184 = tpu.vector_load %arg12[%get3A] {strides = array<i32>} : memref<6400xf32, #tpu.memory_space<vmem>>, vector<16xf32>,
        %get3A_185 = arith.index_cast %multiple_of3A_183 : i32 to index
        %get3A_186 = tpu.vector_load %arg13[%get3A_185] {strides = array<i32>} : memref<6400xf32, #tpu.memory_space<vmem>>, vector<16xf32>,
        %add3A_187 = arith.addf %get3A_184, %get3A_186 : vector<16xf32>
        %swap3A = arith.index_cast %multiple_of3A_183 : i32 to index
        %swap3A_188 = tpu.vector_load %arg12[%swap3A] {strides = array<i32>} : memref<6400xf32, #tpu.memory_space<vmem>>, vector<16xf32>,
        tpu.vector_store %arg12[%swap3A], %add3A_187 {strides = array<i32>} : memref<6400xf32, #tpu.memory_space<vmem>>, vector<16xf32>,
      }
      %scan3A_179 = arith.constant 400 : i32
      "tpu.region"() ({
        %run_scoped3A = tpu.sem_alloc : memref<!tpu.dma_semaphore, #tpu.memory_space<semaphore_mem>>
        %dma_start3A_180 = tpu.memref_slice %arg5[%mul3A_2] : memref<102400xf32, #tpu.memory_space<hbm>> -> memref<6400xf32, #tpu.memory_space<hbm>>
        %dma_start3A_181 = tpu.memref_slice %arg5[%mul3A_2] : memref<102400xf32, #tpu.memory_space<hbm>> -> memref<6400xf32, #tpu.memory_space<hbm>>
        tpu.enqueue_dma source(%arg12 : memref<6400xf32, #tpu.memory_space<vmem>>) target(%dma_start3A_181 : memref<6400xf32, #tpu.memory_space<hbm>>) target_semaphore(%run_scoped3A : memref<!tpu.dma_semaphore, #tpu.memory_space<semaphore_mem>>)
        %dma_wait3A_182 = tpu.memref_slice %arg5[%mul3A_2] : memref<102400xf32, #tpu.memory_space<hbm>> -> memref<6400xf32, #tpu.memory_space<hbm>>
        %dma_wait3A_183 = tpu.memref_slice %arg5[%mul3A_2] : memref<102400xf32, #tpu.memory_space<hbm>> -> memref<6400xf32, #tpu.memory_space<hbm>>
        tpu.wait_dma2 semaphore(%run_scoped3A : memref<!tpu.dma_semaphore, #tpu.memory_space<semaphore_mem>>) src(%arg12 : memref<6400xf32, #tpu.memory_space<vmem>>) dst(%dma_wait3A_183 : memref<6400xf32, #tpu.memory_space<hbm>>)
        tpu.yield
      }) : () -> ()
    } else {
    }
    %eq3A_170 = arith.constant 1 : i32
    %eq3A_171 = arith.cmpi eq, %arg0, %eq3A_170 : i32
    %convert_element_type3A_172 = arith.extui %eq3A_171 : i1 to i32
    %cond3A_173 = arith.constant 0 : i32
    %cond3A_174 = arith.cmpi ne, %convert_element_type3A_172, %cond3A_173 : i32
    scf.if %cond3A_174 {
      "tpu.region"() ({
        %run_scoped3A = tpu.sem_alloc : memref<!tpu.dma_semaphore, #tpu.memory_space<semaphore_mem>>
        %dma_start3A_175 = tpu.memref_slice %arg6[%mul3A_2] : memref<102400xf32, #tpu.memory_space<hbm>> -> memref<6400xf32, #tpu.memory_space<hbm>>
        %dma_start3A_176 = tpu.memref_slice %arg6[%mul3A_2] : memref<102400xf32, #tpu.memory_space<hbm>> -> memref<6400xf32, #tpu.memory_space<hbm>>
        tpu.enqueue_dma source(%arg12 : memref<6400xf32, #tpu.memory_space<vmem>>) target(%dma_start3A_176 : memref<6400xf32, #tpu.memory_space<hbm>>) target_semaphore(%run_scoped3A : memref<!tpu.dma_semaphore, #tpu.memory_space<semaphore_mem>>)
        %dma_wait3A_177 = tpu.memref_slice %arg6[%mul3A_2] : memref<102400xf32, #tpu.memory_space<hbm>> -> memref<6400xf32, #tpu.memory_space<hbm>>
        %dma_wait3A_178 = tpu.memref_slice %arg6[%mul3A_2] : memref<102400xf32, #tpu.memory_space<hbm>> -> memref<6400xf32, #tpu.memory_space<hbm>>
        tpu.wait_dma2 semaphore(%run_scoped3A : memref<!tpu.dma_semaphore, #tpu.memory_space<semaphore_mem>>) src(%arg12 : memref<6400xf32, #tpu.memory_space<vmem>>) dst(%dma_wait3A_178 : memref<6400xf32, #tpu.memory_space<hbm>>)
        tpu.yield
      }) : () -> ()
    } else {
    }
    return
  }
}

#map = affine_map<(d0, d1) -> (0)>
module attributes {stable_mosaic.version = 14 : i64} {
  func.func @_sc_round2(%arg0: i32, %arg1: i32, %arg2: memref<6400000xi32, #tpu.memory_space<hbm>>, %arg3: memref<102400xf32, #tpu.memory_space<hbm>>, %arg4: memref<102400xf32, #tpu.memory_space<hbm>>, %arg5: memref<102400xf32, #tpu.memory_space<hbm>>, %arg6: memref<100000xf32, #tpu.memory_space<hbm>>, %arg7: memref<95232xi32, #tpu.memory_space<hbm>>, %arg8: memref<102400xf32, #tpu.memory_space<hbm>>, %arg9: memref<102400xf32, #tpu.memory_space<hbm>>, %arg10: memref<102400xf32, #tpu.memory_space<hbm>>, %arg11: memref<95232xf32, #tpu.memory_space<hbm>>, %arg12: memref<10000xi32, #tpu.memory_space<vmem>>, %arg13: memref<10000xi32, #tpu.memory_space<vmem>>, %arg14: memref<10000xi32, #tpu.memory_space<vmem>>, %arg15: memref<10000xi32, #tpu.memory_space<vmem>>, %arg16: memref<10000xf32, #tpu.memory_space<vmem>>, %arg17: memref<6400xf32, #tpu.memory_space<vmem>>, %arg18: memref<6400xf32, #tpu.memory_space<vmem>>, %arg19: memref<!tpu.dma_semaphore, #tpu.memory_space<semaphore_mem>>, %arg20: memref<!tpu.dma_semaphore, #tpu.memory_space<semaphore_mem>>, %arg21: memref<!tpu.dma_semaphore, #tpu.memory_space<semaphore_mem>>, %arg22: memref<!tpu.dma_semaphore, #tpu.memory_space<semaphore_mem>>, %arg23: memref<2976xi32, #tpu.memory_space<vmem>>, %arg24: memref<2976xf32, #tpu.memory_space<vmem>>, %arg25: memref<!tpu.dma_semaphore, #tpu.memory_space<semaphore_mem>>, %arg26: memref<102400xf32, #tpu.memory_space<vmem_shared>>, %arg27: memref<102400xf32, #tpu.memory_space<vmem_shared>>) attributes {dimension_semantics = [#tpu.dimension_semantics<core_parallel>, #tpu.dimension_semantics<subcore_parallel>], iteration_bounds = array<i64: 2, 16>, scalar_prefetch = 0 : i64, scratch_operands = 16 : i64, tpu.core_type = #tpu.core_type<sc_vector_subcore>, window_params = [{transform_indices = #map}, {transform_indices = #map}, {transform_indices = #map}, {transform_indices = #map}, {transform_indices = #map}, {transform_indices = #map}, {transform_indices = #map}, {transform_indices = #map}, {transform_indices = #map}, {transform_indices = #map}]} {
    %mul3A = arith.constant 2 : i32
    %mul3A_0 = arith.muli %arg1, %mul3A : i32
    %add3A = arith.addi %mul3A_0, %arg0 : i32
    %mul3A_1 = arith.constant 6400 : i32
    %mul3A_2 = arith.muli %arg1, %mul3A_1 : i32
    %mul3A_3 = arith.constant 2976 : i32
    %mul3A_4 = arith.muli %add3A, %mul3A_3 : i32
    "tpu.region"() ({
      %run_scoped3A = tpu.sem_alloc : memref<!tpu.dma_semaphore, #tpu.memory_space<semaphore_mem>>
      %dma_start3A_186 = tpu.memref_slice %arg7[%mul3A_4] : memref<95232xi32, #tpu.memory_space<hbm>> -> memref<2976xi32, #tpu.memory_space<hbm>>
      %dma_start3A_187 = tpu.memref_slice %arg7[%mul3A_4] : memref<95232xi32, #tpu.memory_space<hbm>> -> memref<2976xi32, #tpu.memory_space<hbm>>
      tpu.enqueue_dma source(%dma_start3A_187 : memref<2976xi32, #tpu.memory_space<hbm>>) target(%arg23 : memref<2976xi32, #tpu.memory_space<vmem>>) target_semaphore(%run_scoped3A : memref<!tpu.dma_semaphore, #tpu.memory_space<semaphore_mem>>)
      %dma_wait3A_188 = tpu.memref_slice %arg7[%mul3A_4] : memref<95232xi32, #tpu.memory_space<hbm>> -> memref<2976xi32, #tpu.memory_space<hbm>>
      %dma_wait3A_189 = tpu.memref_slice %arg7[%mul3A_4] : memref<95232xi32, #tpu.memory_space<hbm>> -> memref<2976xi32, #tpu.memory_space<hbm>>
      tpu.wait_dma2 semaphore(%run_scoped3A : memref<!tpu.dma_semaphore, #tpu.memory_space<semaphore_mem>>) src(%dma_wait3A_189 : memref<2976xi32, #tpu.memory_space<hbm>>) dst(%arg23 : memref<2976xi32, #tpu.memory_space<vmem>>)
      tpu.yield
    }) : () -> ()
    %dma_start3A = arith.constant 0 : i32
    %dma_start3A_5 = tpu.memref_slice %arg6[%dma_start3A] : memref<100000xf32, #tpu.memory_space<hbm>> -> memref<100000xf32, #tpu.memory_space<hbm>>
    tpu.enqueue_indirect_dma source(%dma_start3A_5 : memref<100000xf32, #tpu.memory_space<hbm>>) target(%arg24 : memref<2976xf32, #tpu.memory_space<vmem>>) offsets(%arg23 : memref<2976xi32, #tpu.memory_space<vmem>>) semaphore(%arg25 : memref<!tpu.dma_semaphore, #tpu.memory_space<semaphore_mem>>)
    "tpu.region"() ({
      %run_scoped3A = tpu.sem_alloc : memref<!tpu.dma_semaphore, #tpu.memory_space<semaphore_mem>>
      %dma_start3A_186 = tpu.memref_slice %arg27[%mul3A_2] : memref<102400xf32, #tpu.memory_space<vmem_shared>> -> memref<6400xf32, #tpu.memory_space<vmem_shared>>
      %dma_start3A_187 = tpu.memref_slice %arg5[%mul3A_2] : memref<102400xf32, #tpu.memory_space<hbm>> -> memref<6400xf32, #tpu.memory_space<hbm>>
      tpu.enqueue_dma source(%dma_start3A_187 : memref<6400xf32, #tpu.memory_space<hbm>>) target(%dma_start3A_186 : memref<6400xf32, #tpu.memory_space<vmem_shared>>) target_semaphore(%run_scoped3A : memref<!tpu.dma_semaphore, #tpu.memory_space<semaphore_mem>>)
      %dma_wait3A_188 = tpu.memref_slice %arg27[%mul3A_2] : memref<102400xf32, #tpu.memory_space<vmem_shared>> -> memref<6400xf32, #tpu.memory_space<vmem_shared>>
      %dma_wait3A_189 = tpu.memref_slice %arg5[%mul3A_2] : memref<102400xf32, #tpu.memory_space<hbm>> -> memref<6400xf32, #tpu.memory_space<hbm>>
      tpu.wait_dma2 semaphore(%run_scoped3A : memref<!tpu.dma_semaphore, #tpu.memory_space<semaphore_mem>>) src(%dma_wait3A_189 : memref<6400xf32, #tpu.memory_space<hbm>>) dst(%dma_wait3A_188 : memref<6400xf32, #tpu.memory_space<vmem_shared>>)
      tpu.yield
    }) : () -> ()
    "tpu.region"() ({
      %run_scoped3A = tpu.sem_alloc : memref<!tpu.dma_semaphore, #tpu.memory_space<semaphore_mem>>
      %dma_start3A_186 = tpu.memref_slice %arg3[%mul3A_2] : memref<102400xf32, #tpu.memory_space<hbm>> -> memref<6400xf32, #tpu.memory_space<hbm>>
      %dma_start3A_187 = tpu.memref_slice %arg3[%mul3A_2] : memref<102400xf32, #tpu.memory_space<hbm>> -> memref<6400xf32, #tpu.memory_space<hbm>>
      tpu.enqueue_dma source(%dma_start3A_187 : memref<6400xf32, #tpu.memory_space<hbm>>) target(%arg17 : memref<6400xf32, #tpu.memory_space<vmem>>) target_semaphore(%run_scoped3A : memref<!tpu.dma_semaphore, #tpu.memory_space<semaphore_mem>>)
      %dma_wait3A_188 = tpu.memref_slice %arg3[%mul3A_2] : memref<102400xf32, #tpu.memory_space<hbm>> -> memref<6400xf32, #tpu.memory_space<hbm>>
      %dma_wait3A_189 = tpu.memref_slice %arg3[%mul3A_2] : memref<102400xf32, #tpu.memory_space<hbm>> -> memref<6400xf32, #tpu.memory_space<hbm>>
      tpu.wait_dma2 semaphore(%run_scoped3A : memref<!tpu.dma_semaphore, #tpu.memory_space<semaphore_mem>>) src(%dma_wait3A_189 : memref<6400xf32, #tpu.memory_space<hbm>>) dst(%arg17 : memref<6400xf32, #tpu.memory_space<vmem>>)
      tpu.yield
    }) : () -> ()
    "tpu.region"() ({
      %run_scoped3A = tpu.sem_alloc : memref<!tpu.dma_semaphore, #tpu.memory_space<semaphore_mem>>
      %dma_start3A_186 = tpu.memref_slice %arg4[%mul3A_2] : memref<102400xf32, #tpu.memory_space<hbm>> -> memref<6400xf32, #tpu.memory_space<hbm>>
      %dma_start3A_187 = tpu.memref_slice %arg4[%mul3A_2] : memref<102400xf32, #tpu.memory_space<hbm>> -> memref<6400xf32, #tpu.memory_space<hbm>>
      tpu.enqueue_dma source(%dma_start3A_187 : memref<6400xf32, #tpu.memory_space<hbm>>) target(%arg18 : memref<6400xf32, #tpu.memory_space<vmem>>) target_semaphore(%run_scoped3A : memref<!tpu.dma_semaphore, #tpu.memory_space<semaphore_mem>>)
      %dma_wait3A_188 = tpu.memref_slice %arg4[%mul3A_2] : memref<102400xf32, #tpu.memory_space<hbm>> -> memref<6400xf32, #tpu.memory_space<hbm>>
      %dma_wait3A_189 = tpu.memref_slice %arg4[%mul3A_2] : memref<102400xf32, #tpu.memory_space<hbm>> -> memref<6400xf32, #tpu.memory_space<hbm>>
      tpu.wait_dma2 semaphore(%run_scoped3A : memref<!tpu.dma_semaphore, #tpu.memory_space<semaphore_mem>>) src(%dma_wait3A_189 : memref<6400xf32, #tpu.memory_space<hbm>>) dst(%arg18 : memref<6400xf32, #tpu.memory_space<vmem>>)
      tpu.yield
    }) : () -> ()
    %scan3A = arith.constant 0 : i32
    %scan3A_6 = arith.constant 0 : i32
    %scan3A_7 = arith.constant 400 : i32
    %scan3A_8 = arith.addi %scan3A_6, %scan3A_7 : i32
    %scan3A_9 = arith.constant 1 : i32
    scf.for %scan3A_186 = %scan3A_6 to %scan3A_8 step %scan3A_9  : i32 {
      %mul3A_187 = arith.constant 16 : i32
      %mul3A_188 = arith.muli %scan3A_186, %mul3A_187 : i32
      %multiple_of3A_189 = tpu.assume_multiple %mul3A_188, 16 : i32
      %get3A = arith.index_cast %multiple_of3A_189 : i32 to index
      %get3A_190 = tpu.vector_load %arg17[%get3A] {strides = array<i32>} : memref<6400xf32, #tpu.memory_space<vmem>>, vector<16xf32>,
      %get3A_191 = arith.index_cast %multiple_of3A_189 : i32 to index
      %get3A_192 = tpu.vector_load %arg18[%get3A_191] {strides = array<i32>} : memref<6400xf32, #tpu.memory_space<vmem>>, vector<16xf32>,
      %add3A_193 = arith.addf %get3A_190, %get3A_192 : vector<16xf32>
      %swap3A = arith.index_cast %multiple_of3A_189 : i32 to index
      %swap3A_194 = tpu.vector_load %arg17[%swap3A] {strides = array<i32>} : memref<6400xf32, #tpu.memory_space<vmem>>, vector<16xf32>,
      tpu.vector_store %arg17[%swap3A], %add3A_193 {strides = array<i32>} : memref<6400xf32, #tpu.memory_space<vmem>>, vector<16xf32>,
    }
    %scan3A_10 = arith.constant 400 : i32
    "tpu.region"() ({
      %run_scoped3A = tpu.sem_alloc : memref<!tpu.dma_semaphore, #tpu.memory_space<semaphore_mem>>
      %dma_start3A_186 = tpu.memref_slice %arg26[%mul3A_2] : memref<102400xf32, #tpu.memory_space<vmem_shared>> -> memref<6400xf32, #tpu.memory_space<vmem_shared>>
      %dma_start3A_187 = tpu.memref_slice %arg26[%mul3A_2] : memref<102400xf32, #tpu.memory_space<vmem_shared>> -> memref<6400xf32, #tpu.memory_space<vmem_shared>>
      tpu.enqueue_dma source(%arg17 : memref<6400xf32, #tpu.memory_space<vmem>>) target(%dma_start3A_187 : memref<6400xf32, #tpu.memory_space<vmem_shared>>) target_semaphore(%run_scoped3A : memref<!tpu.dma_semaphore, #tpu.memory_space<semaphore_mem>>)
      %dma_wait3A_188 = tpu.memref_slice %arg26[%mul3A_2] : memref<102400xf32, #tpu.memory_space<vmem_shared>> -> memref<6400xf32, #tpu.memory_space<vmem_shared>>
      %dma_wait3A_189 = tpu.memref_slice %arg26[%mul3A_2] : memref<102400xf32, #tpu.memory_space<vmem_shared>> -> memref<6400xf32, #tpu.memory_space<vmem_shared>>
      tpu.wait_dma2 semaphore(%run_scoped3A : memref<!tpu.dma_semaphore, #tpu.memory_space<semaphore_mem>>) src(%arg17 : memref<6400xf32, #tpu.memory_space<vmem>>) dst(%dma_wait3A_189 : memref<6400xf32, #tpu.memory_space<vmem_shared>>)
      tpu.yield
    }) : () -> ()
    %eq3A = arith.constant 0 : i32
    %eq3A_11 = arith.cmpi eq, %arg0, %eq3A : i32
    %convert_element_type3A = arith.extui %eq3A_11 : i1 to i32
    %cond3A = arith.constant 0 : i32
    %cond3A_12 = arith.cmpi ne, %convert_element_type3A, %cond3A : i32
    scf.if %cond3A_12 {
      "tpu.region"() ({
        %run_scoped3A = tpu.sem_alloc : memref<!tpu.dma_semaphore, #tpu.memory_space<semaphore_mem>>
        %dma_start3A_186 = tpu.memref_slice %arg8[%mul3A_2] : memref<102400xf32, #tpu.memory_space<hbm>> -> memref<6400xf32, #tpu.memory_space<hbm>>
        %dma_start3A_187 = tpu.memref_slice %arg8[%mul3A_2] : memref<102400xf32, #tpu.memory_space<hbm>> -> memref<6400xf32, #tpu.memory_space<hbm>>
        tpu.enqueue_dma source(%arg17 : memref<6400xf32, #tpu.memory_space<vmem>>) target(%dma_start3A_187 : memref<6400xf32, #tpu.memory_space<hbm>>) target_semaphore(%run_scoped3A : memref<!tpu.dma_semaphore, #tpu.memory_space<semaphore_mem>>)
        %dma_wait3A_188 = tpu.memref_slice %arg8[%mul3A_2] : memref<102400xf32, #tpu.memory_space<hbm>> -> memref<6400xf32, #tpu.memory_space<hbm>>
        %dma_wait3A_189 = tpu.memref_slice %arg8[%mul3A_2] : memref<102400xf32, #tpu.memory_space<hbm>> -> memref<6400xf32, #tpu.memory_space<hbm>>
        tpu.wait_dma2 semaphore(%run_scoped3A : memref<!tpu.dma_semaphore, #tpu.memory_space<semaphore_mem>>) src(%arg17 : memref<6400xf32, #tpu.memory_space<vmem>>) dst(%dma_wait3A_189 : memref<6400xf32, #tpu.memory_space<hbm>>)
        tpu.yield
      }) : () -> ()
    } else {
    }
    %barrier3A = arith.constant 0 : index
    tpu.barrier barrier_id(%barrier3A)
    %mul3A_13 = arith.constant 100000 : i32
    %mul3A_14 = arith.muli %add3A, %mul3A_13 : i32
    %add3A_15 = arith.constant 0 : i32
    %add3A_16 = arith.addi %mul3A_14, %add3A_15 : i32
    %multiple_of3A = tpu.assume_multiple %add3A_16, 8 : i32
    %add3A_17 = arith.constant 3200000 : i32
    %add3A_18 = arith.addi %add3A_17, %mul3A_14 : i32
    %add3A_19 = arith.constant 0 : i32
    %add3A_20 = arith.addi %add3A_18, %add3A_19 : i32
    %multiple_of3A_21 = tpu.assume_multiple %add3A_20, 8 : i32
    %dma_start3A_22 = tpu.memref_slice %arg2[%multiple_of3A] : memref<6400000xi32, #tpu.memory_space<hbm>> -> memref<10000xi32, #tpu.memory_space<hbm>>
    %dma_start3A_23 = tpu.memref_slice %arg2[%multiple_of3A] : memref<6400000xi32, #tpu.memory_space<hbm>> -> memref<10000xi32, #tpu.memory_space<hbm>>
    tpu.enqueue_dma source(%dma_start3A_23 : memref<10000xi32, #tpu.memory_space<hbm>>) target(%arg12 : memref<10000xi32, #tpu.memory_space<vmem>>) target_semaphore(%arg19 : memref<!tpu.dma_semaphore, #tpu.memory_space<semaphore_mem>>)
    %dma_start3A_24 = tpu.memref_slice %arg2[%multiple_of3A_21] : memref<6400000xi32, #tpu.memory_space<hbm>> -> memref<10000xi32, #tpu.memory_space<hbm>>
    %dma_start3A_25 = tpu.memref_slice %arg2[%multiple_of3A_21] : memref<6400000xi32, #tpu.memory_space<hbm>> -> memref<10000xi32, #tpu.memory_space<hbm>>
    tpu.enqueue_dma source(%dma_start3A_25 : memref<10000xi32, #tpu.memory_space<hbm>>) target(%arg14 : memref<10000xi32, #tpu.memory_space<vmem>>) target_semaphore(%arg21 : memref<!tpu.dma_semaphore, #tpu.memory_space<semaphore_mem>>)
    %add3A_26 = arith.constant 10000 : i32
    %add3A_27 = arith.addi %mul3A_14, %add3A_26 : i32
    %multiple_of3A_28 = tpu.assume_multiple %add3A_27, 8 : i32
    %add3A_29 = arith.constant 3200000 : i32
    %add3A_30 = arith.addi %add3A_29, %mul3A_14 : i32
    %add3A_31 = arith.constant 10000 : i32
    %add3A_32 = arith.addi %add3A_30, %add3A_31 : i32
    %multiple_of3A_33 = tpu.assume_multiple %add3A_32, 8 : i32
    %dma_start3A_34 = tpu.memref_slice %arg2[%multiple_of3A_28] : memref<6400000xi32, #tpu.memory_space<hbm>> -> memref<10000xi32, #tpu.memory_space<hbm>>
    %dma_start3A_35 = tpu.memref_slice %arg2[%multiple_of3A_28] : memref<6400000xi32, #tpu.memory_space<hbm>> -> memref<10000xi32, #tpu.memory_space<hbm>>
    tpu.enqueue_dma source(%dma_start3A_35 : memref<10000xi32, #tpu.memory_space<hbm>>) target(%arg13 : memref<10000xi32, #tpu.memory_space<vmem>>) target_semaphore(%arg20 : memref<!tpu.dma_semaphore, #tpu.memory_space<semaphore_mem>>)
    %dma_start3A_36 = tpu.memref_slice %arg2[%multiple_of3A_33] : memref<6400000xi32, #tpu.memory_space<hbm>> -> memref<10000xi32, #tpu.memory_space<hbm>>
    %dma_start3A_37 = tpu.memref_slice %arg2[%multiple_of3A_33] : memref<6400000xi32, #tpu.memory_space<hbm>> -> memref<10000xi32, #tpu.memory_space<hbm>>
    tpu.enqueue_dma source(%dma_start3A_37 : memref<10000xi32, #tpu.memory_space<hbm>>) target(%arg15 : memref<10000xi32, #tpu.memory_space<vmem>>) target_semaphore(%arg22 : memref<!tpu.dma_semaphore, #tpu.memory_space<semaphore_mem>>)
    %dma_wait3A = tpu.memref_slice %arg2[%multiple_of3A] : memref<6400000xi32, #tpu.memory_space<hbm>> -> memref<10000xi32, #tpu.memory_space<hbm>>
    %dma_wait3A_38 = tpu.memref_slice %arg2[%multiple_of3A] : memref<6400000xi32, #tpu.memory_space<hbm>> -> memref<10000xi32, #tpu.memory_space<hbm>>
    tpu.wait_dma2 semaphore(%arg19 : memref<!tpu.dma_semaphore, #tpu.memory_space<semaphore_mem>>) src(%dma_wait3A_38 : memref<10000xi32, #tpu.memory_space<hbm>>) dst(%arg12 : memref<10000xi32, #tpu.memory_space<vmem>>)
    %dma_wait3A_39 = tpu.memref_slice %arg2[%multiple_of3A_21] : memref<6400000xi32, #tpu.memory_space<hbm>> -> memref<10000xi32, #tpu.memory_space<hbm>>
    %dma_wait3A_40 = tpu.memref_slice %arg2[%multiple_of3A_21] : memref<6400000xi32, #tpu.memory_space<hbm>> -> memref<10000xi32, #tpu.memory_space<hbm>>
    tpu.wait_dma2 semaphore(%arg21 : memref<!tpu.dma_semaphore, #tpu.memory_space<semaphore_mem>>) src(%dma_wait3A_40 : memref<10000xi32, #tpu.memory_space<hbm>>) dst(%arg14 : memref<10000xi32, #tpu.memory_space<vmem>>)
    "tpu.region"() ({
      %run_scoped3A = tpu.sem_alloc : memref<!tpu.dma_semaphore, #tpu.memory_space<semaphore_mem>>
      %dma_start3A_186 = arith.constant 0 : i32
      %dma_start3A_187 = tpu.memref_slice %arg26[%dma_start3A_186] : memref<102400xf32, #tpu.memory_space<vmem_shared>> -> memref<102400xf32, #tpu.memory_space<vmem_shared>>
      tpu.enqueue_indirect_dma source(%dma_start3A_187 : memref<102400xf32, #tpu.memory_space<vmem_shared>>) target(%arg16 : memref<10000xf32, #tpu.memory_space<vmem>>) offsets(%arg12 : memref<10000xi32, #tpu.memory_space<vmem>>) semaphore(%run_scoped3A : memref<!tpu.dma_semaphore, #tpu.memory_space<semaphore_mem>>)
      %dma_wait3A_188 = arith.constant 0 : i32
      %dma_wait3A_189 = tpu.memref_slice %arg26[%dma_wait3A_188] : memref<102400xf32, #tpu.memory_space<vmem_shared>> -> memref<102400xf32, #tpu.memory_space<vmem_shared>>
      tpu.wait_indirect_dma semaphore(%run_scoped3A : memref<!tpu.dma_semaphore, #tpu.memory_space<semaphore_mem>>) src(%dma_wait3A_189 : memref<102400xf32, #tpu.memory_space<vmem_shared>>) dst(%arg16 : memref<10000xf32, #tpu.memory_space<vmem>>)
      tpu.yield
    }) : () -> ()
    "tpu.region"() ({
      %run_scoped3A = tpu.sem_alloc : memref<!tpu.dma_semaphore, #tpu.memory_space<semaphore_mem>>
      %dma_start3A_186 = arith.constant 0 : i32
      %dma_start3A_187 = tpu.memref_slice %arg27[%dma_start3A_186] : memref<102400xf32, #tpu.memory_space<vmem_shared>> -> memref<102400xf32, #tpu.memory_space<vmem_shared>>
      tpu.enqueue_indirect_dma source(%arg16 : memref<10000xf32, #tpu.memory_space<vmem>>) target(%dma_start3A_187 : memref<102400xf32, #tpu.memory_space<vmem_shared>>) offsets(%arg14 : memref<10000xi32, #tpu.memory_space<vmem>>) semaphore(%run_scoped3A : memref<!tpu.dma_semaphore, #tpu.memory_space<semaphore_mem>>) {add = true}
      %dma_wait3A_188 = arith.constant 0 : i32
      %dma_wait3A_189 = tpu.memref_slice %arg27[%dma_wait3A_188] : memref<102400xf32, #tpu.memory_space<vmem_shared>> -> memref<102400xf32, #tpu.memory_space<vmem_shared>>
      tpu.wait_indirect_dma semaphore(%run_scoped3A : memref<!tpu.dma_semaphore, #tpu.memory_space<semaphore_mem>>) src(%arg16 : memref<10000xf32, #tpu.memory_space<vmem>>) dst(%dma_wait3A_189 : memref<102400xf32, #tpu.memory_space<vmem_shared>>)
      tpu.yield
    }) : () -> ()
    %add3A_41 = arith.constant 20000 : i32
    %add3A_42 = arith.addi %mul3A_14, %add3A_41 : i32
    %multiple_of3A_43 = tpu.assume_multiple %add3A_42, 8 : i32
    %add3A_44 = arith.constant 3200000 : i32
    %add3A_45 = arith.addi %add3A_44, %mul3A_14 : i32
    %add3A_46 = arith.constant 20000 : i32
    %add3A_47 = arith.addi %add3A_45, %add3A_46 : i32
    %multiple_of3A_48 = tpu.assume_multiple %add3A_47, 8 : i32
    %dma_start3A_49 = tpu.memref_slice %arg2[%multiple_of3A_43] : memref<6400000xi32, #tpu.memory_space<hbm>> -> memref<10000xi32, #tpu.memory_space<hbm>>
    %dma_start3A_50 = tpu.memref_slice %arg2[%multiple_of3A_43] : memref<6400000xi32, #tpu.memory_space<hbm>> -> memref<10000xi32, #tpu.memory_space<hbm>>
    tpu.enqueue_dma source(%dma_start3A_50 : memref<10000xi32, #tpu.memory_space<hbm>>) target(%arg12 : memref<10000xi32, #tpu.memory_space<vmem>>) target_semaphore(%arg19 : memref<!tpu.dma_semaphore, #tpu.memory_space<semaphore_mem>>)
    %dma_start3A_51 = tpu.memref_slice %arg2[%multiple_of3A_48] : memref<6400000xi32, #tpu.memory_space<hbm>> -> memref<10000xi32, #tpu.memory_space<hbm>>
    %dma_start3A_52 = tpu.memref_slice %arg2[%multiple_of3A_48] : memref<6400000xi32, #tpu.memory_space<hbm>> -> memref<10000xi32, #tpu.memory_space<hbm>>
    tpu.enqueue_dma source(%dma_start3A_52 : memref<10000xi32, #tpu.memory_space<hbm>>) target(%arg14 : memref<10000xi32, #tpu.memory_space<vmem>>) target_semaphore(%arg21 : memref<!tpu.dma_semaphore, #tpu.memory_space<semaphore_mem>>)
    %dma_wait3A_53 = tpu.memref_slice %arg2[%multiple_of3A_28] : memref<6400000xi32, #tpu.memory_space<hbm>> -> memref<10000xi32, #tpu.memory_space<hbm>>
    %dma_wait3A_54 = tpu.memref_slice %arg2[%multiple_of3A_28] : memref<6400000xi32, #tpu.memory_space<hbm>> -> memref<10000xi32, #tpu.memory_space<hbm>>
    tpu.wait_dma2 semaphore(%arg20 : memref<!tpu.dma_semaphore, #tpu.memory_space<semaphore_mem>>) src(%dma_wait3A_54 : memref<10000xi32, #tpu.memory_space<hbm>>) dst(%arg13 : memref<10000xi32, #tpu.memory_space<vmem>>)
    %dma_wait3A_55 = tpu.memref_slice %arg2[%multiple_of3A_33] : memref<6400000xi32, #tpu.memory_space<hbm>> -> memref<10000xi32, #tpu.memory_space<hbm>>
    %dma_wait3A_56 = tpu.memref_slice %arg2[%multiple_of3A_33] : memref<6400000xi32, #tpu.memory_space<hbm>> -> memref<10000xi32, #tpu.memory_space<hbm>>
    tpu.wait_dma2 semaphore(%arg22 : memref<!tpu.dma_semaphore, #tpu.memory_space<semaphore_mem>>) src(%dma_wait3A_56 : memref<10000xi32, #tpu.memory_space<hbm>>) dst(%arg15 : memref<10000xi32, #tpu.memory_space<vmem>>)
    "tpu.region"() ({
      %run_scoped3A = tpu.sem_alloc : memref<!tpu.dma_semaphore, #tpu.memory_space<semaphore_mem>>
      %dma_start3A_186 = arith.constant 0 : i32
      %dma_start3A_187 = tpu.memref_slice %arg26[%dma_start3A_186] : memref<102400xf32, #tpu.memory_space<vmem_shared>> -> memref<102400xf32, #tpu.memory_space<vmem_shared>>
      tpu.enqueue_indirect_dma source(%dma_start3A_187 : memref<102400xf32, #tpu.memory_space<vmem_shared>>) target(%arg16 : memref<10000xf32, #tpu.memory_space<vmem>>) offsets(%arg13 : memref<10000xi32, #tpu.memory_space<vmem>>) semaphore(%run_scoped3A : memref<!tpu.dma_semaphore, #tpu.memory_space<semaphore_mem>>)
      %dma_wait3A_188 = arith.constant 0 : i32
      %dma_wait3A_189 = tpu.memref_slice %arg26[%dma_wait3A_188] : memref<102400xf32, #tpu.memory_space<vmem_shared>> -> memref<102400xf32, #tpu.memory_space<vmem_shared>>
      tpu.wait_indirect_dma semaphore(%run_scoped3A : memref<!tpu.dma_semaphore, #tpu.memory_space<semaphore_mem>>) src(%dma_wait3A_189 : memref<102400xf32, #tpu.memory_space<vmem_shared>>) dst(%arg16 : memref<10000xf32, #tpu.memory_space<vmem>>)
      tpu.yield
    }) : () -> ()
    "tpu.region"() ({
      %run_scoped3A = tpu.sem_alloc : memref<!tpu.dma_semaphore, #tpu.memory_space<semaphore_mem>>
      %dma_start3A_186 = arith.constant 0 : i32
      %dma_start3A_187 = tpu.memref_slice %arg27[%dma_start3A_186] : memref<102400xf32, #tpu.memory_space<vmem_shared>> -> memref<102400xf32, #tpu.memory_space<vmem_shared>>
      tpu.enqueue_indirect_dma source(%arg16 : memref<10000xf32, #tpu.memory_space<vmem>>) target(%dma_start3A_187 : memref<102400xf32, #tpu.memory_space<vmem_shared>>) offsets(%arg15 : memref<10000xi32, #tpu.memory_space<vmem>>) semaphore(%run_scoped3A : memref<!tpu.dma_semaphore, #tpu.memory_space<semaphore_mem>>) {add = true}
      %dma_wait3A_188 = arith.constant 0 : i32
      %dma_wait3A_189 = tpu.memref_slice %arg27[%dma_wait3A_188] : memref<102400xf32, #tpu.memory_space<vmem_shared>> -> memref<102400xf32, #tpu.memory_space<vmem_shared>>
      tpu.wait_indirect_dma semaphore(%run_scoped3A : memref<!tpu.dma_semaphore, #tpu.memory_space<semaphore_mem>>) src(%arg16 : memref<10000xf32, #tpu.memory_space<vmem>>) dst(%dma_wait3A_189 : memref<102400xf32, #tpu.memory_space<vmem_shared>>)
      tpu.yield
    }) : () -> ()
    %add3A_57 = arith.constant 30000 : i32
    %add3A_58 = arith.addi %mul3A_14, %add3A_57 : i32
    %multiple_of3A_59 = tpu.assume_multiple %add3A_58, 8 : i32
    %add3A_60 = arith.constant 3200000 : i32
    %add3A_61 = arith.addi %add3A_60, %mul3A_14 : i32
    %add3A_62 = arith.constant 30000 : i32
    %add3A_63 = arith.addi %add3A_61, %add3A_62 : i32
    %multiple_of3A_64 = tpu.assume_multiple %add3A_63, 8 : i32
    %dma_start3A_65 = tpu.memref_slice %arg2[%multiple_of3A_59] : memref<6400000xi32, #tpu.memory_space<hbm>> -> memref<10000xi32, #tpu.memory_space<hbm>>
    %dma_start3A_66 = tpu.memref_slice %arg2[%multiple_of3A_59] : memref<6400000xi32, #tpu.memory_space<hbm>> -> memref<10000xi32, #tpu.memory_space<hbm>>
    tpu.enqueue_dma source(%dma_start3A_66 : memref<10000xi32, #tpu.memory_space<hbm>>) target(%arg13 : memref<10000xi32, #tpu.memory_space<vmem>>) target_semaphore(%arg20 : memref<!tpu.dma_semaphore, #tpu.memory_space<semaphore_mem>>)
    %dma_start3A_67 = tpu.memref_slice %arg2[%multiple_of3A_64] : memref<6400000xi32, #tpu.memory_space<hbm>> -> memref<10000xi32, #tpu.memory_space<hbm>>
    %dma_start3A_68 = tpu.memref_slice %arg2[%multiple_of3A_64] : memref<6400000xi32, #tpu.memory_space<hbm>> -> memref<10000xi32, #tpu.memory_space<hbm>>
    tpu.enqueue_dma source(%dma_start3A_68 : memref<10000xi32, #tpu.memory_space<hbm>>) target(%arg15 : memref<10000xi32, #tpu.memory_space<vmem>>) target_semaphore(%arg22 : memref<!tpu.dma_semaphore, #tpu.memory_space<semaphore_mem>>)
    %dma_wait3A_69 = tpu.memref_slice %arg2[%multiple_of3A_43] : memref<6400000xi32, #tpu.memory_space<hbm>> -> memref<10000xi32, #tpu.memory_space<hbm>>
    %dma_wait3A_70 = tpu.memref_slice %arg2[%multiple_of3A_43] : memref<6400000xi32, #tpu.memory_space<hbm>> -> memref<10000xi32, #tpu.memory_space<hbm>>
    tpu.wait_dma2 semaphore(%arg19 : memref<!tpu.dma_semaphore, #tpu.memory_space<semaphore_mem>>) src(%dma_wait3A_70 : memref<10000xi32, #tpu.memory_space<hbm>>) dst(%arg12 : memref<10000xi32, #tpu.memory_space<vmem>>)
    %dma_wait3A_71 = tpu.memref_slice %arg2[%multiple_of3A_48] : memref<6400000xi32, #tpu.memory_space<hbm>> -> memref<10000xi32, #tpu.memory_space<hbm>>
    %dma_wait3A_72 = tpu.memref_slice %arg2[%multiple_of3A_48] : memref<6400000xi32, #tpu.memory_space<hbm>> -> memref<10000xi32, #tpu.memory_space<hbm>>
    tpu.wait_dma2 semaphore(%arg21 : memref<!tpu.dma_semaphore, #tpu.memory_space<semaphore_mem>>) src(%dma_wait3A_72 : memref<10000xi32, #tpu.memory_space<hbm>>) dst(%arg14 : memref<10000xi32, #tpu.memory_space<vmem>>)
    "tpu.region"() ({
      %run_scoped3A = tpu.sem_alloc : memref<!tpu.dma_semaphore, #tpu.memory_space<semaphore_mem>>
      %dma_start3A_186 = arith.constant 0 : i32
      %dma_start3A_187 = tpu.memref_slice %arg26[%dma_start3A_186] : memref<102400xf32, #tpu.memory_space<vmem_shared>> -> memref<102400xf32, #tpu.memory_space<vmem_shared>>
      tpu.enqueue_indirect_dma source(%dma_start3A_187 : memref<102400xf32, #tpu.memory_space<vmem_shared>>) target(%arg16 : memref<10000xf32, #tpu.memory_space<vmem>>) offsets(%arg12 : memref<10000xi32, #tpu.memory_space<vmem>>) semaphore(%run_scoped3A : memref<!tpu.dma_semaphore, #tpu.memory_space<semaphore_mem>>)
      %dma_wait3A_188 = arith.constant 0 : i32
      %dma_wait3A_189 = tpu.memref_slice %arg26[%dma_wait3A_188] : memref<102400xf32, #tpu.memory_space<vmem_shared>> -> memref<102400xf32, #tpu.memory_space<vmem_shared>>
      tpu.wait_indirect_dma semaphore(%run_scoped3A : memref<!tpu.dma_semaphore, #tpu.memory_space<semaphore_mem>>) src(%dma_wait3A_189 : memref<102400xf32, #tpu.memory_space<vmem_shared>>) dst(%arg16 : memref<10000xf32, #tpu.memory_space<vmem>>)
      tpu.yield
    }) : () -> ()
    "tpu.region"() ({
      %run_scoped3A = tpu.sem_alloc : memref<!tpu.dma_semaphore, #tpu.memory_space<semaphore_mem>>
      %dma_start3A_186 = arith.constant 0 : i32
      %dma_start3A_187 = tpu.memref_slice %arg27[%dma_start3A_186] : memref<102400xf32, #tpu.memory_space<vmem_shared>> -> memref<102400xf32, #tpu.memory_space<vmem_shared>>
      tpu.enqueue_indirect_dma source(%arg16 : memref<10000xf32, #tpu.memory_space<vmem>>) target(%dma_start3A_187 : memref<102400xf32, #tpu.memory_space<vmem_shared>>) offsets(%arg14 : memref<10000xi32, #tpu.memory_space<vmem>>) semaphore(%run_scoped3A : memref<!tpu.dma_semaphore, #tpu.memory_space<semaphore_mem>>) {add = true}
      %dma_wait3A_188 = arith.constant 0 : i32
      %dma_wait3A_189 = tpu.memref_slice %arg27[%dma_wait3A_188] : memref<102400xf32, #tpu.memory_space<vmem_shared>> -> memref<102400xf32, #tpu.memory_space<vmem_shared>>
      tpu.wait_indirect_dma semaphore(%run_scoped3A : memref<!tpu.dma_semaphore, #tpu.memory_space<semaphore_mem>>) src(%arg16 : memref<10000xf32, #tpu.memory_space<vmem>>) dst(%dma_wait3A_189 : memref<102400xf32, #tpu.memory_space<vmem_shared>>)
      tpu.yield
    }) : () -> ()
    %add3A_73 = arith.constant 40000 : i32
    %add3A_74 = arith.addi %mul3A_14, %add3A_73 : i32
    %multiple_of3A_75 = tpu.assume_multiple %add3A_74, 8 : i32
    %add3A_76 = arith.constant 3200000 : i32
    %add3A_77 = arith.addi %add3A_76, %mul3A_14 : i32
    %add3A_78 = arith.constant 40000 : i32
    %add3A_79 = arith.addi %add3A_77, %add3A_78 : i32
    %multiple_of3A_80 = tpu.assume_multiple %add3A_79, 8 : i32
    %dma_start3A_81 = tpu.memref_slice %arg2[%multiple_of3A_75] : memref<6400000xi32, #tpu.memory_space<hbm>> -> memref<10000xi32, #tpu.memory_space<hbm>>
    %dma_start3A_82 = tpu.memref_slice %arg2[%multiple_of3A_75] : memref<6400000xi32, #tpu.memory_space<hbm>> -> memref<10000xi32, #tpu.memory_space<hbm>>
    tpu.enqueue_dma source(%dma_start3A_82 : memref<10000xi32, #tpu.memory_space<hbm>>) target(%arg12 : memref<10000xi32, #tpu.memory_space<vmem>>) target_semaphore(%arg19 : memref<!tpu.dma_semaphore, #tpu.memory_space<semaphore_mem>>)
    %dma_start3A_83 = tpu.memref_slice %arg2[%multiple_of3A_80] : memref<6400000xi32, #tpu.memory_space<hbm>> -> memref<10000xi32, #tpu.memory_space<hbm>>
    %dma_start3A_84 = tpu.memref_slice %arg2[%multiple_of3A_80] : memref<6400000xi32, #tpu.memory_space<hbm>> -> memref<10000xi32, #tpu.memory_space<hbm>>
    tpu.enqueue_dma source(%dma_start3A_84 : memref<10000xi32, #tpu.memory_space<hbm>>) target(%arg14 : memref<10000xi32, #tpu.memory_space<vmem>>) target_semaphore(%arg21 : memref<!tpu.dma_semaphore, #tpu.memory_space<semaphore_mem>>)
    %dma_wait3A_85 = tpu.memref_slice %arg2[%multiple_of3A_59] : memref<6400000xi32, #tpu.memory_space<hbm>> -> memref<10000xi32, #tpu.memory_space<hbm>>
    %dma_wait3A_86 = tpu.memref_slice %arg2[%multiple_of3A_59] : memref<6400000xi32, #tpu.memory_space<hbm>> -> memref<10000xi32, #tpu.memory_space<hbm>>
    tpu.wait_dma2 semaphore(%arg20 : memref<!tpu.dma_semaphore, #tpu.memory_space<semaphore_mem>>) src(%dma_wait3A_86 : memref<10000xi32, #tpu.memory_space<hbm>>) dst(%arg13 : memref<10000xi32, #tpu.memory_space<vmem>>)
    %dma_wait3A_87 = tpu.memref_slice %arg2[%multiple_of3A_64] : memref<6400000xi32, #tpu.memory_space<hbm>> -> memref<10000xi32, #tpu.memory_space<hbm>>
    %dma_wait3A_88 = tpu.memref_slice %arg2[%multiple_of3A_64] : memref<6400000xi32, #tpu.memory_space<hbm>> -> memref<10000xi32, #tpu.memory_space<hbm>>
    tpu.wait_dma2 semaphore(%arg22 : memref<!tpu.dma_semaphore, #tpu.memory_space<semaphore_mem>>) src(%dma_wait3A_88 : memref<10000xi32, #tpu.memory_space<hbm>>) dst(%arg15 : memref<10000xi32, #tpu.memory_space<vmem>>)
    "tpu.region"() ({
      %run_scoped3A = tpu.sem_alloc : memref<!tpu.dma_semaphore, #tpu.memory_space<semaphore_mem>>
      %dma_start3A_186 = arith.constant 0 : i32
      %dma_start3A_187 = tpu.memref_slice %arg26[%dma_start3A_186] : memref<102400xf32, #tpu.memory_space<vmem_shared>> -> memref<102400xf32, #tpu.memory_space<vmem_shared>>
      tpu.enqueue_indirect_dma source(%dma_start3A_187 : memref<102400xf32, #tpu.memory_space<vmem_shared>>) target(%arg16 : memref<10000xf32, #tpu.memory_space<vmem>>) offsets(%arg13 : memref<10000xi32, #tpu.memory_space<vmem>>) semaphore(%run_scoped3A : memref<!tpu.dma_semaphore, #tpu.memory_space<semaphore_mem>>)
      %dma_wait3A_188 = arith.constant 0 : i32
      %dma_wait3A_189 = tpu.memref_slice %arg26[%dma_wait3A_188] : memref<102400xf32, #tpu.memory_space<vmem_shared>> -> memref<102400xf32, #tpu.memory_space<vmem_shared>>
      tpu.wait_indirect_dma semaphore(%run_scoped3A : memref<!tpu.dma_semaphore, #tpu.memory_space<semaphore_mem>>) src(%dma_wait3A_189 : memref<102400xf32, #tpu.memory_space<vmem_shared>>) dst(%arg16 : memref<10000xf32, #tpu.memory_space<vmem>>)
      tpu.yield
    }) : () -> ()
    "tpu.region"() ({
      %run_scoped3A = tpu.sem_alloc : memref<!tpu.dma_semaphore, #tpu.memory_space<semaphore_mem>>
      %dma_start3A_186 = arith.constant 0 : i32
      %dma_start3A_187 = tpu.memref_slice %arg27[%dma_start3A_186] : memref<102400xf32, #tpu.memory_space<vmem_shared>> -> memref<102400xf32, #tpu.memory_space<vmem_shared>>
      tpu.enqueue_indirect_dma source(%arg16 : memref<10000xf32, #tpu.memory_space<vmem>>) target(%dma_start3A_187 : memref<102400xf32, #tpu.memory_space<vmem_shared>>) offsets(%arg15 : memref<10000xi32, #tpu.memory_space<vmem>>) semaphore(%run_scoped3A : memref<!tpu.dma_semaphore, #tpu.memory_space<semaphore_mem>>) {add = true}
      %dma_wait3A_188 = arith.constant 0 : i32
      %dma_wait3A_189 = tpu.memref_slice %arg27[%dma_wait3A_188] : memref<102400xf32, #tpu.memory_space<vmem_shared>> -> memref<102400xf32, #tpu.memory_space<vmem_shared>>
      tpu.wait_indirect_dma semaphore(%run_scoped3A : memref<!tpu.dma_semaphore, #tpu.memory_space<semaphore_mem>>) src(%arg16 : memref<10000xf32, #tpu.memory_space<vmem>>) dst(%dma_wait3A_189 : memref<102400xf32, #tpu.memory_space<vmem_shared>>)
      tpu.yield
    }) : () -> ()
    %add3A_89 = arith.constant 50000 : i32
    %add3A_90 = arith.addi %mul3A_14, %add3A_89 : i32
    %multiple_of3A_91 = tpu.assume_multiple %add3A_90, 8 : i32
    %add3A_92 = arith.constant 3200000 : i32
    %add3A_93 = arith.addi %add3A_92, %mul3A_14 : i32
    %add3A_94 = arith.constant 50000 : i32
    %add3A_95 = arith.addi %add3A_93, %add3A_94 : i32
    %multiple_of3A_96 = tpu.assume_multiple %add3A_95, 8 : i32
    %dma_start3A_97 = tpu.memref_slice %arg2[%multiple_of3A_91] : memref<6400000xi32, #tpu.memory_space<hbm>> -> memref<10000xi32, #tpu.memory_space<hbm>>
    %dma_start3A_98 = tpu.memref_slice %arg2[%multiple_of3A_91] : memref<6400000xi32, #tpu.memory_space<hbm>> -> memref<10000xi32, #tpu.memory_space<hbm>>
    tpu.enqueue_dma source(%dma_start3A_98 : memref<10000xi32, #tpu.memory_space<hbm>>) target(%arg13 : memref<10000xi32, #tpu.memory_space<vmem>>) target_semaphore(%arg20 : memref<!tpu.dma_semaphore, #tpu.memory_space<semaphore_mem>>)
    %dma_start3A_99 = tpu.memref_slice %arg2[%multiple_of3A_96] : memref<6400000xi32, #tpu.memory_space<hbm>> -> memref<10000xi32, #tpu.memory_space<hbm>>
    %dma_start3A_100 = tpu.memref_slice %arg2[%multiple_of3A_96] : memref<6400000xi32, #tpu.memory_space<hbm>> -> memref<10000xi32, #tpu.memory_space<hbm>>
    tpu.enqueue_dma source(%dma_start3A_100 : memref<10000xi32, #tpu.memory_space<hbm>>) target(%arg15 : memref<10000xi32, #tpu.memory_space<vmem>>) target_semaphore(%arg22 : memref<!tpu.dma_semaphore, #tpu.memory_space<semaphore_mem>>)
    %dma_wait3A_101 = tpu.memref_slice %arg2[%multiple_of3A_75] : memref<6400000xi32, #tpu.memory_space<hbm>> -> memref<10000xi32, #tpu.memory_space<hbm>>
    %dma_wait3A_102 = tpu.memref_slice %arg2[%multiple_of3A_75] : memref<6400000xi32, #tpu.memory_space<hbm>> -> memref<10000xi32, #tpu.memory_space<hbm>>
    tpu.wait_dma2 semaphore(%arg19 : memref<!tpu.dma_semaphore, #tpu.memory_space<semaphore_mem>>) src(%dma_wait3A_102 : memref<10000xi32, #tpu.memory_space<hbm>>) dst(%arg12 : memref<10000xi32, #tpu.memory_space<vmem>>)
    %dma_wait3A_103 = tpu.memref_slice %arg2[%multiple_of3A_80] : memref<6400000xi32, #tpu.memory_space<hbm>> -> memref<10000xi32, #tpu.memory_space<hbm>>
    %dma_wait3A_104 = tpu.memref_slice %arg2[%multiple_of3A_80] : memref<6400000xi32, #tpu.memory_space<hbm>> -> memref<10000xi32, #tpu.memory_space<hbm>>
    tpu.wait_dma2 semaphore(%arg21 : memref<!tpu.dma_semaphore, #tpu.memory_space<semaphore_mem>>) src(%dma_wait3A_104 : memref<10000xi32, #tpu.memory_space<hbm>>) dst(%arg14 : memref<10000xi32, #tpu.memory_space<vmem>>)
    "tpu.region"() ({
      %run_scoped3A = tpu.sem_alloc : memref<!tpu.dma_semaphore, #tpu.memory_space<semaphore_mem>>
      %dma_start3A_186 = arith.constant 0 : i32
      %dma_start3A_187 = tpu.memref_slice %arg26[%dma_start3A_186] : memref<102400xf32, #tpu.memory_space<vmem_shared>> -> memref<102400xf32, #tpu.memory_space<vmem_shared>>
      tpu.enqueue_indirect_dma source(%dma_start3A_187 : memref<102400xf32, #tpu.memory_space<vmem_shared>>) target(%arg16 : memref<10000xf32, #tpu.memory_space<vmem>>) offsets(%arg12 : memref<10000xi32, #tpu.memory_space<vmem>>) semaphore(%run_scoped3A : memref<!tpu.dma_semaphore, #tpu.memory_space<semaphore_mem>>)
      %dma_wait3A_188 = arith.constant 0 : i32
      %dma_wait3A_189 = tpu.memref_slice %arg26[%dma_wait3A_188] : memref<102400xf32, #tpu.memory_space<vmem_shared>> -> memref<102400xf32, #tpu.memory_space<vmem_shared>>
      tpu.wait_indirect_dma semaphore(%run_scoped3A : memref<!tpu.dma_semaphore, #tpu.memory_space<semaphore_mem>>) src(%dma_wait3A_189 : memref<102400xf32, #tpu.memory_space<vmem_shared>>) dst(%arg16 : memref<10000xf32, #tpu.memory_space<vmem>>)
      tpu.yield
    }) : () -> ()
    "tpu.region"() ({
      %run_scoped3A = tpu.sem_alloc : memref<!tpu.dma_semaphore, #tpu.memory_space<semaphore_mem>>
      %dma_start3A_186 = arith.constant 0 : i32
      %dma_start3A_187 = tpu.memref_slice %arg27[%dma_start3A_186] : memref<102400xf32, #tpu.memory_space<vmem_shared>> -> memref<102400xf32, #tpu.memory_space<vmem_shared>>
      tpu.enqueue_indirect_dma source(%arg16 : memref<10000xf32, #tpu.memory_space<vmem>>) target(%dma_start3A_187 : memref<102400xf32, #tpu.memory_space<vmem_shared>>) offsets(%arg14 : memref<10000xi32, #tpu.memory_space<vmem>>) semaphore(%run_scoped3A : memref<!tpu.dma_semaphore, #tpu.memory_space<semaphore_mem>>) {add = true}
      %dma_wait3A_188 = arith.constant 0 : i32
      %dma_wait3A_189 = tpu.memref_slice %arg27[%dma_wait3A_188] : memref<102400xf32, #tpu.memory_space<vmem_shared>> -> memref<102400xf32, #tpu.memory_space<vmem_shared>>
      tpu.wait_indirect_dma semaphore(%run_scoped3A : memref<!tpu.dma_semaphore, #tpu.memory_space<semaphore_mem>>) src(%arg16 : memref<10000xf32, #tpu.memory_space<vmem>>) dst(%dma_wait3A_189 : memref<102400xf32, #tpu.memory_space<vmem_shared>>)
      tpu.yield
    }) : () -> ()
    %add3A_105 = arith.constant 60000 : i32
    %add3A_106 = arith.addi %mul3A_14, %add3A_105 : i32
    %multiple_of3A_107 = tpu.assume_multiple %add3A_106, 8 : i32
    %add3A_108 = arith.constant 3200000 : i32
    %add3A_109 = arith.addi %add3A_108, %mul3A_14 : i32
    %add3A_110 = arith.constant 60000 : i32
    %add3A_111 = arith.addi %add3A_109, %add3A_110 : i32
    %multiple_of3A_112 = tpu.assume_multiple %add3A_111, 8 : i32
    %dma_start3A_113 = tpu.memref_slice %arg2[%multiple_of3A_107] : memref<6400000xi32, #tpu.memory_space<hbm>> -> memref<10000xi32, #tpu.memory_space<hbm>>
    %dma_start3A_114 = tpu.memref_slice %arg2[%multiple_of3A_107] : memref<6400000xi32, #tpu.memory_space<hbm>> -> memref<10000xi32, #tpu.memory_space<hbm>>
    tpu.enqueue_dma source(%dma_start3A_114 : memref<10000xi32, #tpu.memory_space<hbm>>) target(%arg12 : memref<10000xi32, #tpu.memory_space<vmem>>) target_semaphore(%arg19 : memref<!tpu.dma_semaphore, #tpu.memory_space<semaphore_mem>>)
    %dma_start3A_115 = tpu.memref_slice %arg2[%multiple_of3A_112] : memref<6400000xi32, #tpu.memory_space<hbm>> -> memref<10000xi32, #tpu.memory_space<hbm>>
    %dma_start3A_116 = tpu.memref_slice %arg2[%multiple_of3A_112] : memref<6400000xi32, #tpu.memory_space<hbm>> -> memref<10000xi32, #tpu.memory_space<hbm>>
    tpu.enqueue_dma source(%dma_start3A_116 : memref<10000xi32, #tpu.memory_space<hbm>>) target(%arg14 : memref<10000xi32, #tpu.memory_space<vmem>>) target_semaphore(%arg21 : memref<!tpu.dma_semaphore, #tpu.memory_space<semaphore_mem>>)
    %dma_wait3A_117 = tpu.memref_slice %arg2[%multiple_of3A_91] : memref<6400000xi32, #tpu.memory_space<hbm>> -> memref<10000xi32, #tpu.memory_space<hbm>>
    %dma_wait3A_118 = tpu.memref_slice %arg2[%multiple_of3A_91] : memref<6400000xi32, #tpu.memory_space<hbm>> -> memref<10000xi32, #tpu.memory_space<hbm>>
    tpu.wait_dma2 semaphore(%arg20 : memref<!tpu.dma_semaphore, #tpu.memory_space<semaphore_mem>>) src(%dma_wait3A_118 : memref<10000xi32, #tpu.memory_space<hbm>>) dst(%arg13 : memref<10000xi32, #tpu.memory_space<vmem>>)
    %dma_wait3A_119 = tpu.memref_slice %arg2[%multiple_of3A_96] : memref<6400000xi32, #tpu.memory_space<hbm>> -> memref<10000xi32, #tpu.memory_space<hbm>>
    %dma_wait3A_120 = tpu.memref_slice %arg2[%multiple_of3A_96] : memref<6400000xi32, #tpu.memory_space<hbm>> -> memref<10000xi32, #tpu.memory_space<hbm>>
    tpu.wait_dma2 semaphore(%arg22 : memref<!tpu.dma_semaphore, #tpu.memory_space<semaphore_mem>>) src(%dma_wait3A_120 : memref<10000xi32, #tpu.memory_space<hbm>>) dst(%arg15 : memref<10000xi32, #tpu.memory_space<vmem>>)
    "tpu.region"() ({
      %run_scoped3A = tpu.sem_alloc : memref<!tpu.dma_semaphore, #tpu.memory_space<semaphore_mem>>
      %dma_start3A_186 = arith.constant 0 : i32
      %dma_start3A_187 = tpu.memref_slice %arg26[%dma_start3A_186] : memref<102400xf32, #tpu.memory_space<vmem_shared>> -> memref<102400xf32, #tpu.memory_space<vmem_shared>>
      tpu.enqueue_indirect_dma source(%dma_start3A_187 : memref<102400xf32, #tpu.memory_space<vmem_shared>>) target(%arg16 : memref<10000xf32, #tpu.memory_space<vmem>>) offsets(%arg13 : memref<10000xi32, #tpu.memory_space<vmem>>) semaphore(%run_scoped3A : memref<!tpu.dma_semaphore, #tpu.memory_space<semaphore_mem>>)
      %dma_wait3A_188 = arith.constant 0 : i32
      %dma_wait3A_189 = tpu.memref_slice %arg26[%dma_wait3A_188] : memref<102400xf32, #tpu.memory_space<vmem_shared>> -> memref<102400xf32, #tpu.memory_space<vmem_shared>>
      tpu.wait_indirect_dma semaphore(%run_scoped3A : memref<!tpu.dma_semaphore, #tpu.memory_space<semaphore_mem>>) src(%dma_wait3A_189 : memref<102400xf32, #tpu.memory_space<vmem_shared>>) dst(%arg16 : memref<10000xf32, #tpu.memory_space<vmem>>)
      tpu.yield
    }) : () -> ()
    "tpu.region"() ({
      %run_scoped3A = tpu.sem_alloc : memref<!tpu.dma_semaphore, #tpu.memory_space<semaphore_mem>>
      %dma_start3A_186 = arith.constant 0 : i32
      %dma_start3A_187 = tpu.memref_slice %arg27[%dma_start3A_186] : memref<102400xf32, #tpu.memory_space<vmem_shared>> -> memref<102400xf32, #tpu.memory_space<vmem_shared>>
      tpu.enqueue_indirect_dma source(%arg16 : memref<10000xf32, #tpu.memory_space<vmem>>) target(%dma_start3A_187 : memref<102400xf32, #tpu.memory_space<vmem_shared>>) offsets(%arg15 : memref<10000xi32, #tpu.memory_space<vmem>>) semaphore(%run_scoped3A : memref<!tpu.dma_semaphore, #tpu.memory_space<semaphore_mem>>) {add = true}
      %dma_wait3A_188 = arith.constant 0 : i32
      %dma_wait3A_189 = tpu.memref_slice %arg27[%dma_wait3A_188] : memref<102400xf32, #tpu.memory_space<vmem_shared>> -> memref<102400xf32, #tpu.memory_space<vmem_shared>>
      tpu.wait_indirect_dma semaphore(%run_scoped3A : memref<!tpu.dma_semaphore, #tpu.memory_space<semaphore_mem>>) src(%arg16 : memref<10000xf32, #tpu.memory_space<vmem>>) dst(%dma_wait3A_189 : memref<102400xf32, #tpu.memory_space<vmem_shared>>)
      tpu.yield
    }) : () -> ()
    %add3A_121 = arith.constant 70000 : i32
    %add3A_122 = arith.addi %mul3A_14, %add3A_121 : i32
    %multiple_of3A_123 = tpu.assume_multiple %add3A_122, 8 : i32
    %add3A_124 = arith.constant 3200000 : i32
    %add3A_125 = arith.addi %add3A_124, %mul3A_14 : i32
    %add3A_126 = arith.constant 70000 : i32
    %add3A_127 = arith.addi %add3A_125, %add3A_126 : i32
    %multiple_of3A_128 = tpu.assume_multiple %add3A_127, 8 : i32
    %dma_start3A_129 = tpu.memref_slice %arg2[%multiple_of3A_123] : memref<6400000xi32, #tpu.memory_space<hbm>> -> memref<10000xi32, #tpu.memory_space<hbm>>
    %dma_start3A_130 = tpu.memref_slice %arg2[%multiple_of3A_123] : memref<6400000xi32, #tpu.memory_space<hbm>> -> memref<10000xi32, #tpu.memory_space<hbm>>
    tpu.enqueue_dma source(%dma_start3A_130 : memref<10000xi32, #tpu.memory_space<hbm>>) target(%arg13 : memref<10000xi32, #tpu.memory_space<vmem>>) target_semaphore(%arg20 : memref<!tpu.dma_semaphore, #tpu.memory_space<semaphore_mem>>)
    %dma_start3A_131 = tpu.memref_slice %arg2[%multiple_of3A_128] : memref<6400000xi32, #tpu.memory_space<hbm>> -> memref<10000xi32, #tpu.memory_space<hbm>>
    %dma_start3A_132 = tpu.memref_slice %arg2[%multiple_of3A_128] : memref<6400000xi32, #tpu.memory_space<hbm>> -> memref<10000xi32, #tpu.memory_space<hbm>>
    tpu.enqueue_dma source(%dma_start3A_132 : memref<10000xi32, #tpu.memory_space<hbm>>) target(%arg15 : memref<10000xi32, #tpu.memory_space<vmem>>) target_semaphore(%arg22 : memref<!tpu.dma_semaphore, #tpu.memory_space<semaphore_mem>>)
    %dma_wait3A_133 = tpu.memref_slice %arg2[%multiple_of3A_107] : memref<6400000xi32, #tpu.memory_space<hbm>> -> memref<10000xi32, #tpu.memory_space<hbm>>
    %dma_wait3A_134 = tpu.memref_slice %arg2[%multiple_of3A_107] : memref<6400000xi32, #tpu.memory_space<hbm>> -> memref<10000xi32, #tpu.memory_space<hbm>>
    tpu.wait_dma2 semaphore(%arg19 : memref<!tpu.dma_semaphore, #tpu.memory_space<semaphore_mem>>) src(%dma_wait3A_134 : memref<10000xi32, #tpu.memory_space<hbm>>) dst(%arg12 : memref<10000xi32, #tpu.memory_space<vmem>>)
    %dma_wait3A_135 = tpu.memref_slice %arg2[%multiple_of3A_112] : memref<6400000xi32, #tpu.memory_space<hbm>> -> memref<10000xi32, #tpu.memory_space<hbm>>
    %dma_wait3A_136 = tpu.memref_slice %arg2[%multiple_of3A_112] : memref<6400000xi32, #tpu.memory_space<hbm>> -> memref<10000xi32, #tpu.memory_space<hbm>>
    tpu.wait_dma2 semaphore(%arg21 : memref<!tpu.dma_semaphore, #tpu.memory_space<semaphore_mem>>) src(%dma_wait3A_136 : memref<10000xi32, #tpu.memory_space<hbm>>) dst(%arg14 : memref<10000xi32, #tpu.memory_space<vmem>>)
    "tpu.region"() ({
      %run_scoped3A = tpu.sem_alloc : memref<!tpu.dma_semaphore, #tpu.memory_space<semaphore_mem>>
      %dma_start3A_186 = arith.constant 0 : i32
      %dma_start3A_187 = tpu.memref_slice %arg26[%dma_start3A_186] : memref<102400xf32, #tpu.memory_space<vmem_shared>> -> memref<102400xf32, #tpu.memory_space<vmem_shared>>
      tpu.enqueue_indirect_dma source(%dma_start3A_187 : memref<102400xf32, #tpu.memory_space<vmem_shared>>) target(%arg16 : memref<10000xf32, #tpu.memory_space<vmem>>) offsets(%arg12 : memref<10000xi32, #tpu.memory_space<vmem>>) semaphore(%run_scoped3A : memref<!tpu.dma_semaphore, #tpu.memory_space<semaphore_mem>>)
      %dma_wait3A_188 = arith.constant 0 : i32
      %dma_wait3A_189 = tpu.memref_slice %arg26[%dma_wait3A_188] : memref<102400xf32, #tpu.memory_space<vmem_shared>> -> memref<102400xf32, #tpu.memory_space<vmem_shared>>
      tpu.wait_indirect_dma semaphore(%run_scoped3A : memref<!tpu.dma_semaphore, #tpu.memory_space<semaphore_mem>>) src(%dma_wait3A_189 : memref<102400xf32, #tpu.memory_space<vmem_shared>>) dst(%arg16 : memref<10000xf32, #tpu.memory_space<vmem>>)
      tpu.yield
    }) : () -> ()
    "tpu.region"() ({
      %run_scoped3A = tpu.sem_alloc : memref<!tpu.dma_semaphore, #tpu.memory_space<semaphore_mem>>
      %dma_start3A_186 = arith.constant 0 : i32
      %dma_start3A_187 = tpu.memref_slice %arg27[%dma_start3A_186] : memref<102400xf32, #tpu.memory_space<vmem_shared>> -> memref<102400xf32, #tpu.memory_space<vmem_shared>>
      tpu.enqueue_indirect_dma source(%arg16 : memref<10000xf32, #tpu.memory_space<vmem>>) target(%dma_start3A_187 : memref<102400xf32, #tpu.memory_space<vmem_shared>>) offsets(%arg14 : memref<10000xi32, #tpu.memory_space<vmem>>) semaphore(%run_scoped3A : memref<!tpu.dma_semaphore, #tpu.memory_space<semaphore_mem>>) {add = true}
      %dma_wait3A_188 = arith.constant 0 : i32
      %dma_wait3A_189 = tpu.memref_slice %arg27[%dma_wait3A_188] : memref<102400xf32, #tpu.memory_space<vmem_shared>> -> memref<102400xf32, #tpu.memory_space<vmem_shared>>
      tpu.wait_indirect_dma semaphore(%run_scoped3A : memref<!tpu.dma_semaphore, #tpu.memory_space<semaphore_mem>>) src(%arg16 : memref<10000xf32, #tpu.memory_space<vmem>>) dst(%dma_wait3A_189 : memref<102400xf32, #tpu.memory_space<vmem_shared>>)
      tpu.yield
    }) : () -> ()
    %add3A_137 = arith.constant 80000 : i32
    %add3A_138 = arith.addi %mul3A_14, %add3A_137 : i32
    %multiple_of3A_139 = tpu.assume_multiple %add3A_138, 8 : i32
    %add3A_140 = arith.constant 3200000 : i32
    %add3A_141 = arith.addi %add3A_140, %mul3A_14 : i32
    %add3A_142 = arith.constant 80000 : i32
    %add3A_143 = arith.addi %add3A_141, %add3A_142 : i32
    %multiple_of3A_144 = tpu.assume_multiple %add3A_143, 8 : i32
    %dma_start3A_145 = tpu.memref_slice %arg2[%multiple_of3A_139] : memref<6400000xi32, #tpu.memory_space<hbm>> -> memref<10000xi32, #tpu.memory_space<hbm>>
    %dma_start3A_146 = tpu.memref_slice %arg2[%multiple_of3A_139] : memref<6400000xi32, #tpu.memory_space<hbm>> -> memref<10000xi32, #tpu.memory_space<hbm>>
    tpu.enqueue_dma source(%dma_start3A_146 : memref<10000xi32, #tpu.memory_space<hbm>>) target(%arg12 : memref<10000xi32, #tpu.memory_space<vmem>>) target_semaphore(%arg19 : memref<!tpu.dma_semaphore, #tpu.memory_space<semaphore_mem>>)
    %dma_start3A_147 = tpu.memref_slice %arg2[%multiple_of3A_144] : memref<6400000xi32, #tpu.memory_space<hbm>> -> memref<10000xi32, #tpu.memory_space<hbm>>
    %dma_start3A_148 = tpu.memref_slice %arg2[%multiple_of3A_144] : memref<6400000xi32, #tpu.memory_space<hbm>> -> memref<10000xi32, #tpu.memory_space<hbm>>
    tpu.enqueue_dma source(%dma_start3A_148 : memref<10000xi32, #tpu.memory_space<hbm>>) target(%arg14 : memref<10000xi32, #tpu.memory_space<vmem>>) target_semaphore(%arg21 : memref<!tpu.dma_semaphore, #tpu.memory_space<semaphore_mem>>)
    %dma_wait3A_149 = tpu.memref_slice %arg2[%multiple_of3A_123] : memref<6400000xi32, #tpu.memory_space<hbm>> -> memref<10000xi32, #tpu.memory_space<hbm>>
    %dma_wait3A_150 = tpu.memref_slice %arg2[%multiple_of3A_123] : memref<6400000xi32, #tpu.memory_space<hbm>> -> memref<10000xi32, #tpu.memory_space<hbm>>
    tpu.wait_dma2 semaphore(%arg20 : memref<!tpu.dma_semaphore, #tpu.memory_space<semaphore_mem>>) src(%dma_wait3A_150 : memref<10000xi32, #tpu.memory_space<hbm>>) dst(%arg13 : memref<10000xi32, #tpu.memory_space<vmem>>)
    %dma_wait3A_151 = tpu.memref_slice %arg2[%multiple_of3A_128] : memref<6400000xi32, #tpu.memory_space<hbm>> -> memref<10000xi32, #tpu.memory_space<hbm>>
    %dma_wait3A_152 = tpu.memref_slice %arg2[%multiple_of3A_128] : memref<6400000xi32, #tpu.memory_space<hbm>> -> memref<10000xi32, #tpu.memory_space<hbm>>
    tpu.wait_dma2 semaphore(%arg22 : memref<!tpu.dma_semaphore, #tpu.memory_space<semaphore_mem>>) src(%dma_wait3A_152 : memref<10000xi32, #tpu.memory_space<hbm>>) dst(%arg15 : memref<10000xi32, #tpu.memory_space<vmem>>)
    "tpu.region"() ({
      %run_scoped3A = tpu.sem_alloc : memref<!tpu.dma_semaphore, #tpu.memory_space<semaphore_mem>>
      %dma_start3A_186 = arith.constant 0 : i32
      %dma_start3A_187 = tpu.memref_slice %arg26[%dma_start3A_186] : memref<102400xf32, #tpu.memory_space<vmem_shared>> -> memref<102400xf32, #tpu.memory_space<vmem_shared>>
      tpu.enqueue_indirect_dma source(%dma_start3A_187 : memref<102400xf32, #tpu.memory_space<vmem_shared>>) target(%arg16 : memref<10000xf32, #tpu.memory_space<vmem>>) offsets(%arg13 : memref<10000xi32, #tpu.memory_space<vmem>>) semaphore(%run_scoped3A : memref<!tpu.dma_semaphore, #tpu.memory_space<semaphore_mem>>)
      %dma_wait3A_188 = arith.constant 0 : i32
      %dma_wait3A_189 = tpu.memref_slice %arg26[%dma_wait3A_188] : memref<102400xf32, #tpu.memory_space<vmem_shared>> -> memref<102400xf32, #tpu.memory_space<vmem_shared>>
      tpu.wait_indirect_dma semaphore(%run_scoped3A : memref<!tpu.dma_semaphore, #tpu.memory_space<semaphore_mem>>) src(%dma_wait3A_189 : memref<102400xf32, #tpu.memory_space<vmem_shared>>) dst(%arg16 : memref<10000xf32, #tpu.memory_space<vmem>>)
      tpu.yield
    }) : () -> ()
    "tpu.region"() ({
      %run_scoped3A = tpu.sem_alloc : memref<!tpu.dma_semaphore, #tpu.memory_space<semaphore_mem>>
      %dma_start3A_186 = arith.constant 0 : i32
      %dma_start3A_187 = tpu.memref_slice %arg27[%dma_start3A_186] : memref<102400xf32, #tpu.memory_space<vmem_shared>> -> memref<102400xf32, #tpu.memory_space<vmem_shared>>
      tpu.enqueue_indirect_dma source(%arg16 : memref<10000xf32, #tpu.memory_space<vmem>>) target(%dma_start3A_187 : memref<102400xf32, #tpu.memory_space<vmem_shared>>) offsets(%arg15 : memref<10000xi32, #tpu.memory_space<vmem>>) semaphore(%run_scoped3A : memref<!tpu.dma_semaphore, #tpu.memory_space<semaphore_mem>>) {add = true}
      %dma_wait3A_188 = arith.constant 0 : i32
      %dma_wait3A_189 = tpu.memref_slice %arg27[%dma_wait3A_188] : memref<102400xf32, #tpu.memory_space<vmem_shared>> -> memref<102400xf32, #tpu.memory_space<vmem_shared>>
      tpu.wait_indirect_dma semaphore(%run_scoped3A : memref<!tpu.dma_semaphore, #tpu.memory_space<semaphore_mem>>) src(%arg16 : memref<10000xf32, #tpu.memory_space<vmem>>) dst(%dma_wait3A_189 : memref<102400xf32, #tpu.memory_space<vmem_shared>>)
      tpu.yield
    }) : () -> ()
    %add3A_153 = arith.constant 90000 : i32
    %add3A_154 = arith.addi %mul3A_14, %add3A_153 : i32
    %multiple_of3A_155 = tpu.assume_multiple %add3A_154, 8 : i32
    %add3A_156 = arith.constant 3200000 : i32
    %add3A_157 = arith.addi %add3A_156, %mul3A_14 : i32
    %add3A_158 = arith.constant 90000 : i32
    %add3A_159 = arith.addi %add3A_157, %add3A_158 : i32
    %multiple_of3A_160 = tpu.assume_multiple %add3A_159, 8 : i32
    %dma_start3A_161 = tpu.memref_slice %arg2[%multiple_of3A_155] : memref<6400000xi32, #tpu.memory_space<hbm>> -> memref<10000xi32, #tpu.memory_space<hbm>>
    %dma_start3A_162 = tpu.memref_slice %arg2[%multiple_of3A_155] : memref<6400000xi32, #tpu.memory_space<hbm>> -> memref<10000xi32, #tpu.memory_space<hbm>>
    tpu.enqueue_dma source(%dma_start3A_162 : memref<10000xi32, #tpu.memory_space<hbm>>) target(%arg13 : memref<10000xi32, #tpu.memory_space<vmem>>) target_semaphore(%arg20 : memref<!tpu.dma_semaphore, #tpu.memory_space<semaphore_mem>>)
    %dma_start3A_163 = tpu.memref_slice %arg2[%multiple_of3A_160] : memref<6400000xi32, #tpu.memory_space<hbm>> -> memref<10000xi32, #tpu.memory_space<hbm>>
    %dma_start3A_164 = tpu.memref_slice %arg2[%multiple_of3A_160] : memref<6400000xi32, #tpu.memory_space<hbm>> -> memref<10000xi32, #tpu.memory_space<hbm>>
    tpu.enqueue_dma source(%dma_start3A_164 : memref<10000xi32, #tpu.memory_space<hbm>>) target(%arg15 : memref<10000xi32, #tpu.memory_space<vmem>>) target_semaphore(%arg22 : memref<!tpu.dma_semaphore, #tpu.memory_space<semaphore_mem>>)
    %dma_wait3A_165 = tpu.memref_slice %arg2[%multiple_of3A_139] : memref<6400000xi32, #tpu.memory_space<hbm>> -> memref<10000xi32, #tpu.memory_space<hbm>>
    %dma_wait3A_166 = tpu.memref_slice %arg2[%multiple_of3A_139] : memref<6400000xi32, #tpu.memory_space<hbm>> -> memref<10000xi32, #tpu.memory_space<hbm>>
    tpu.wait_dma2 semaphore(%arg19 : memref<!tpu.dma_semaphore, #tpu.memory_space<semaphore_mem>>) src(%dma_wait3A_166 : memref<10000xi32, #tpu.memory_space<hbm>>) dst(%arg12 : memref<10000xi32, #tpu.memory_space<vmem>>)
    %dma_wait3A_167 = tpu.memref_slice %arg2[%multiple_of3A_144] : memref<6400000xi32, #tpu.memory_space<hbm>> -> memref<10000xi32, #tpu.memory_space<hbm>>
    %dma_wait3A_168 = tpu.memref_slice %arg2[%multiple_of3A_144] : memref<6400000xi32, #tpu.memory_space<hbm>> -> memref<10000xi32, #tpu.memory_space<hbm>>
    tpu.wait_dma2 semaphore(%arg21 : memref<!tpu.dma_semaphore, #tpu.memory_space<semaphore_mem>>) src(%dma_wait3A_168 : memref<10000xi32, #tpu.memory_space<hbm>>) dst(%arg14 : memref<10000xi32, #tpu.memory_space<vmem>>)
    "tpu.region"() ({
      %run_scoped3A = tpu.sem_alloc : memref<!tpu.dma_semaphore, #tpu.memory_space<semaphore_mem>>
      %dma_start3A_186 = arith.constant 0 : i32
      %dma_start3A_187 = tpu.memref_slice %arg26[%dma_start3A_186] : memref<102400xf32, #tpu.memory_space<vmem_shared>> -> memref<102400xf32, #tpu.memory_space<vmem_shared>>
      tpu.enqueue_indirect_dma source(%dma_start3A_187 : memref<102400xf32, #tpu.memory_space<vmem_shared>>) target(%arg16 : memref<10000xf32, #tpu.memory_space<vmem>>) offsets(%arg12 : memref<10000xi32, #tpu.memory_space<vmem>>) semaphore(%run_scoped3A : memref<!tpu.dma_semaphore, #tpu.memory_space<semaphore_mem>>)
      %dma_wait3A_188 = arith.constant 0 : i32
      %dma_wait3A_189 = tpu.memref_slice %arg26[%dma_wait3A_188] : memref<102400xf32, #tpu.memory_space<vmem_shared>> -> memref<102400xf32, #tpu.memory_space<vmem_shared>>
      tpu.wait_indirect_dma semaphore(%run_scoped3A : memref<!tpu.dma_semaphore, #tpu.memory_space<semaphore_mem>>) src(%dma_wait3A_189 : memref<102400xf32, #tpu.memory_space<vmem_shared>>) dst(%arg16 : memref<10000xf32, #tpu.memory_space<vmem>>)
      tpu.yield
    }) : () -> ()
    "tpu.region"() ({
      %run_scoped3A = tpu.sem_alloc : memref<!tpu.dma_semaphore, #tpu.memory_space<semaphore_mem>>
      %dma_start3A_186 = arith.constant 0 : i32
      %dma_start3A_187 = tpu.memref_slice %arg27[%dma_start3A_186] : memref<102400xf32, #tpu.memory_space<vmem_shared>> -> memref<102400xf32, #tpu.memory_space<vmem_shared>>
      tpu.enqueue_indirect_dma source(%arg16 : memref<10000xf32, #tpu.memory_space<vmem>>) target(%dma_start3A_187 : memref<102400xf32, #tpu.memory_space<vmem_shared>>) offsets(%arg14 : memref<10000xi32, #tpu.memory_space<vmem>>) semaphore(%run_scoped3A : memref<!tpu.dma_semaphore, #tpu.memory_space<semaphore_mem>>) {add = true}
      %dma_wait3A_188 = arith.constant 0 : i32
      %dma_wait3A_189 = tpu.memref_slice %arg27[%dma_wait3A_188] : memref<102400xf32, #tpu.memory_space<vmem_shared>> -> memref<102400xf32, #tpu.memory_space<vmem_shared>>
      tpu.wait_indirect_dma semaphore(%run_scoped3A : memref<!tpu.dma_semaphore, #tpu.memory_space<semaphore_mem>>) src(%arg16 : memref<10000xf32, #tpu.memory_space<vmem>>) dst(%dma_wait3A_189 : memref<102400xf32, #tpu.memory_space<vmem_shared>>)
      tpu.yield
    }) : () -> ()
    %dma_wait3A_169 = tpu.memref_slice %arg2[%multiple_of3A_155] : memref<6400000xi32, #tpu.memory_space<hbm>> -> memref<10000xi32, #tpu.memory_space<hbm>>
    %dma_wait3A_170 = tpu.memref_slice %arg2[%multiple_of3A_155] : memref<6400000xi32, #tpu.memory_space<hbm>> -> memref<10000xi32, #tpu.memory_space<hbm>>
    tpu.wait_dma2 semaphore(%arg20 : memref<!tpu.dma_semaphore, #tpu.memory_space<semaphore_mem>>) src(%dma_wait3A_170 : memref<10000xi32, #tpu.memory_space<hbm>>) dst(%arg13 : memref<10000xi32, #tpu.memory_space<vmem>>)
    %dma_wait3A_171 = tpu.memref_slice %arg2[%multiple_of3A_160] : memref<6400000xi32, #tpu.memory_space<hbm>> -> memref<10000xi32, #tpu.memory_space<hbm>>
    %dma_wait3A_172 = tpu.memref_slice %arg2[%multiple_of3A_160] : memref<6400000xi32, #tpu.memory_space<hbm>> -> memref<10000xi32, #tpu.memory_space<hbm>>
    tpu.wait_dma2 semaphore(%arg22 : memref<!tpu.dma_semaphore, #tpu.memory_space<semaphore_mem>>) src(%dma_wait3A_172 : memref<10000xi32, #tpu.memory_space<hbm>>) dst(%arg15 : memref<10000xi32, #tpu.memory_space<vmem>>)
    "tpu.region"() ({
      %run_scoped3A = tpu.sem_alloc : memref<!tpu.dma_semaphore, #tpu.memory_space<semaphore_mem>>
      %dma_start3A_186 = arith.constant 0 : i32
      %dma_start3A_187 = tpu.memref_slice %arg26[%dma_start3A_186] : memref<102400xf32, #tpu.memory_space<vmem_shared>> -> memref<102400xf32, #tpu.memory_space<vmem_shared>>
      tpu.enqueue_indirect_dma source(%dma_start3A_187 : memref<102400xf32, #tpu.memory_space<vmem_shared>>) target(%arg16 : memref<10000xf32, #tpu.memory_space<vmem>>) offsets(%arg13 : memref<10000xi32, #tpu.memory_space<vmem>>) semaphore(%run_scoped3A : memref<!tpu.dma_semaphore, #tpu.memory_space<semaphore_mem>>)
      %dma_wait3A_188 = arith.constant 0 : i32
      %dma_wait3A_189 = tpu.memref_slice %arg26[%dma_wait3A_188] : memref<102400xf32, #tpu.memory_space<vmem_shared>> -> memref<102400xf32, #tpu.memory_space<vmem_shared>>
      tpu.wait_indirect_dma semaphore(%run_scoped3A : memref<!tpu.dma_semaphore, #tpu.memory_space<semaphore_mem>>) src(%dma_wait3A_189 : memref<102400xf32, #tpu.memory_space<vmem_shared>>) dst(%arg16 : memref<10000xf32, #tpu.memory_space<vmem>>)
      tpu.yield
    }) : () -> ()
    "tpu.region"() ({
      %run_scoped3A = tpu.sem_alloc : memref<!tpu.dma_semaphore, #tpu.memory_space<semaphore_mem>>
      %dma_start3A_186 = arith.constant 0 : i32
      %dma_start3A_187 = tpu.memref_slice %arg27[%dma_start3A_186] : memref<102400xf32, #tpu.memory_space<vmem_shared>> -> memref<102400xf32, #tpu.memory_space<vmem_shared>>
      tpu.enqueue_indirect_dma source(%arg16 : memref<10000xf32, #tpu.memory_space<vmem>>) target(%dma_start3A_187 : memref<102400xf32, #tpu.memory_space<vmem_shared>>) offsets(%arg15 : memref<10000xi32, #tpu.memory_space<vmem>>) semaphore(%run_scoped3A : memref<!tpu.dma_semaphore, #tpu.memory_space<semaphore_mem>>) {add = true}
      %dma_wait3A_188 = arith.constant 0 : i32
      %dma_wait3A_189 = tpu.memref_slice %arg27[%dma_wait3A_188] : memref<102400xf32, #tpu.memory_space<vmem_shared>> -> memref<102400xf32, #tpu.memory_space<vmem_shared>>
      tpu.wait_indirect_dma semaphore(%run_scoped3A : memref<!tpu.dma_semaphore, #tpu.memory_space<semaphore_mem>>) src(%arg16 : memref<10000xf32, #tpu.memory_space<vmem>>) dst(%dma_wait3A_189 : memref<102400xf32, #tpu.memory_space<vmem_shared>>)
      tpu.yield
    }) : () -> ()
    %barrier3A_173 = arith.constant 0 : index
    tpu.barrier barrier_id(%barrier3A_173)
    %eq3A_174 = arith.constant 0 : i32
    %eq3A_175 = arith.cmpi eq, %arg0, %eq3A_174 : i32
    %convert_element_type3A_176 = arith.extui %eq3A_175 : i1 to i32
    %cond3A_177 = arith.constant 0 : i32
    %cond3A_178 = arith.cmpi ne, %convert_element_type3A_176, %cond3A_177 : i32
    scf.if %cond3A_178 {
      "tpu.region"() ({
        %run_scoped3A = tpu.sem_alloc : memref<!tpu.dma_semaphore, #tpu.memory_space<semaphore_mem>>
        %dma_start3A_186 = tpu.memref_slice %arg9[%mul3A_2] : memref<102400xf32, #tpu.memory_space<hbm>> -> memref<6400xf32, #tpu.memory_space<hbm>>
        %dma_start3A_187 = tpu.memref_slice %arg27[%mul3A_2] : memref<102400xf32, #tpu.memory_space<vmem_shared>> -> memref<6400xf32, #tpu.memory_space<vmem_shared>>
        tpu.enqueue_dma source(%dma_start3A_187 : memref<6400xf32, #tpu.memory_space<vmem_shared>>) target(%dma_start3A_186 : memref<6400xf32, #tpu.memory_space<hbm>>) target_semaphore(%run_scoped3A : memref<!tpu.dma_semaphore, #tpu.memory_space<semaphore_mem>>)
        %dma_wait3A_188 = tpu.memref_slice %arg9[%mul3A_2] : memref<102400xf32, #tpu.memory_space<hbm>> -> memref<6400xf32, #tpu.memory_space<hbm>>
        %dma_wait3A_189 = tpu.memref_slice %arg27[%mul3A_2] : memref<102400xf32, #tpu.memory_space<vmem_shared>> -> memref<6400xf32, #tpu.memory_space<vmem_shared>>
        tpu.wait_dma2 semaphore(%run_scoped3A : memref<!tpu.dma_semaphore, #tpu.memory_space<semaphore_mem>>) src(%dma_wait3A_189 : memref<6400xf32, #tpu.memory_space<vmem_shared>>) dst(%dma_wait3A_188 : memref<6400xf32, #tpu.memory_space<hbm>>)
        tpu.yield
      }) : () -> ()
    } else {
    }
    %eq3A_179 = arith.constant 1 : i32
    %eq3A_180 = arith.cmpi eq, %arg0, %eq3A_179 : i32
    %convert_element_type3A_181 = arith.extui %eq3A_180 : i1 to i32
    %cond3A_182 = arith.constant 0 : i32
    %cond3A_183 = arith.cmpi ne, %convert_element_type3A_181, %cond3A_182 : i32
    scf.if %cond3A_183 {
      "tpu.region"() ({
        %run_scoped3A = tpu.sem_alloc : memref<!tpu.dma_semaphore, #tpu.memory_space<semaphore_mem>>
        %dma_start3A_186 = tpu.memref_slice %arg10[%mul3A_2] : memref<102400xf32, #tpu.memory_space<hbm>> -> memref<6400xf32, #tpu.memory_space<hbm>>
        %dma_start3A_187 = tpu.memref_slice %arg27[%mul3A_2] : memref<102400xf32, #tpu.memory_space<vmem_shared>> -> memref<6400xf32, #tpu.memory_space<vmem_shared>>
        tpu.enqueue_dma source(%dma_start3A_187 : memref<6400xf32, #tpu.memory_space<vmem_shared>>) target(%dma_start3A_186 : memref<6400xf32, #tpu.memory_space<hbm>>) target_semaphore(%run_scoped3A : memref<!tpu.dma_semaphore, #tpu.memory_space<semaphore_mem>>)
        %dma_wait3A_188 = tpu.memref_slice %arg10[%mul3A_2] : memref<102400xf32, #tpu.memory_space<hbm>> -> memref<6400xf32, #tpu.memory_space<hbm>>
        %dma_wait3A_189 = tpu.memref_slice %arg27[%mul3A_2] : memref<102400xf32, #tpu.memory_space<vmem_shared>> -> memref<6400xf32, #tpu.memory_space<vmem_shared>>
        tpu.wait_dma2 semaphore(%run_scoped3A : memref<!tpu.dma_semaphore, #tpu.memory_space<semaphore_mem>>) src(%dma_wait3A_189 : memref<6400xf32, #tpu.memory_space<vmem_shared>>) dst(%dma_wait3A_188 : memref<6400xf32, #tpu.memory_space<hbm>>)
        tpu.yield
      }) : () -> ()
    } else {
    }
    %dma_wait3A_184 = arith.constant 0 : i32
    %dma_wait3A_185 = tpu.memref_slice %arg6[%dma_wait3A_184] : memref<100000xf32, #tpu.memory_space<hbm>> -> memref<100000xf32, #tpu.memory_space<hbm>>
    tpu.wait_indirect_dma semaphore(%arg25 : memref<!tpu.dma_semaphore, #tpu.memory_space<semaphore_mem>>) src(%dma_wait3A_185 : memref<100000xf32, #tpu.memory_space<hbm>>) dst(%arg24 : memref<2976xf32, #tpu.memory_space<vmem>>)
    "tpu.region"() ({
      %run_scoped3A = tpu.sem_alloc : memref<!tpu.dma_semaphore, #tpu.memory_space<semaphore_mem>>
      %dma_start3A_186 = tpu.memref_slice %arg11[%mul3A_4] : memref<95232xf32, #tpu.memory_space<hbm>> -> memref<2976xf32, #tpu.memory_space<hbm>>
      %dma_start3A_187 = tpu.memref_slice %arg11[%mul3A_4] : memref<95232xf32, #tpu.memory_space<hbm>> -> memref<2976xf32, #tpu.memory_space<hbm>>
      tpu.enqueue_dma source(%arg24 : memref<2976xf32, #tpu.memory_space<vmem>>) target(%dma_start3A_187 : memref<2976xf32, #tpu.memory_space<hbm>>) target_semaphore(%run_scoped3A : memref<!tpu.dma_semaphore, #tpu.memory_space<semaphore_mem>>)
      %dma_wait3A_188 = tpu.memref_slice %arg11[%mul3A_4] : memref<95232xf32, #tpu.memory_space<hbm>> -> memref<2976xf32, #tpu.memory_space<hbm>>
      %dma_wait3A_189 = tpu.memref_slice %arg11[%mul3A_4] : memref<95232xf32, #tpu.memory_space<hbm>> -> memref<2976xf32, #tpu.memory_space<hbm>>
      tpu.wait_dma2 semaphore(%run_scoped3A : memref<!tpu.dma_semaphore, #tpu.memory_space<semaphore_mem>>) src(%arg24 : memref<2976xf32, #tpu.memory_space<vmem>>) dst(%dma_wait3A_189 : memref<2976xf32, #tpu.memory_space<hbm>>)
      tpu.yield
    }) : () -> ()
    return
  }
}

#map = affine_map<(d0, d1) -> (0)>
module attributes {stable_mosaic.version = 14 : i64} {
  func.func @_sc_loss(%arg0: i32, %arg1: i32, %arg2: memref<100000xf32, #tpu.memory_space<hbm>>, %arg3: memref<5008xi32, #tpu.memory_space<hbm>>, %arg4: memref<95232xi32, #tpu.memory_space<hbm>>, %arg5: memref<102400xf32, #tpu.memory_space<hbm>>, %arg6: memref<102400xf32, #tpu.memory_space<hbm>>, %arg7: memref<102400xf32, #tpu.memory_space<hbm>>, %arg8: memref<95232xf32, #tpu.memory_space<hbm>>, %arg9: memref<102400xf32, #tpu.memory_space<hbm>>, %arg10: memref<16xf32, #tpu.memory_space<hbm>>, %arg11: memref<5008xi32, #tpu.memory_space<vmem>>, %arg12: memref<5008xf32, #tpu.memory_space<vmem>>, %arg13: memref<6400xf32, #tpu.memory_space<vmem>>, %arg14: memref<6400xf32, #tpu.memory_space<vmem>>, %arg15: memref<5952xi32, #tpu.memory_space<vmem>>, %arg16: memref<5952xf32, #tpu.memory_space<vmem>>, %arg17: memref<5952xf32, #tpu.memory_space<vmem>>, %arg18: memref<64xf32, #tpu.memory_space<vmem>>, %arg19: memref<64xi32, #tpu.memory_space<vmem>>, %arg20: memref<128xf32, #tpu.memory_space<vmem>>, %arg21: memref<16xf32, #tpu.memory_space<vmem>>, %arg22: memref<102400xf32, #tpu.memory_space<vmem_shared>>, %arg23: memref<128xf32, #tpu.memory_space<vmem_shared>>) attributes {dimension_semantics = [#tpu.dimension_semantics<core_parallel>, #tpu.dimension_semantics<subcore_parallel>], iteration_bounds = array<i64: 1, 16>, scalar_prefetch = 0 : i64, scratch_operands = 13 : i64, tpu.core_type = #tpu.core_type<sc_vector_subcore>, window_params = [{transform_indices = #map}, {transform_indices = #map}, {transform_indices = #map}, {transform_indices = #map}, {transform_indices = #map}, {transform_indices = #map}, {transform_indices = #map}, {transform_indices = #map}, {transform_indices = #map}]} {
    %broadcast_in_dim3A = arith.constant 0.000000e+00 : f32
    %broadcast_in_dim3A_0 = vector.broadcast %broadcast_in_dim3A : f32 to vector<16xf32>
    %mul3A = arith.constant 6400 : i32
    %mul3A_1 = arith.muli %arg1, %mul3A : i32
    "tpu.region"() ({
      %run_scoped3A = tpu.sem_alloc : memref<!tpu.dma_semaphore, #tpu.memory_space<semaphore_mem>>
      %dma_start3A = tpu.memref_slice %arg5[%mul3A_1] : memref<102400xf32, #tpu.memory_space<hbm>> -> memref<6400xf32, #tpu.memory_space<hbm>>
      %dma_start3A_47 = tpu.memref_slice %arg5[%mul3A_1] : memref<102400xf32, #tpu.memory_space<hbm>> -> memref<6400xf32, #tpu.memory_space<hbm>>
      tpu.enqueue_dma source(%dma_start3A_47 : memref<6400xf32, #tpu.memory_space<hbm>>) target(%arg13 : memref<6400xf32, #tpu.memory_space<vmem>>) target_semaphore(%run_scoped3A : memref<!tpu.dma_semaphore, #tpu.memory_space<semaphore_mem>>)
      %dma_wait3A = tpu.memref_slice %arg5[%mul3A_1] : memref<102400xf32, #tpu.memory_space<hbm>> -> memref<6400xf32, #tpu.memory_space<hbm>>
      %dma_wait3A_48 = tpu.memref_slice %arg5[%mul3A_1] : memref<102400xf32, #tpu.memory_space<hbm>> -> memref<6400xf32, #tpu.memory_space<hbm>>
      tpu.wait_dma2 semaphore(%run_scoped3A : memref<!tpu.dma_semaphore, #tpu.memory_space<semaphore_mem>>) src(%dma_wait3A_48 : memref<6400xf32, #tpu.memory_space<hbm>>) dst(%arg13 : memref<6400xf32, #tpu.memory_space<vmem>>)
      tpu.yield
    }) : () -> ()
    "tpu.region"() ({
      %run_scoped3A = tpu.sem_alloc : memref<!tpu.dma_semaphore, #tpu.memory_space<semaphore_mem>>
      %dma_start3A = tpu.memref_slice %arg6[%mul3A_1] : memref<102400xf32, #tpu.memory_space<hbm>> -> memref<6400xf32, #tpu.memory_space<hbm>>
      %dma_start3A_47 = tpu.memref_slice %arg6[%mul3A_1] : memref<102400xf32, #tpu.memory_space<hbm>> -> memref<6400xf32, #tpu.memory_space<hbm>>
      tpu.enqueue_dma source(%dma_start3A_47 : memref<6400xf32, #tpu.memory_space<hbm>>) target(%arg14 : memref<6400xf32, #tpu.memory_space<vmem>>) target_semaphore(%run_scoped3A : memref<!tpu.dma_semaphore, #tpu.memory_space<semaphore_mem>>)
      %dma_wait3A = tpu.memref_slice %arg6[%mul3A_1] : memref<102400xf32, #tpu.memory_space<hbm>> -> memref<6400xf32, #tpu.memory_space<hbm>>
      %dma_wait3A_48 = tpu.memref_slice %arg6[%mul3A_1] : memref<102400xf32, #tpu.memory_space<hbm>> -> memref<6400xf32, #tpu.memory_space<hbm>>
      tpu.wait_dma2 semaphore(%run_scoped3A : memref<!tpu.dma_semaphore, #tpu.memory_space<semaphore_mem>>) src(%dma_wait3A_48 : memref<6400xf32, #tpu.memory_space<hbm>>) dst(%arg14 : memref<6400xf32, #tpu.memory_space<vmem>>)
      tpu.yield
    }) : () -> ()
    %scan3A = arith.constant 0 : i32
    %scan3A_2 = arith.constant 0 : i32
    %scan3A_3 = arith.constant 400 : i32
    %scan3A_4 = arith.addi %scan3A_2, %scan3A_3 : i32
    %scan3A_5 = arith.constant 1 : i32
    scf.for %scan3A_47 = %scan3A_2 to %scan3A_4 step %scan3A_5  : i32 {
      %mul3A_48 = arith.constant 16 : i32
      %mul3A_49 = arith.muli %scan3A_47, %mul3A_48 : i32
      %multiple_of3A = tpu.assume_multiple %mul3A_49, 16 : i32
      %get3A = arith.index_cast %multiple_of3A : i32 to index
      %get3A_50 = tpu.vector_load %arg13[%get3A] {strides = array<i32>} : memref<6400xf32, #tpu.memory_space<vmem>>, vector<16xf32>,
      %get3A_51 = arith.index_cast %multiple_of3A : i32 to index
      %get3A_52 = tpu.vector_load %arg14[%get3A_51] {strides = array<i32>} : memref<6400xf32, #tpu.memory_space<vmem>>, vector<16xf32>,
      %add3A = arith.addf %get3A_50, %get3A_52 : vector<16xf32>
      %swap3A_53 = arith.index_cast %multiple_of3A : i32 to index
      %swap3A_54 = tpu.vector_load %arg13[%swap3A_53] {strides = array<i32>} : memref<6400xf32, #tpu.memory_space<vmem>>, vector<16xf32>,
      tpu.vector_store %arg13[%swap3A_53], %add3A {strides = array<i32>} : memref<6400xf32, #tpu.memory_space<vmem>>, vector<16xf32>,
    }
    %scan3A_6 = arith.constant 400 : i32
    "tpu.region"() ({
      %run_scoped3A = tpu.sem_alloc : memref<!tpu.dma_semaphore, #tpu.memory_space<semaphore_mem>>
      %dma_start3A = tpu.memref_slice %arg7[%mul3A_1] : memref<102400xf32, #tpu.memory_space<hbm>> -> memref<6400xf32, #tpu.memory_space<hbm>>
      %dma_start3A_47 = tpu.memref_slice %arg7[%mul3A_1] : memref<102400xf32, #tpu.memory_space<hbm>> -> memref<6400xf32, #tpu.memory_space<hbm>>
      tpu.enqueue_dma source(%dma_start3A_47 : memref<6400xf32, #tpu.memory_space<hbm>>) target(%arg14 : memref<6400xf32, #tpu.memory_space<vmem>>) target_semaphore(%run_scoped3A : memref<!tpu.dma_semaphore, #tpu.memory_space<semaphore_mem>>)
      %dma_wait3A = tpu.memref_slice %arg7[%mul3A_1] : memref<102400xf32, #tpu.memory_space<hbm>> -> memref<6400xf32, #tpu.memory_space<hbm>>
      %dma_wait3A_48 = tpu.memref_slice %arg7[%mul3A_1] : memref<102400xf32, #tpu.memory_space<hbm>> -> memref<6400xf32, #tpu.memory_space<hbm>>
      tpu.wait_dma2 semaphore(%run_scoped3A : memref<!tpu.dma_semaphore, #tpu.memory_space<semaphore_mem>>) src(%dma_wait3A_48 : memref<6400xf32, #tpu.memory_space<hbm>>) dst(%arg14 : memref<6400xf32, #tpu.memory_space<vmem>>)
      tpu.yield
    }) : () -> ()
    %scan3A_7 = arith.constant 0 : i32
    %scan3A_8 = arith.constant 0 : i32
    %scan3A_9 = arith.constant 400 : i32
    %scan3A_10 = arith.addi %scan3A_8, %scan3A_9 : i32
    %scan3A_11 = arith.constant 1 : i32
    scf.for %scan3A_47 = %scan3A_8 to %scan3A_10 step %scan3A_11  : i32 {
      %mul3A_48 = arith.constant 16 : i32
      %mul3A_49 = arith.muli %scan3A_47, %mul3A_48 : i32
      %multiple_of3A = tpu.assume_multiple %mul3A_49, 16 : i32
      %get3A = arith.index_cast %multiple_of3A : i32 to index
      %get3A_50 = tpu.vector_load %arg13[%get3A] {strides = array<i32>} : memref<6400xf32, #tpu.memory_space<vmem>>, vector<16xf32>,
      %get3A_51 = arith.index_cast %multiple_of3A : i32 to index
      %get3A_52 = tpu.vector_load %arg14[%get3A_51] {strides = array<i32>} : memref<6400xf32, #tpu.memory_space<vmem>>, vector<16xf32>,
      %add3A = arith.addf %get3A_50, %get3A_52 : vector<16xf32>
      %swap3A_53 = arith.index_cast %multiple_of3A : i32 to index
      %swap3A_54 = tpu.vector_load %arg13[%swap3A_53] {strides = array<i32>} : memref<6400xf32, #tpu.memory_space<vmem>>, vector<16xf32>,
      tpu.vector_store %arg13[%swap3A_53], %add3A {strides = array<i32>} : memref<6400xf32, #tpu.memory_space<vmem>>, vector<16xf32>,
    }
    %scan3A_12 = arith.constant 400 : i32
    "tpu.region"() ({
      %run_scoped3A = tpu.sem_alloc : memref<!tpu.dma_semaphore, #tpu.memory_space<semaphore_mem>>
      %dma_start3A = tpu.memref_slice %arg22[%mul3A_1] : memref<102400xf32, #tpu.memory_space<vmem_shared>> -> memref<6400xf32, #tpu.memory_space<vmem_shared>>
      %dma_start3A_47 = tpu.memref_slice %arg22[%mul3A_1] : memref<102400xf32, #tpu.memory_space<vmem_shared>> -> memref<6400xf32, #tpu.memory_space<vmem_shared>>
      tpu.enqueue_dma source(%arg13 : memref<6400xf32, #tpu.memory_space<vmem>>) target(%dma_start3A_47 : memref<6400xf32, #tpu.memory_space<vmem_shared>>) target_semaphore(%run_scoped3A : memref<!tpu.dma_semaphore, #tpu.memory_space<semaphore_mem>>)
      %dma_wait3A = tpu.memref_slice %arg22[%mul3A_1] : memref<102400xf32, #tpu.memory_space<vmem_shared>> -> memref<6400xf32, #tpu.memory_space<vmem_shared>>
      %dma_wait3A_48 = tpu.memref_slice %arg22[%mul3A_1] : memref<102400xf32, #tpu.memory_space<vmem_shared>> -> memref<6400xf32, #tpu.memory_space<vmem_shared>>
      tpu.wait_dma2 semaphore(%run_scoped3A : memref<!tpu.dma_semaphore, #tpu.memory_space<semaphore_mem>>) src(%arg13 : memref<6400xf32, #tpu.memory_space<vmem>>) dst(%dma_wait3A_48 : memref<6400xf32, #tpu.memory_space<vmem_shared>>)
      tpu.yield
    }) : () -> ()
    %eq3A = arith.constant 0 : i32
    %eq3A_13 = arith.cmpi eq, %arg1, %eq3A : i32
    %convert_element_type3A = arith.extui %eq3A_13 : i1 to i32
    %cond3A = arith.constant 0 : i32
    %cond3A_14 = arith.cmpi ne, %convert_element_type3A, %cond3A : i32
    scf.if %cond3A_14 {
      "tpu.region"() ({
        %run_scoped3A = tpu.sem_alloc : memref<!tpu.dma_semaphore, #tpu.memory_space<semaphore_mem>>
        %dma_start3A = arith.constant 0 : i32
        %dma_start3A_47 = tpu.memref_slice %arg9[%dma_start3A] : memref<102400xf32, #tpu.memory_space<hbm>> -> memref<128xf32, #tpu.memory_space<hbm>>
        tpu.enqueue_dma source(%dma_start3A_47 : memref<128xf32, #tpu.memory_space<hbm>>) target(%arg23 : memref<128xf32, #tpu.memory_space<vmem_shared>>) target_semaphore(%run_scoped3A : memref<!tpu.dma_semaphore, #tpu.memory_space<semaphore_mem>>)
        %dma_wait3A = arith.constant 0 : i32
        %dma_wait3A_48 = tpu.memref_slice %arg9[%dma_wait3A] : memref<102400xf32, #tpu.memory_space<hbm>> -> memref<128xf32, #tpu.memory_space<hbm>>
        tpu.wait_dma2 semaphore(%run_scoped3A : memref<!tpu.dma_semaphore, #tpu.memory_space<semaphore_mem>>) src(%dma_wait3A_48 : memref<128xf32, #tpu.memory_space<hbm>>) dst(%arg23 : memref<128xf32, #tpu.memory_space<vmem_shared>>)
        tpu.yield
      }) : () -> ()
    } else {
    }
    %barrier3A = arith.constant 0 : index
    tpu.barrier barrier_id(%barrier3A)
    %mul3A_15 = arith.constant 5952 : i32
    %mul3A_16 = arith.muli %arg1, %mul3A_15 : i32
    "tpu.region"() ({
      %run_scoped3A = tpu.sem_alloc : memref<!tpu.dma_semaphore, #tpu.memory_space<semaphore_mem>>
      %dma_start3A = tpu.memref_slice %arg4[%mul3A_16] : memref<95232xi32, #tpu.memory_space<hbm>> -> memref<5952xi32, #tpu.memory_space<hbm>>
      %dma_start3A_47 = tpu.memref_slice %arg4[%mul3A_16] : memref<95232xi32, #tpu.memory_space<hbm>> -> memref<5952xi32, #tpu.memory_space<hbm>>
      tpu.enqueue_dma source(%dma_start3A_47 : memref<5952xi32, #tpu.memory_space<hbm>>) target(%arg15 : memref<5952xi32, #tpu.memory_space<vmem>>) target_semaphore(%run_scoped3A : memref<!tpu.dma_semaphore, #tpu.memory_space<semaphore_mem>>)
      %dma_wait3A = tpu.memref_slice %arg4[%mul3A_16] : memref<95232xi32, #tpu.memory_space<hbm>> -> memref<5952xi32, #tpu.memory_space<hbm>>
      %dma_wait3A_48 = tpu.memref_slice %arg4[%mul3A_16] : memref<95232xi32, #tpu.memory_space<hbm>> -> memref<5952xi32, #tpu.memory_space<hbm>>
      tpu.wait_dma2 semaphore(%run_scoped3A : memref<!tpu.dma_semaphore, #tpu.memory_space<semaphore_mem>>) src(%dma_wait3A_48 : memref<5952xi32, #tpu.memory_space<hbm>>) dst(%arg15 : memref<5952xi32, #tpu.memory_space<vmem>>)
      tpu.yield
    }) : () -> ()
    "tpu.region"() ({
      %run_scoped3A = tpu.sem_alloc : memref<!tpu.dma_semaphore, #tpu.memory_space<semaphore_mem>>
      %dma_start3A = tpu.memref_slice %arg8[%mul3A_16] : memref<95232xf32, #tpu.memory_space<hbm>> -> memref<5952xf32, #tpu.memory_space<hbm>>
      %dma_start3A_47 = tpu.memref_slice %arg8[%mul3A_16] : memref<95232xf32, #tpu.memory_space<hbm>> -> memref<5952xf32, #tpu.memory_space<hbm>>
      tpu.enqueue_dma source(%dma_start3A_47 : memref<5952xf32, #tpu.memory_space<hbm>>) target(%arg16 : memref<5952xf32, #tpu.memory_space<vmem>>) target_semaphore(%run_scoped3A : memref<!tpu.dma_semaphore, #tpu.memory_space<semaphore_mem>>)
      %dma_wait3A = tpu.memref_slice %arg8[%mul3A_16] : memref<95232xf32, #tpu.memory_space<hbm>> -> memref<5952xf32, #tpu.memory_space<hbm>>
      %dma_wait3A_48 = tpu.memref_slice %arg8[%mul3A_16] : memref<95232xf32, #tpu.memory_space<hbm>> -> memref<5952xf32, #tpu.memory_space<hbm>>
      tpu.wait_dma2 semaphore(%run_scoped3A : memref<!tpu.dma_semaphore, #tpu.memory_space<semaphore_mem>>) src(%dma_wait3A_48 : memref<5952xf32, #tpu.memory_space<hbm>>) dst(%arg16 : memref<5952xf32, #tpu.memory_space<vmem>>)
      tpu.yield
    }) : () -> ()
    "tpu.region"() ({
      %run_scoped3A = tpu.sem_alloc : memref<!tpu.dma_semaphore, #tpu.memory_space<semaphore_mem>>
      %dma_start3A = arith.constant 0 : i32
      %dma_start3A_47 = tpu.memref_slice %arg22[%dma_start3A] : memref<102400xf32, #tpu.memory_space<vmem_shared>> -> memref<102400xf32, #tpu.memory_space<vmem_shared>>
      tpu.enqueue_indirect_dma source(%dma_start3A_47 : memref<102400xf32, #tpu.memory_space<vmem_shared>>) target(%arg17 : memref<5952xf32, #tpu.memory_space<vmem>>) offsets(%arg15 : memref<5952xi32, #tpu.memory_space<vmem>>) semaphore(%run_scoped3A : memref<!tpu.dma_semaphore, #tpu.memory_space<semaphore_mem>>)
      %dma_wait3A = arith.constant 0 : i32
      %dma_wait3A_48 = tpu.memref_slice %arg22[%dma_wait3A] : memref<102400xf32, #tpu.memory_space<vmem_shared>> -> memref<102400xf32, #tpu.memory_space<vmem_shared>>
      tpu.wait_indirect_dma semaphore(%run_scoped3A : memref<!tpu.dma_semaphore, #tpu.memory_space<semaphore_mem>>) src(%dma_wait3A_48 : memref<102400xf32, #tpu.memory_space<vmem_shared>>) dst(%arg17 : memref<5952xf32, #tpu.memory_space<vmem>>)
      tpu.yield
    }) : () -> ()
    %scan3A_17 = arith.constant 0 : i32
    %scan3A_18 = arith.constant 372 : i32
    %scan3A_19 = arith.addi %scan3A_17, %scan3A_18 : i32
    %scan3A_20 = arith.constant 1 : i32
    %scan3A_21:3 = scf.for %scan3A_47 = %scan3A_17 to %scan3A_19 step %scan3A_20 iter_args(%scan3A_48 = %broadcast_in_dim3A_0, %scan3A_49 = %broadcast_in_dim3A_0, %scan3A_50 = %broadcast_in_dim3A_0) -> (vector<16xf32>, vector<16xf32>, vector<16xf32>)  : i32 {
      %mul3A_51 = arith.constant 16 : i32
      %mul3A_52 = arith.muli %scan3A_47, %mul3A_51 : i32
      %multiple_of3A = tpu.assume_multiple %mul3A_52, 16 : i32
      %mul3A_53 = arith.constant 16 : i32
      %mul3A_54 = arith.muli %scan3A_47, %mul3A_53 : i32
      %add3A = arith.addi %mul3A_16, %mul3A_54 : i32
      %iota3A = tpu.iota {dimensions = array<i32: 0>} : vector<16xi32>
      %add3A_55 = vector.broadcast %add3A : i32 to vector<16xi32>
      %add3A_56 = arith.addi %add3A_55, %iota3A : vector<16xi32>
      %lt3A = arith.constant 95000 : i32
      %lt3A_57 = vector.broadcast %lt3A : i32 to vector<16xi32>
      %lt3A_58 = arith.cmpi slt, %add3A_56, %lt3A_57 : vector<16xi32>
      %get3A = arith.index_cast %multiple_of3A : i32 to index
      %get3A_59 = tpu.vector_load %arg16[%get3A] {strides = array<i32>} : memref<5952xf32, #tpu.memory_space<vmem>>, vector<16xf32>,
      %get3A_60 = arith.index_cast %multiple_of3A : i32 to index
      %get3A_61 = tpu.vector_load %arg17[%get3A_60] {strides = array<i32>} : memref<5952xf32, #tpu.memory_space<vmem>>, vector<16xf32>,
      %gt3A = arith.constant 0.000000e+00 : f32
      %gt3A_62 = vector.broadcast %gt3A : f32 to vector<16xf32>
      %gt3A_63 = arith.cmpf ogt, %get3A_61, %gt3A_62 : vector<16xf32>
      %and3A = arith.andi %gt3A_63, %lt3A_58 : vector<16xi1>
      %not3A = arith.constant dense<true> : vector<16xi1>
      %not3A_64 = arith.xori %and3A, %not3A : vector<16xi1>
      %and3A_65 = arith.andi %lt3A_58, %not3A_64 : vector<16xi1>
      %jit3A = arith.constant 1.000000e+00 : f32
      %jit3A_66 = arith.constant 0.000000e+00 : f32
      %broadcast_in_dim3A_67 = vector.broadcast %jit3A : f32 to vector<16xf32>
      %broadcast_in_dim3A_68 = vector.broadcast %jit3A_66 : f32 to vector<16xf32>
      %select_n3A = arith.select %and3A, %broadcast_in_dim3A_67, %broadcast_in_dim3A_68 : vector<16xi1>, vector<16xf32>
      %jit3A_69 = arith.constant 1.000000e+00 : f32
      %jit3A_70 = arith.constant 0.000000e+00 : f32
      %broadcast_in_dim3A_71 = vector.broadcast %jit3A_69 : f32 to vector<16xf32>
      %broadcast_in_dim3A_72 = vector.broadcast %jit3A_70 : f32 to vector<16xf32>
      %select_n3A_73 = arith.select %and3A_65, %broadcast_in_dim3A_71, %broadcast_in_dim3A_72 : vector<16xi1>, vector<16xf32>
      %add3A_74 = arith.addf %scan3A_48, %select_n3A : vector<16xf32>
      %sub3A = arith.constant 6.000000e-01 : f32
      %sub3A_75 = vector.broadcast %sub3A : f32 to vector<16xf32>
      %sub3A_76 = arith.subf %get3A_59, %sub3A_75 : vector<16xf32>
      %abs3A = math.absf %sub3A_76 : vector<16xf32>
      %mul3A_77 = arith.mulf %select_n3A, %abs3A : vector<16xf32>
      %add3A_78 = arith.addf %scan3A_49, %mul3A_77 : vector<16xf32>
      %sub3A_79 = arith.constant 4.000000e-01 : f32
      %sub3A_80 = vector.broadcast %sub3A_79 : f32 to vector<16xf32>
      %sub3A_81 = arith.subf %get3A_59, %sub3A_80 : vector<16xf32>
      %abs3A_82 = math.absf %sub3A_81 : vector<16xf32>
      %mul3A_83 = arith.mulf %select_n3A_73, %abs3A_82 : vector<16xf32>
      %add3A_84 = arith.addf %scan3A_50, %mul3A_83 : vector<16xf32>
      scf.yield %add3A_74, %add3A_78, %add3A_84 : vector<16xf32>, vector<16xf32>, vector<16xf32>
    }
    %scan3A_22 = arith.constant 372 : i32
    %swap3A = arith.constant 0 : index
    %swap3A_23 = tpu.vector_load %arg18[%swap3A] {strides = array<i32>} : memref<64xf32, #tpu.memory_space<vmem>>, vector<16xf32>,
    tpu.vector_store %arg18[%swap3A], %scan3A_21#0 {strides = array<i32>} : memref<64xf32, #tpu.memory_space<vmem>>, vector<16xf32>,
    %swap3A_24 = arith.constant 16 : index
    %swap3A_25 = tpu.vector_load %arg18[%swap3A_24] {strides = array<i32>} : memref<64xf32, #tpu.memory_space<vmem>>, vector<16xf32>,
    tpu.vector_store %arg18[%swap3A_24], %scan3A_21#1 {strides = array<i32>} : memref<64xf32, #tpu.memory_space<vmem>>, vector<16xf32>,
    %swap3A_26 = arith.constant 32 : index
    %swap3A_27 = tpu.vector_load %arg18[%swap3A_26] {strides = array<i32>} : memref<64xf32, #tpu.memory_space<vmem>>, vector<16xf32>,
    tpu.vector_store %arg18[%swap3A_26], %scan3A_21#2 {strides = array<i32>} : memref<64xf32, #tpu.memory_space<vmem>>, vector<16xf32>,
    %swap3A_28 = arith.constant 48 : index
    %swap3A_29 = tpu.vector_load %arg18[%swap3A_28] {strides = array<i32>} : memref<64xf32, #tpu.memory_space<vmem>>, vector<16xf32>,
    tpu.vector_store %arg18[%swap3A_28], %broadcast_in_dim3A_0 {strides = array<i32>} : memref<64xf32, #tpu.memory_space<vmem>>, vector<16xf32>,
    %eq3A_30 = arith.constant 0 : i32
    %eq3A_31 = arith.cmpi eq, %arg1, %eq3A_30 : i32
    %convert_element_type3A_32 = arith.extui %eq3A_31 : i1 to i32
    %cond3A_33 = arith.constant 0 : i32
    %cond3A_34 = arith.cmpi ne, %convert_element_type3A_32, %cond3A_33 : i32
    scf.if %cond3A_34 {
      "tpu.region"() ({
        %run_scoped3A = tpu.sem_alloc : memref<!tpu.dma_semaphore, #tpu.memory_space<semaphore_mem>>
        tpu.enqueue_dma source(%arg3 : memref<5008xi32, #tpu.memory_space<hbm>>) target(%arg11 : memref<5008xi32, #tpu.memory_space<vmem>>) target_semaphore(%run_scoped3A : memref<!tpu.dma_semaphore, #tpu.memory_space<semaphore_mem>>)
        tpu.wait_dma2 semaphore(%run_scoped3A : memref<!tpu.dma_semaphore, #tpu.memory_space<semaphore_mem>>) src(%arg3 : memref<5008xi32, #tpu.memory_space<hbm>>) dst(%arg11 : memref<5008xi32, #tpu.memory_space<vmem>>)
        tpu.yield
      }) : () -> ()
      "tpu.region"() ({
        %run_scoped3A = tpu.sem_alloc : memref<!tpu.dma_semaphore, #tpu.memory_space<semaphore_mem>>
        %dma_start3A = arith.constant 0 : i32
        %dma_start3A_55 = tpu.memref_slice %arg2[%dma_start3A] : memref<100000xf32, #tpu.memory_space<hbm>> -> memref<100000xf32, #tpu.memory_space<hbm>>
        tpu.enqueue_indirect_dma source(%dma_start3A_55 : memref<100000xf32, #tpu.memory_space<hbm>>) target(%arg12 : memref<5008xf32, #tpu.memory_space<vmem>>) offsets(%arg11 : memref<5008xi32, #tpu.memory_space<vmem>>) semaphore(%run_scoped3A : memref<!tpu.dma_semaphore, #tpu.memory_space<semaphore_mem>>)
        %dma_wait3A = arith.constant 0 : i32
        %dma_wait3A_56 = tpu.memref_slice %arg2[%dma_wait3A] : memref<100000xf32, #tpu.memory_space<hbm>> -> memref<100000xf32, #tpu.memory_space<hbm>>
        tpu.wait_indirect_dma semaphore(%run_scoped3A : memref<!tpu.dma_semaphore, #tpu.memory_space<semaphore_mem>>) src(%dma_wait3A_56 : memref<100000xf32, #tpu.memory_space<hbm>>) dst(%arg12 : memref<5008xf32, #tpu.memory_space<vmem>>)
        tpu.yield
      }) : () -> ()
      %scan3A_47 = arith.constant 0 : i32
      %scan3A_48 = arith.constant 313 : i32
      %scan3A_49 = arith.addi %scan3A_47, %scan3A_48 : i32
      %scan3A_50 = arith.constant 1 : i32
      %scan3A_51 = scf.for %scan3A_55 = %scan3A_47 to %scan3A_49 step %scan3A_50 iter_args(%scan3A_56 = %broadcast_in_dim3A_0) -> (vector<16xf32>)  : i32 {
        %mul3A_57 = arith.constant 16 : i32
        %mul3A_58 = arith.muli %scan3A_55, %mul3A_57 : i32
        %multiple_of3A = tpu.assume_multiple %mul3A_58, 16 : i32
        %mul3A_59 = arith.constant 16 : i32
        %mul3A_60 = arith.muli %scan3A_55, %mul3A_59 : i32
        %iota3A = tpu.iota {dimensions = array<i32: 0>} : vector<16xi32>
        %add3A = vector.broadcast %mul3A_60 : i32 to vector<16xi32>
        %add3A_61 = arith.addi %add3A, %iota3A : vector<16xi32>
        %lt3A = arith.constant 5000 : i32
        %lt3A_62 = vector.broadcast %lt3A : i32 to vector<16xi32>
        %lt3A_63 = arith.cmpi slt, %add3A_61, %lt3A_62 : vector<16xi32>
        %jit3A = arith.constant 1.000000e+00 : f32
        %jit3A_64 = arith.constant 0.000000e+00 : f32
        %broadcast_in_dim3A_65 = vector.broadcast %jit3A : f32 to vector<16xf32>
        %broadcast_in_dim3A_66 = vector.broadcast %jit3A_64 : f32 to vector<16xf32>
        %select_n3A = arith.select %lt3A_63, %broadcast_in_dim3A_65, %broadcast_in_dim3A_66 : vector<16xi1>, vector<16xf32>
        %get3A = arith.index_cast %multiple_of3A : i32 to index
        %get3A_67 = tpu.vector_load %arg12[%get3A] {strides = array<i32>} : memref<5008xf32, #tpu.memory_space<vmem>>, vector<16xf32>,
        %sub3A = arith.constant 1.000000e+00 : f32
        %sub3A_68 = vector.broadcast %sub3A : f32 to vector<16xf32>
        %sub3A_69 = arith.subf %get3A_67, %sub3A_68 : vector<16xf32>
        %abs3A = math.absf %sub3A_69 : vector<16xf32>
        %mul3A_70 = arith.mulf %select_n3A, %abs3A : vector<16xf32>
        %add3A_71 = arith.addf %scan3A_56, %mul3A_70 : vector<16xf32>
        scf.yield %add3A_71 : vector<16xf32>
      }
      %scan3A_52 = arith.constant 313 : i32
      %swap3A_53 = arith.constant 48 : index
      %swap3A_54 = tpu.vector_load %arg18[%swap3A_53] {strides = array<i32>} : memref<64xf32, #tpu.memory_space<vmem>>, vector<16xf32>,
      tpu.vector_store %arg18[%swap3A_53], %scan3A_51 {strides = array<i32>} : memref<64xf32, #tpu.memory_space<vmem>>, vector<16xf32>,
    } else {
    }
    %scan3A_35 = arith.constant 0 : i32
    %scan3A_36 = arith.constant 0 : i32
    %scan3A_37 = arith.constant 4 : i32
    %scan3A_38 = arith.addi %scan3A_36, %scan3A_37 : i32
    %scan3A_39 = arith.constant 1 : i32
    scf.for %scan3A_47 = %scan3A_36 to %scan3A_38 step %scan3A_39  : i32 {
      %mul3A_48 = arith.constant 16 : i32
      %mul3A_49 = arith.muli %scan3A_47, %mul3A_48 : i32
      %multiple_of3A = tpu.assume_multiple %mul3A_49, 16 : i32
      %mul3A_50 = arith.constant 16 : i32
      %mul3A_51 = arith.muli %scan3A_47, %mul3A_50 : i32
      %iota3A = tpu.iota {dimensions = array<i32: 0>} : vector<16xi32>
      %add3A = vector.broadcast %mul3A_51 : i32 to vector<16xi32>
      %add3A_52 = arith.addi %add3A, %iota3A : vector<16xi32>
      %swap3A_53 = arith.index_cast %multiple_of3A : i32 to index
      %swap3A_54 = tpu.vector_load %arg19[%swap3A_53] {strides = array<i32>} : memref<64xi32, #tpu.memory_space<vmem>>, vector<16xi32>,
      tpu.vector_store %arg19[%swap3A_53], %add3A_52 {strides = array<i32>} : memref<64xi32, #tpu.memory_space<vmem>>, vector<16xi32>,
    }
    %scan3A_40 = arith.constant 4 : i32
    "tpu.region"() ({
      %run_scoped3A = tpu.sem_alloc : memref<!tpu.dma_semaphore, #tpu.memory_space<semaphore_mem>>
      %dma_start3A = arith.constant 0 : i32
      %dma_start3A_47 = tpu.memref_slice %arg23[%dma_start3A] : memref<128xf32, #tpu.memory_space<vmem_shared>> -> memref<128xf32, #tpu.memory_space<vmem_shared>>
      tpu.enqueue_indirect_dma source(%arg18 : memref<64xf32, #tpu.memory_space<vmem>>) target(%dma_start3A_47 : memref<128xf32, #tpu.memory_space<vmem_shared>>) offsets(%arg19 : memref<64xi32, #tpu.memory_space<vmem>>) semaphore(%run_scoped3A : memref<!tpu.dma_semaphore, #tpu.memory_space<semaphore_mem>>) {add = true}
      %dma_wait3A = arith.constant 0 : i32
      %dma_wait3A_48 = tpu.memref_slice %arg23[%dma_wait3A] : memref<128xf32, #tpu.memory_space<vmem_shared>> -> memref<128xf32, #tpu.memory_space<vmem_shared>>
      tpu.wait_indirect_dma semaphore(%run_scoped3A : memref<!tpu.dma_semaphore, #tpu.memory_space<semaphore_mem>>) src(%arg18 : memref<64xf32, #tpu.memory_space<vmem>>) dst(%dma_wait3A_48 : memref<128xf32, #tpu.memory_space<vmem_shared>>)
      tpu.yield
    }) : () -> ()
    %barrier3A_41 = arith.constant 0 : index
    tpu.barrier barrier_id(%barrier3A_41)
    %eq3A_42 = arith.constant 0 : i32
    %eq3A_43 = arith.cmpi eq, %arg1, %eq3A_42 : i32
    %convert_element_type3A_44 = arith.extui %eq3A_43 : i1 to i32
    %cond3A_45 = arith.constant 0 : i32
    %cond3A_46 = arith.cmpi ne, %convert_element_type3A_44, %cond3A_45 : i32
    scf.if %cond3A_46 {
      "tpu.region"() ({
        %run_scoped3A = tpu.sem_alloc : memref<!tpu.dma_semaphore, #tpu.memory_space<semaphore_mem>>
        tpu.enqueue_dma source(%arg23 : memref<128xf32, #tpu.memory_space<vmem_shared>>) target(%arg20 : memref<128xf32, #tpu.memory_space<vmem>>) target_semaphore(%run_scoped3A : memref<!tpu.dma_semaphore, #tpu.memory_space<semaphore_mem>>)
        tpu.wait_dma2 semaphore(%run_scoped3A : memref<!tpu.dma_semaphore, #tpu.memory_space<semaphore_mem>>) src(%arg23 : memref<128xf32, #tpu.memory_space<vmem_shared>>) dst(%arg20 : memref<128xf32, #tpu.memory_space<vmem>>)
        tpu.yield
      }) : () -> ()
      %get3A = arith.constant 0 : index
      %get3A_47 = tpu.vector_load %arg20[%get3A] {strides = array<i32>} : memref<128xf32, #tpu.memory_space<vmem>>, vector<16xf32>,
      %reduce_sum3A = arith.constant true
      %reduce_sum3A_48 = vector.broadcast %reduce_sum3A : i1 to vector<16xi1>
      %reduce_sum3A_49 = tpu.scan <sum>, %get3A_47 masked %reduce_sum3A_48 : vector<16xf32>, vector<16xi1> -> vector<16xf32>
      %reduce_sum3A_50 = vector.extract %reduce_sum3A_49[15] : f32 from vector<16xf32>
      %add3A = vector.broadcast %reduce_sum3A_50 : f32 to vector<16xf32>
      %add3A_51 = arith.addf %broadcast_in_dim3A_0, %add3A : vector<16xf32>
      %get3A_52 = arith.constant 16 : index
      %get3A_53 = tpu.vector_load %arg20[%get3A_52] {strides = array<i32>} : memref<128xf32, #tpu.memory_space<vmem>>, vector<16xf32>,
      %reduce_sum3A_54 = arith.constant true
      %reduce_sum3A_55 = vector.broadcast %reduce_sum3A_54 : i1 to vector<16xi1>
      %reduce_sum3A_56 = tpu.scan <sum>, %get3A_53 masked %reduce_sum3A_55 : vector<16xf32>, vector<16xi1> -> vector<16xf32>
      %reduce_sum3A_57 = vector.extract %reduce_sum3A_56[15] : f32 from vector<16xf32>
      %add3A_58 = vector.broadcast %reduce_sum3A_57 : f32 to vector<16xf32>
      %add3A_59 = arith.addf %broadcast_in_dim3A_0, %add3A_58 : vector<16xf32>
      %get3A_60 = arith.constant 32 : index
      %get3A_61 = tpu.vector_load %arg20[%get3A_60] {strides = array<i32>} : memref<128xf32, #tpu.memory_space<vmem>>, vector<16xf32>,
      %reduce_sum3A_62 = arith.constant true
      %reduce_sum3A_63 = vector.broadcast %reduce_sum3A_62 : i1 to vector<16xi1>
      %reduce_sum3A_64 = tpu.scan <sum>, %get3A_61 masked %reduce_sum3A_63 : vector<16xf32>, vector<16xi1> -> vector<16xf32>
      %reduce_sum3A_65 = vector.extract %reduce_sum3A_64[15] : f32 from vector<16xf32>
      %add3A_66 = vector.broadcast %reduce_sum3A_65 : f32 to vector<16xf32>
      %add3A_67 = arith.addf %broadcast_in_dim3A_0, %add3A_66 : vector<16xf32>
      %get3A_68 = arith.constant 48 : index
      %get3A_69 = tpu.vector_load %arg20[%get3A_68] {strides = array<i32>} : memref<128xf32, #tpu.memory_space<vmem>>, vector<16xf32>,
      %reduce_sum3A_70 = arith.constant true
      %reduce_sum3A_71 = vector.broadcast %reduce_sum3A_70 : i1 to vector<16xi1>
      %reduce_sum3A_72 = tpu.scan <sum>, %get3A_69 masked %reduce_sum3A_71 : vector<16xf32>, vector<16xi1> -> vector<16xf32>
      %reduce_sum3A_73 = vector.extract %reduce_sum3A_72[15] : f32 from vector<16xf32>
      %add3A_74 = vector.broadcast %reduce_sum3A_73 : f32 to vector<16xf32>
      %add3A_75 = arith.addf %broadcast_in_dim3A_0, %add3A_74 : vector<16xf32>
      %mul3A_76 = arith.constant 2.000000e+00 : f32
      %mul3A_77 = vector.broadcast %mul3A_76 : f32 to vector<16xf32>
      %mul3A_78 = arith.mulf %mul3A_77, %add3A_75 : vector<16xf32>
      %mul3A_79 = arith.constant 2.000000e-04 : f32
      %mul3A_80 = vector.broadcast %mul3A_79 : f32 to vector<16xf32>
      %mul3A_81 = arith.mulf %mul3A_78, %mul3A_80 : vector<16xf32>
      %max3A = arith.constant 1.000000e+00 : f32
      %max3A_82 = vector.broadcast %max3A : f32 to vector<16xf32>
      %max3A_83 = arith.maximumf %add3A_51, %max3A_82 : vector<16xf32>
      %div3A = arith.divf %add3A_59, %max3A_83 : vector<16xf32>
      %add3A_84 = arith.addf %mul3A_81, %div3A : vector<16xf32>
      %sub3A = arith.constant 9.500000e+04 : f32
      %sub3A_85 = vector.broadcast %sub3A : f32 to vector<16xf32>
      %sub3A_86 = arith.subf %sub3A_85, %add3A_51 : vector<16xf32>
      %max3A_87 = arith.constant 1.000000e+00 : f32
      %max3A_88 = vector.broadcast %max3A_87 : f32 to vector<16xf32>
      %max3A_89 = arith.maximumf %sub3A_86, %max3A_88 : vector<16xf32>
      %div3A_90 = arith.divf %add3A_67, %max3A_89 : vector<16xf32>
      %add3A_91 = arith.addf %add3A_84, %div3A_90 : vector<16xf32>
      %swap3A_92 = arith.constant 0 : index
      %swap3A_93 = tpu.vector_load %arg21[%swap3A_92] {strides = array<i32>} : memref<16xf32, #tpu.memory_space<vmem>>, vector<16xf32>,
      tpu.vector_store %arg21[%swap3A_92], %add3A_91 {strides = array<i32>} : memref<16xf32, #tpu.memory_space<vmem>>, vector<16xf32>,
      "tpu.region"() ({
        %run_scoped3A = tpu.sem_alloc : memref<!tpu.dma_semaphore, #tpu.memory_space<semaphore_mem>>
        tpu.enqueue_dma source(%arg21 : memref<16xf32, #tpu.memory_space<vmem>>) target(%arg10 : memref<16xf32, #tpu.memory_space<hbm>>) target_semaphore(%run_scoped3A : memref<!tpu.dma_semaphore, #tpu.memory_space<semaphore_mem>>)
        tpu.wait_dma2 semaphore(%run_scoped3A : memref<!tpu.dma_semaphore, #tpu.memory_space<semaphore_mem>>) src(%arg21 : memref<16xf32, #tpu.memory_space<vmem>>) dst(%arg10 : memref<16xf32, #tpu.memory_space<hbm>>)
        tpu.yield
      }) : () -> ()
    } else {
    }
    return
  }
}

</mosaic_0001>

<sc_bundles>
// kernel: kernel.11.cloned.1.call-start
scs
__scs_entry_jumppad:
0x0: {  	(pc) =	sbr.rel $0x88, $3  }
0x1: {  	(tag) =	ssettag $0x0;
	lr =	simm.s32 $0x1  }
0x2: {  	[smem:$0x3F9D] =	sst lr;
	_ =	strace $0xD0000000  }
0x3: {  	_ = 	snop  }
0x4: {  	_ = 	snop  }
0x5: {  	_ = 	snop  }
0x6: {  	_ = 	snop  }
0x7: {  	_ = 	snop  }
__scs_overlays_trampoline_lowered:
0x8: {  	[smem:$0x3FAC] =	sst s0  }
0x9: {  	[smem:$0x3FAD] =	sst s1  }
0xa: {  	[smem:$0x3FAE] =	sst s2  }
0xb: {  	[smem:$0x3FAF] =	sst s3  }
0xc: {  	[smem:$0x3FB0] =	sst s4  }
0xd: {  	[smem:$0x3FB1] =	sst s5  }
0xe: {  	[smem:$0x3FB2] =	sst s6  }
0xf: {  	[smem:$0x3FB3] =	sst s7  }
0x10: {  	[smem:$0x3FB4] =	sst s8  }
0x11: {  	[smem:$0x3FB5] =	sst s9;
	s0 =	simm.s32 @!p0 $0x0  }
0x12: {  	s1 =	sld [smem:$0x3F9B];
	s0 =	simm.s32 @p0 $0x1  }
0x13: {  	[smem:$0x3FB6] =	sst s0;
	s0 =	simm.s32 @!p1 $0x0  }
0x14: {  	s2 =	sld [smem:$0x3F9A];
	s0 =	simm.s32 @p1 $0x1  }
0x15: {  	[smem:$0x3FB7] =	sst s0;
	s0 =	simm.s32 @!p2 $0x0  }
0x16: {  	s3 =	sld [smem:$0x3FDB];
	s0 =	simm.s32 @p2 $0x1  }
0x17: {  	s4 =	simm.s32 $0x1BF5;
	[smem:$0x3FB9] =	sst s0  }
0x18: {  	s0 =	sld [smem:$0x3F9C];
	_ =	swait.ge [sflag:s4], $0x0  }
0x19: {  	s7 =	sld [smem:$0x3F9D]  }
0x1a: {  	s8 =	sadd.s32 $0xFFFFE003, lr  }
0x1b: {  	s9 =	sadd.s32 $0xFFFFFEF7, lr;
	s5 =	simm.s32 $0xFFFFFFFF;
	p2 =	slt.u32 s8, $0xFFFFF086  }
0x1c: {  	p1 =	slt.u32 s9, $0xF7A;
	s5 =	simm.s32 @!p2 $0x0  }
0x1d: {  	s5 =	simm.s32 @p1 $0x1;
	p0 =	seq.s32 s7, s2  }
0x1e: {  	s7 =	smul.u32 @!p0 $0xF7A, s2;
	p2 =	seq.s32 @!p0 s5, $0x0  }
0x1f: {  	s9 =	smul.u32 $0xF7A, s1;
	s8 =	simm.s32 @!p0 $0x1BF5;
	p2 =	por !p2, p0  }
0x20: {  	[sflag:s8] =	ssyncset.s32 @!p0 $0xFFFFF086;
	s6 =	sadd.s32 @!p0 s3, s7;
	s7 =	simm.s32 @!p0 $0x108  }
0x21: {  	s3 =	sadd.s32 s3, s9;
	s6 =	sadd.s32 @!p0 $0x88, s6;
	s7 =	simm.s32 @p2 $0x1082  }
0x22: {  	[simem:s7], [sflag:s8] =	dma.local @!p0 [hbm:s6], $0xF7A  }
0x23: {  	s9 =	sor.u32 $0xD0000000, s2;
	s6 =	simm.s32 $0x108;
	_ =	swait.ge @!p0 [sflag:s8], $0x0  }
0x24: {  	s3 =	sadd.s32 $0x88, s3;
	s6 =	simm.s32 @!p1 $0x1082;
	[sflag:s4] =	ssyncset.s32 $0xFFFFF086  }
0x25: {  	[simem:s6], [sflag:s4] =	dma.local [hbm:s3], $0xF7A  }
0x26: {  	[smem:$0x3F9D] =	sst s1;
	(tag) =	ssettag s2;
	_ =	strace s9  }
0x27: {  	s1 =	sld [smem:$0x3FAD]  }
0x28: {  	s2 =	sld [smem:$0x3FAE]  }
0x29: {  	s4 =	sld [smem:$0x3FB0]  }
0x2a: {  	p0 =	seq.s32 s5, $0x0;
	s5 =	sld [smem:$0x3FB1]  }
0x2b: {  	s6 =	sld [smem:$0x3FB2]  }
0x2c: {  	s7 =	sld [smem:$0x3FB3]  }
0x2d: {  	s3 =	simm.s32 $0x108;
	s8 =	sld [smem:$0x3FB4]  }
0x2e: {  	s3 =	simm.s32 @!p0 $0x1082;
	s9 =	sld [smem:$0x3FB5]  }
0x2f: {  	lr =	sadd.s32 s0, s3;
	s0 =	sld [smem:$0x3FAC]  }
0x30: {  	s3 =	sld [smem:$0x3FAF]  }
0x31: {  	[smem:$0x3FB8] =	sst s10  }
0x32: {  	s10 =	sld [smem:$0x3FB6];
	_ =	sdelay $0x3  }
0x33: {  	p0 =	seq.s32 s10, $0x1;
	s10 =	sld [smem:$0x3FB8];
	_ =	sdelay $0x3  }
0x34: {  	[smem:$0x3FB8] =	sst s10  }
0x35: {  	s10 =	sld [smem:$0x3FB7];
	_ =	sdelay $0x3  }
0x36: {  	p1 =	seq.s32 s10, $0x1;
	s10 =	sld [smem:$0x3FB8];
	_ =	sdelay $0x3  }
0x37: {  	[smem:$0x3FB8] =	sst s10  }
0x38: {  	s10 =	sld [smem:$0x3FB9]  }
0x39: {  	_ = 	snop;
	(pc) =	sbr.ind lr, $3  }
0x3a: {  	_ = 	snop  }
0x3b: {  	_ = 	snop  }
0x3c: {  	p2 =	seq.s32 s10, $0x1;
	s10 =	sld [smem:$0x3FB8]  }
0x3d: {  	_ =	shalt  }
0x3e: {  	_ =	shalt  }
0x3f: {  	_ =	shalt  }
0x40: {  	_ =	shalt  }
0x41: {  	_ =	shalt  }
0x42: {  	_ =	shalt  }
0x43: {  	_ =	shalt  }
0x44: {  	_ =	shalt  }
0x45: {  	_ =	shalt  }
0x46: {  	_ =	shalt  }
0x47: {  	_ =	shalt  }
0x48: {  	_ =	shalt  }
0x49: {  	_ =	shalt  }
0x4a: {  	_ =	shalt  }
0x4b: {  	_ =	shalt  }
0x4c: {  	_ =	shalt  }
0x4d: {  	_ =	shalt  }
0x4e: {  	_ =	shalt  }
0x4f: {  	_ =	shalt  }
0x50: {  	_ =	shalt  }
0x51: {  	_ =	shalt  }
0x52: {  	_ =	shalt  }
0x53: {  	_ =	shalt  }
0x54: {  	_ =	shalt  }
0x55: {  	_ =	shalt  }
0x56: {  	_ =	shalt  }
0x57: {  	_ =	shalt  }
0x58: {  	_ =	shalt  }
0x59: {  	_ =	shalt  }
0x5a: {  	_ =	shalt  }
0x5b: {  	_ =	shalt  }
0x5c: {  	_ =	shalt  }
0x5d: {  	_ =	shalt  }
0x5e: {  	_ =	shalt  }
0x5f: {  	_ =	shalt  }
0x60: {  	_ =	shalt  }
0x61: {  	_ =	shalt  }
0x62: {  	_ =	shalt  }
0x63: {  	_ =	shalt  }
0x64: {  	_ =	shalt  }
0x65: {  	_ =	shalt  }
0x66: {  	_ =	shalt  }
0x67: {  	_ =	shalt  }
0x68: {  	_ =	shalt  }
0x69: {  	_ =	shalt  }
0x6a: {  	_ =	shalt  }
0x6b: {  	_ =	shalt  }
0x6c: {  	_ =	shalt  }
0x6d: {  	_ =	shalt  }
0x6e: {  	_ =	shalt  }
0x6f: {  	_ =	shalt  }
0x70: {  	_ =	shalt  }
0x71: {  	_ =	shalt  }
0x72: {  	_ =	shalt  }
0x73: {  	_ =	shalt  }
0x74: {  	_ =	shalt  }
0x75: {  	_ =	shalt  }
0x76: {  	_ =	shalt  }
0x77: {  	_ =	shalt  }
0x78: {  	_ =	shalt  }
0x79: {  	_ =	shalt  }
0x7a: {  	_ =	shalt  }
0x7b: {  	_ =	shalt  }
0x7c: {  	_ =	shalt  }
0x7d: {  	_ =	shalt  }
0x7e: {  	_ =	shalt  }
0x7f: {  	_ =	shalt  }
0x80: {  	_ =	shalt  }
0x81: {  	_ =	shalt  }
0x82: {  	_ =	shalt  }
0x83: {  	_ =	shalt  }
0x84: {  	_ =	shalt  }
0x85: {  	_ =	shalt  }
0x86: {  	_ =	shalt  }
0x87: {  	_ =	shalt  }
.Lfunc_end0:
.L_simem_size_0:
called_computation.2_lowered:
.L_overlay_start_0:
0x88: {  	s0 =	sld [smem:$0x3FD9]  }
0x89: {  	s1 =	sld [smem:$0x3FFE];
	_ =	sdelay $0x3  }
0x8a: {  	s0 =	sadd.s32 s1, s0  }
0x8b: {  	[smem:$0x3FC4] =	sst s0  }
0x8c: {  	_ = 	snop  }
0x8d: {  	s0 =	sld [smem:$0x3FC9]  }
0x8e: {  	s16 =	sld [smem:$0x3FD0];
	(tm) =	ssettm $0x1  }
0x8f: {  	s2 =	sld [smem:$0x3FFB];
	_ =	sdelay $0x3  }
0x90: {  	_ =	strace s2  }
0x91: {  	s2 =	sld [smem:$0x3FFC];
	_ =	sdelay $0x3  }
0x92: {  	_ =	strace s2  }
0x93: {  	s2 =	sld [smem:$0x3FFD];
	_ =	sdelay $0x3  }
0x94: {  	_ =	strace s2  }
0x95: {  	_ =	strace $0x8FFFFFFF  }
0x96: {  	s17 =	sld [smem:$0x3FDB];
	_ =	sdelay $0x1  }
0x97: {  	s3 =	simm.s32 $_scs_section_size  }
0x98: {  	s4 =	simm.s32 $_size__tile_overlayer_lowered;
	s5 =	simm.s32 $_tile_overlayer_lowered  }
0x99: {  	s20 =	simm.s32 $0x1BFF;
	s19 =	sshll.u32 s5, $0x1;
	s2 =	sadd.s32 s3, s17  }
0x9a: {  	s6 =	simm.s32 $0x0;
	s18 =	sshll.u32 s4, $0x1;
	s4 =	sadd.s32 s19, s2  }
0x9b: {  	[timem:s6], [sflag:s20] =	dma.local [hbm:s4], s18  }
0x9c: {  	_ =	swait.ge [sflag:s20], s18  }
0x9d: {  	s3 =	ssub.s32 $0x0, s18;
	[sflag:s20] =	ssyncset.done $0x0  }
0x9e: {  	[sflag:s20] =	ssyncadd.s32 s3;
	_ =	sdelay $0x1  }
0x9f: {  	s21 =	simm.s32 $0x1B8B  }
0xa0: {  	_ =	swait.ge [sflag:s21], $0x1  }
0xa1: {  	[sflag:s21] =	ssyncset.done $0x0  }
0xa2: {  	s23 =	simm.s32 $0x1B8E;
	s22 =	sld [smem:$0x3FFE];
	[sflag:s21] =	ssyncadd.s32 $0xFFFFFFFF  }
0xa3: {  	s24 =	simm.s32 $execute0_lowered;
	[smem:$0x3FD2] =	sst s23  }
0xa4: {  	s4 =	sshll.u32 s24, $0x1;
	_ =	strace $0x8000004C;
	[dreg:$0x1] =	wrdreg $0xFFFFFFFF  }
0xa5: {  	s25 =	simm.s32 $_size_execute0_lowered;
	s2 =	sadd.s32 s2, s4;
	[dreg:$0x0] =	wrdreg $0x0  }
0xa6: {  	s4 =	sshll.u32 s25, $0x1;
	[dreg:$0x2] =	wrdreg s2  }
0xa7: {  	[dreg:$0x3] =	wrdreg s4  }
0xa8: {  	[dreg:$0x4] =	wrdreg $0xC0  }
0xa9: {  	_ =	task [dreg:s6], $0x5FFFF  }
0xaa: {  	[dreg:$0x1] =	wrdreg $0xFFFFFFFF  }
0xab: {  	[dreg:$0x0] =	wrdreg $0x60  }
0xac: {  	[dreg:$0x2] =	wrdreg s0  }
0xad: {  	[dreg:$0x3] =	wrdreg s22  }
0xae: {  	[dreg:$0x4] =	wrdreg s16  }
0xaf: {  	[dreg:$0x5] =	wrdreg $0xA2800  }
0xb0: {  	[dreg:$0x6] =	wrdreg $0xBB800  }
0xb1: {  	[dreg:$0x7] =	wrdreg $0x9  }
0xb2: {  	_ =	task.clear_ibuf [dreg:s6], $0x8FFFF;
	_ =	strace $0x9000004C  }
0xb3: {  	s26 =	simm.s32 $0x9;
	_ =	strace $0x8000004E  }
0xb4: {  	_ =	swait.ge [sflag:s26], $0x1  }
0xb5: {  	[sflag:s26] =	ssyncadd.s32 $0xFFFFFFFF  }
0xb6: {  	_ =	strace $0x9000004E  }
0xb7: {  	_ =	sfence  }
0xb8: {  	s28 =	sld [smem:$0x0];
	_ =	sdelay $0x1  }
0xb9: {  	s29 =	srdreg.scid  }
0xba: {  	s30 =	sshll.u32 s29, $0xD;
	s31 =	sshrl.u32 s29, $0x2  }
0xbb: {  	s1 =	sand.u32 $0x1, s29;
	s2 =	sand.u32 $0x4000, s30;
	s0 =	sadd.s32 s31, s28  }
0xbc: {  	s1 =	sor.u32 s2, s1;
	s0 =	sshll.u32 s0, $0x11  }
0xbd: {  	s0 =	sor.u32 s0, s1  }
0xbe: {  	s0 =	sadd.s32 $0x8F2B, s0  }
0xbf: {  	[sflag:s0] =	ssyncadd.remote.s32 $0x1  }
0xc0: {  	_ =	sfence.sel $0xFFFF  }
0xc1: {  	[dreg:$0x0] =	wrdreg $0xFFFFFFFF;
	(pc) =	sbr.abs _section_cstart, $3  }
0xc2: {  	[dreg:$0x1] =	wrdreg $0xFFFFFFFF  }
0xc3: {  	_ =	task.clear_ibuf [dreg:s6], $0x2FFFF;
	_ =	strace $0x9FFFFFFF  }
0xc4: {  	(tm) =	ssettm $0x7FFFFFFF  }
0xc5: {  	_ =	shalt  }
tec
execute0_lowered:
.L_overlay_start_1:
0x0: {  	(tag) =	ssettag $0x1  }
0x1: {  	s3 =	rddreg [dreg:$0x0]  }
0x2: {  	s10 =	rddreg [dreg:$0x1]  }
0x3: {  	s1 =	rddreg [dreg:$0x2];
	s6 =	stileid.u32  }
0x4: {  	s5 =	rddreg [dreg:$0x3];
	s7 =	smul.u32 $0x1900, s6  }
0x5: {  	s2 =	rddreg [dreg:$0x4]  }
0x6: {  	s0 =	rddreg [dreg:$0x5];
	s4 =	simm.s32 $0x0;
	s11 =	sshrl.u32 s7, $0x3  }
0x7: {  	s12 =	simm.s32 $0x2800;
	[smem:$0x7FF] =	sst s4;
	s8 =	sadd.s32 s11, s10  }
0x8: {  	s13 =	simm.s32 $0x1;
	_ =	strace $0x8000004D;
	s9 =	sadd.s32 $0xD1800, s8  }
0x9: {  	[tilespmem:s12], [sflag:$0x1] =	stream.linear.gather [hbm4b:s9+s4], $0x1900, $0x38;
	[tilespmem:$0xBB88] =	vst v63  }
0xa: {  	_ =	swait.ge [sflag:s13], $0x1900  }
0xb: {  	[sflag:s13] =	ssyncset.done $0x0  }
0xc: {  	s31 =	simm.s32 $0x4100;
	s8 =	sadd.s32 $0xD4A00, s8;
	[sflag:s13] =	ssyncadd.s32 $0xFFFFE700  }
0xd: {  	[tilespmem:s31], [sflag:$0x1] =	stream.linear.gather [hbm4b:s8+s4], $0x1900, $0x38;
	[tilespmem:$0xBB88] =	vst v63  }
0xe: {  	_ =	swait.ge [sflag:s13], $0x1900  }
0xf: {  	s14 =	simm.s32 $0x40;
	s9 =	sadd.s32 $0xCE800, s10;
	[sflag:s13] =	ssyncset.done $0x0  }
0x10: {  	s12 =	sadd.s32 $0xD7C00, s10;
	[sflag:s13] =	ssyncadd.s32 $0xFFFFE700;
	s13 =	simm.s32 $0x0  }
0x11: {  	s4 =	sadd.s32 $0xC4E00, s10;
	s8 =	sadd.s32 $0xDAE00, s10;
	s10 =	sadd.s32 $0xC5200, s10;
	v0 =	vld [tilespmem:s13+$0x4100]  }
.LBB2_1:
0x12: {  	p0 =	sne.s32 s14, $0x63C0;
	v1 =	vld [tilespmem:s13+$0x2800];
	_ =	sdelay $0x2  }
.Ltmp0:
0x13: {  	(pc) =	sbr.rel @p0 .LBB2_1-.Ltmp0, $4  }
0x14: {  	_ = 	snop  }
0x15: {  	v1 =	vadd.f32 v0, v1  }
0x16: {  	s15 =	sshra.s32 s14, $0x2  }
0x17: {  	s14 =	sadd.s32 $0x40, s14;
	v0 =	vld [tilespmem:s15+$0x4100];
	[tilespmem:s13+$0x2800] =	vst v1;
	s13 =	smov.u32 s15  }
0x18: {  	v1 =	vld [tilespmem:s13+$0x2800];
	_ =	sdelay $0x4  }
0x19: {  	v0 =	vadd.f32 v0, v1  }
0x1a: {  	s11 =	sadd.s32 s12, s11  }
0x1b: {  	s29 =	simm.s32 $0x0;
	s30 =	simm.s32 $0x4100;
	s31 =	simm.s32 $0x1;
	[tilespmem:s13+$0x2800] =	vst v0  }
0x1c: {  	[tilespmem:s30], [sflag:$0x1] =	stream.linear.gather [hbm4b:s11+s29], $0x1900, $0x38;
	[tilespmem:$0xBB88] =	vst v63  }
0x1d: {  	_ =	swait.ge [sflag:s31], $0x1900  }
0x1e: {  	[sflag:s31] =	ssyncset.done $0x0  }
0x1f: {  	s11 =	simm.s32 $0x0;
	[sflag:s31] =	ssyncadd.s32 $0xFFFFE700  }
0x20: {  	s12 =	simm.s32 $0x40;
	v0 =	vld [tilespmem:s11+$0x4100]  }
.LBB2_3:
0x21: {  	p0 =	sne.s32 s12, $0x63C0;
	v1 =	vld [tilespmem:s11+$0x2800];
	_ =	sdelay $0x2  }
.Ltmp1:
0x22: {  	(pc) =	sbr.rel @p0 .LBB2_3-.Ltmp1, $4  }
0x23: {  	_ = 	snop  }
0x24: {  	v1 =	vadd.f32 v0, v1  }
0x25: {  	s13 =	sshra.s32 s12, $0x2  }
0x26: {  	s12 =	sadd.s32 $0x40, s12;
	v0 =	vld [tilespmem:s13+$0x4100];
	[tilespmem:s11+$0x2800] =	vst v1;
	s11 =	smov.u32 s13  }
0x27: {  	v1 =	vld [tilespmem:s11+$0x2800];
	_ =	sdelay $0x4  }
0x28: {  	v0 =	vadd.f32 v0, v1;
	_ =	sdelay $0x1  }
0x29: {  	s7 =	sadd.s32 s7, s5;
	s20 =	simm.s32 $0x2800;
	s21 =	simm.s32 $0x1;
	[tilespmem:s11+$0x2800] =	vst v0  }
0x2a: {  	[spmem:s7] =	stream.linear.scatter [tilespmem:s20], [sflag:$0x1], $0x1900, $0x38;
	[tilespmem:$0xBB88] =	vst v63  }
0x2b: {  	_ =	swait.ge [sflag:s21], $0x1900  }
0x2c: {  	p0 =	sne.s32 s6, $0x0;
	[sflag:s21] =	ssyncset.done $0x0  }
0x2d: {  	s12 =	simm.s32 @!p0 $0x1C01;
	s11 =	sshrl.u32 @!p0 s2, $0x3;
	[sflag:s21] =	ssyncadd.s32 $0xFFFFE700  }
0x2e: {  	[spmem:s11], [sflag:s12] =	dma.local @!p0 [hbm:s10], $0x10  }
0x2f: {  	s10 =	simm.s32 @!p0 $0x1  }
0x30: {  	s22 =	smul.u32 $0x1740, s6;
	_ =	swait.ge @!p0 [sflag:s10], $0x10  }
0x31: {  	[sflag:s10] =	ssyncset.done @!p0 $0x0  }
0x32: {  	s24 =	simm.s32 $0x0;
	s23 =	sshrl.u32 s22, $0x3;
	[sflag:s10] =	ssyncadd.s32 @!p0 $0xFFFFFFF0  }
0x33: {  	s25 =	simm.s32 $0x5A00;
	s9 =	sadd.s32 s9, s23;
	[bflag:$0x0] =	sbarrier.arrive $0xFFFF  }
0x34: {  	[tilespmem:s25], [sflag:$0x1] =	stream.linear.gather [hbm4b:s9+s24], $0x1740, $0x38;
	[tilespmem:$0xBB88] =	vst v63  }
0x35: {  	_ =	swait.ge [sflag:s21], $0x1740  }
0x36: {  	[sflag:s21] =	ssyncset.done $0x0  }
0x37: {  	s26 =	simm.s32 $0x7180;
	s8 =	sadd.s32 s8, s23;
	[sflag:s21] =	ssyncadd.s32 $0xFFFFE8C0  }
0x38: {  	[tilespmem:s26], [sflag:$0x1] =	stream.linear.gather [hbm4b:s8+s24], $0x1740, $0x38;
	[tilespmem:$0xBB88] =	vst v63  }
0x39: {  	_ =	swait.ge [sflag:s21], $0x1740  }
0x3a: {  	[sflag:s21] =	ssyncset.done $0x0  }
0x3b: {  	s28 =	simm.s32 $0x1740;
	s29 =	simm.s32 $0x8900;
	[sflag:s21] =	ssyncadd.s32 $0xFFFFE8C0  }
0x3c: {  	[tilespmem:s29], [sflag:$0x1] =	stream.indirect.gather [spmem:s5], $0x1, s25, s28, $0xb8;
	[tilespmem:$0xBB88] =	vst v63  }
0x3d: {  	_ =	swait.ge [sflag:s21], $0x1740  }
0x3e: {  	[sflag:s21] =	ssyncset.done $0x0  }
0x3f: {  	s30 =	simm.s32 $0x0;
	[sflag:s21] =	ssyncadd.s32 $0xFFFFE8C0  }
0x40: {  	v2 =	vld [tilespmem:s30+$0x8900]  }
0x41: {  	v0 =	vlaneseq.u32;
	v3 =	vld [tilespmem:s30+$0x7180]  }
0x42: {  	v0 =	vmul.u32 $0xFFFFFFFF, v0;
	_ =	sdelay $0x1  }
0x43: {  	v4 =	vmov s22;
	v1 =	vadd.s32 $0x17318, v0  }
0x44: {  	vm0 =	vlt.u32 v4, v1;
	vm1 =	vgt.f32 v2, $0.0e+00  }
0x45: {  	v2 =	vadd.f32 $-6.000000240e-01, v3;
	v3 =	vadd.f32 $-4.000000060e-01, v3;
	vm1 =	vmand vm0, vm1  }
0x46: {  	s31 =	simm.s32 $0x10;
	v0 =	vimm.f32 $0.0e+00;
	vm0 =	vmxor vm0, vm1  }
0x47: {  	v4 =	vld [tilespmem:s31+$0x8900];
	v3 =	vand.u32 $0x7FFFFFFF, v3;
	v7 =	vsel vm0, $0x3F800000, v0  }
0x48: {  	v8 =	vmul.f32 v7, v3;
	v7 =	vld [tilespmem:s31+$0x7180]  }
0x49: {  	s5 =	sadd.s32 $0x10, s22;
	v5 =	vsel vm1, $0x3F800000, v0  }
0x4a: {  	v9 =	vmov s5;
	v6 =	vand.u32 $0x7FFFFFFF, v2;
	v2 =	vadd.f32 v5, v0  }
0x4b: {  	s6 =	simm.s32 $0x80;
	v6 =	vmul.f32 v5, v6;
	v5 =	vimm.f32 $0.0e+00;
	v3 =	vimm.f32 $0.0e+00  }
.LBB2_5:
0x4c: {  	s7 =	sshra.s32 s6, $0x2;
	p1 =	sne.s32 s6, $0x5CC0;
	s6 =	sadd.s32 $0x40, s6;
	vm0 =	vlt.u32 v9, v1;
	vm1 =	vgt.f32 v4, $0.0e+00;
	v3 =	vadd.f32 v8, v3  }
.Ltmp2:
0x4d: {  	v4 =	vld [tilespmem:s7+$0x8900];
	vm1 =	vmand vm0, vm1;
	v8 =	vadd.f32 $-6.000000240e-01, v7;
	v9 =	vadd.f32 $-4.000000060e-01, v7;
	(pc) =	sbr.rel @p1 .LBB2_5-.Ltmp2, $4  }
0x4e: {  	v5 =	vadd.f32 v6, v5;
	v7 =	vld [tilespmem:s7+$0x7180];
	vm0 =	vmxor vm0, vm1;
	v10 =	vsel vm1, $0x3F800000, v0  }
0x4f: {  	v11 =	vsel vm0, $0x3F800000, v0;
	v6 =	vand.u32 $0x7FFFFFFF, v8;
	v8 =	vand.u32 $0x7FFFFFFF, v9  }
0x50: {  	s5 =	sadd.s32 $0x10, s5;
	v2 =	vadd.f32 v10, v2;
	v6 =	vmul.f32 v10, v6;
	v8 =	vmul.f32 v11, v8  }
0x51: {  	v9 =	vmov s5  }
0x52: {  	_ = 	snop  }
0x53: {  	vm0 =	vlt.u32 v9, v1;
	vm1 =	vgt.f32 v4, $0.0e+00;
	v1 =	vadd.f32 $-6.000000240e-01, v7  }
0x54: {  	v5 =	vadd.f32 v6, v5;
	vm1 =	vmand vm0, vm1;
	v62 =	vadd.f32 $-4.000000060e-01, v7  }
0x55: {  	vm0 =	vmxor vm0, vm1;
	v63 =	vsel vm1, $0x3F800000, v0;
	v1 =	vand.u32 $0x7FFFFFFF, v1  }
0x56: {  	v0 =	vsel vm0, $0x3F800000, v0;
	v4 =	vand.u32 $0x7FFFFFFF, v62;
	v1 =	vmul.f32 v63, v1  }
0x57: {  	v3 =	vadd.f32 v8, v3;
	v2 =	vadd.f32 v63, v2;
	v0 =	vmul.f32 v0, v4  }
.Ltmp3:
0x58: {  	v1 =	vadd.f32 v1, v5;
	(pc) =	sbr.rel @p0 .LBB2_10-.Ltmp3, $4  }
0x59: {  	[tilespmem:$0xA080] =	vst v2;
	v0 =	vadd.f32 v0, v3  }
0x5a: {  	[tilespmem:$0xA090] =	vst v1  }
0x5b: {  	[tilespmem:$0xA0A0] =	vst v0;
	v0 =	vimm.f32 $0.0e+00  }
0x5c: {  	[tilespmem:$0xA0B0] =	vst v0  }
0x5d: {  	s5 =	simm.s32 $0x0;
	s31 =	simm.s32 $0x1  }
0x5e: {  	[tilespmem:s5], [sflag:$0x1] =	stream.linear.gather [hbm4b:s4+s5], $0x1400, $0x38;
	[tilespmem:$0xBB88] =	vst v63  }
0x5f: {  	_ =	swait.ge [sflag:s31], $0x1400  }
0x60: {  	[sflag:s31] =	ssyncset.done $0x0  }
0x61: {  	s6 =	simm.s32 $0x1390;
	s7 =	simm.s32 $0x1400;
	[sflag:s31] =	ssyncadd.s32 $0xFFFFEC00  }
0x62: {  	[tilespmem:s7], [sflag:$0x1] =	stream.indirect.gather [hbm4b:s3+s6], $0x1, s5, s6, $0xb8;
	[tilespmem:$0xBB88] =	vst v63  }
0x63: {  	_ =	swait.ge [sflag:s31], $0x1390  }
0x64: {  	[sflag:s31] =	ssyncset.done $0x0  }
0x65: {  	[sflag:s31] =	ssyncadd.s32 $0xFFFFEC70  }
0x66: {  	v2 =	vld [tilespmem:s7+$0x0];
	_ =	sdelay $0x1  }
0x67: {  	v1 =	vlaneseq.u32  }
0x68: {  	v1 =	vmul.u32 $0xFFFFFFFF, v1  }
0x69: {  	v4 =	vmov s5  }
0x6a: {  	s4 =	simm.s32 $0x1410;
	v1 =	vadd.s32 $0x1388, v1;
	s3 =	simm.s32 $0x10;
	v3 =	vadd.f32 $-1.000000000e+00, v2;
	v2 =	vimm.f32 $0.0e+00  }
.LBB2_8:
0x6b: {  	v5 =	vld [tilespmem:s4+$0x0];
	p1 =	sne.s32 s3, $0x1380;
	vm0 =	vlt.u32 v4, v1;
	s5 =	smov.u32 s3;
	s3 =	sadd.s32 $0x10, s3  }
.Ltmp4:
0x6c: {  	v4 =	vsel vm0, $0x3F800000, v0;
	v3 =	vand.u32 $0x7FFFFFFF, v3;
	(pc) =	sbr.rel @p1 .LBB2_8-.Ltmp4, $3  }
0x6d: {  	v3 =	vmul.f32 v3, v4;
	_ =	sdelay $0x1  }
0x6e: {  	v2 =	vadd.f32 v3, v2  }
0x6f: {  	s4 =	sadd.s32 $0x10, s4;
	v4 =	vmov s5;
	v3 =	vadd.f32 $-1.000000000e+00, v5  }
0x70: {  	vm0 =	vlt.u32 v4, v1  }
0x71: {  	v0 =	vsel vm0, $0x3F800000, v0;
	v63 =	vand.u32 $0x7FFFFFFF, v3  }
0x72: {  	v0 =	vmul.f32 v63, v0;
	_ =	sdelay $0x1  }
0x73: {  	v0 =	vadd.f32 v0, v2;
	_ =	sdelay $0x1  }
0x74: {  	[tilespmem:$0xA0B0] =	vst v0  }
.LBB2_10:
0x75: {  	v0 =	vlaneseq.u32  }
0x76: {  	[tilespmem:$0xA100] =	vst v0;
	v1 =	vor.u32 $0x10, v0  }
0x77: {  	v63 =	vor.u32 $0x20, v0;
	[tilespmem:$0xA110] =	vst v1  }
0x78: {  	s3 =	simm.s32 $0x40;
	v0 =	vor.u32 $0x30, v0;
	[tilespmem:$0xA120] =	vst v63  }
0x79: {  	s4 =	simm.s32 $0xA100;
	s5 =	simm.s32 $0xA080;
	s31 =	simm.s32 $0x1;
	[tilespmem:$0xA130] =	vst v0  }
0x7a: {  	[spmem:s2] =	stream.indirect.scatter.add.f32 [tilespmem:s5], [sflag:$0x1], $0x1, s4, s3, $0xb8;
	[tilespmem:$0xBB88] =	vst v63  }
0x7b: {  	_ =	swait.ge [sflag:s31], $0x40  }
0x7c: {  	[sflag:s31] =	ssyncset.done $0x0  }
0x7d: {  	[sflag:s31] =	ssyncadd.s32 $0xFFFFFFC0  }
0x7e: {  	[bflag:$0x0] =	sbarrier.arrive $0xFFFF  }
0x7f: {  	_ =	sfence.sel @p0 $0x180000  }
0x80: {  	[bflag:$0x0] =	sbarrier.arrive @p0 $0xFFFF  }
0x81: {  	_ =	strace @p0 $0x9000004D  }
0x82: {  	s3 =	simm.s32 @!p0 $0xA180;
	[bflag:$0x2] =	sbarrier.arrive @p0 $0xFFFF  }
0x83: {  	[tilespmem:s3], [sflag:$0x1] =	stream.linear.gather @!p0 [spmem:s2], $0x80, $0x38;
	[tilespmem:$0xBB88] =	vst v63  }
0x84: {  	s2 =	simm.s32 @!p0 $0x1  }
0x85: {  	_ =	swait.ge @!p0 [sflag:s2], $0x80  }
0x86: {  	[sflag:s2] =	ssyncset.done @!p0 $0x0  }
0x87: {  	[sflag:s2] =	ssyncadd.s32 @!p0 $0xFFFFFF80  }
0x88: {  	v0 =	vld @!p0 [tilespmem:$0xA180];
	_ =	sdelay $0x4  }
0x89: {  	(xrf2) =	vadd.scan.msk.f32 @!p0 $0xffff, v0;
	_ =	sdelay $0x2  }
0x8a: {  	v0 =	vld @!p0 [tilespmem:$0xA190]  }
0x8b: {  	v1 =	vld @!p0 [tilespmem:$0xA1A0]  }
0x8c: {  	v2 =	vld @!p0 [tilespmem:$0xA1B0];
	_ =	sdelay $0x2  }
0x8d: {  	(xrf2) =	vadd.scan.msk.f32 @!p0 $0xffff, v0  }
0x8e: {  	(xrf2) =	vadd.scan.msk.f32 @!p0 $0xffff, v1  }
0x8f: {  	(xrf2) =	vadd.scan.msk.f32 @!p0 $0xffff, v2;
	v0, _, _ =	vpop @!p0 (xrf2)  }
0x90: {  	v0 =	vadd.f32 @!p0 $0.0e+00, v0;
	_ =	sdelay $0x1  }
0x91: {  	v0 =	vbroadcast @!p0 v0, $0xF;
	_ =	sdelay $0x1  }
0x92: {  	v1 =	vmax.f32 @!p0 v0, $1.000000000e+00;
	v0 =	vsub.f32 @!p0 $9.500000000e+04, v0;
	_ =	sdelay $0x1  }
0x93: {  	(erf) = vrcp.f32 @!p0 v1;
	v0 =	vmax.f32 @!p0 v0, $1.000000000e+00  }
0x94: {  	v1, _, _ =	vpop @!p0 (xrf2)  }
0x95: {  	(erf) = vrcp.f32 @!p0 v0;
	v2, _, _ =	vpop @!p0 (xrf2)  }
0x96: {  	v0, _, _ =	vpop @!p0 (xrf2)  }
0x97: {  	v0 =	vadd.f32 @!p0 $0.0e+00, v0;
	_ =	sdelay $0x1  }
0x98: {  	v1 =	vadd.f32 @!p0 $0.0e+00, v1;
	v0 =	vadd.f32 @!p0 v0, v0  }
0x99: {  	v2 =	vadd.f32 @!p0 $0.0e+00, v2  }
0x9a: {  	v1 =	vbroadcast @!p0 v1, $0xF;
	v0 =	vmul.f32 @!p0 $1.999999950e-04, v0  }
0x9b: {  	v2 =	vbroadcast @!p0 v2, $0xF;
	v3 =	vpop @!p0 (erf)  }
0x9c: {  	v1 =	vmul.f32 @!p0 v3, v1;
	v0 =	vbroadcast @!p0 v0, $0xF  }
0x9d: {  	v3 =	vpop @!p0 (erf)  }
0x9e: {  	v0 =	vadd.f32 @!p0 v0, v1;
	v1 =	vmul.f32 @!p0 v3, v2;
	_ =	sdelay $0x1  }
0x9f: {  	v0 =	vadd.f32 @!p0 v0, v1;
	_ =	sdelay $0x1  }
0xa0: {  	s4 =	simm.s32 @!p0 $0xA200;
	s3 =	simm.s32 @!p0 $0x0;
	[tilespmem:$0xA200] =	vst @!p0 v0  }
0xa1: {  	[hbm4b:s1+s3] =	stream.linear.scatter @!p0 [tilespmem:s4], [sflag:$0x1], $0x80, $0x38;
	[tilespmem:$0xBB88] =	vst v63  }
0xa2: {  	_ =	swait.ge @!p0 [sflag:s2], $0x80  }
0xa3: {  	[sflag:s2] =	ssyncset.done @!p0 $0x0  }
0xa4: {  	[sflag:s2] =	ssyncadd.s32 @!p0 $0xFFFFFF80  }
0xa5: {  	_ =	sfence.sel @!p0 $0x180000  }
0xa6: {  	[bflag:$0x0] =	sbarrier.arrive @!p0 $0xFFFF  }
0xa7: {  	_ =	strace @!p0 $0x9000004D  }
0xa8: {  	s0 =	sadd.s32 @!p0 $0x100000, s0;
	[bflag:$0x2] =	sbarrier.arrive @!p0 $0xFFFF  }
0xa9: {  	[sflag:s0] =	ssyncadd.tile.s32 @!p0 $0x1;
	_ =	shalt  }
.Lfunc_end2:
_tile_overlayer_lowered:
.L_overlay_start_2:
0xaa: {  	(tag) =	ssettag $0x2  }
0xab: {  	s0 =	rddreg [dreg:$0x0];
	s2 =	stileid.u32  }
0xac: {  	s1 =	rddreg [dreg:$0x1];
	p0 =	sne.s32 s2, $0x0  }
0xad: {  	s3 =	rddreg [dreg:$0x2];
	[bflag:$0x3] =	sbarrier.arrive $0xFFFF;
	s2 =	simm.s32 @!p0 $0x1C01  }
0xae: {  	[timem:s3], [sflag:s2] =	dma.local @!p0 [hbm:s0], s1  }
0xaf: {  	s0 =	simm.s32 @!p0 $0x1  }
0xb0: {  	_ =	swait.ge @!p0 [sflag:s0], s1  }
0xb1: {  	s1 =	ssub.s32 @!p0 $0x0, s1;
	[sflag:s0] =	ssyncset.done @!p0 $0x0  }
0xb2: {  	[sflag:s0] =	ssyncadd.s32 @!p0 s1  }
0xb3: {  	[bflag:$0x3] =	sbarrier.arrive $0xFFFF  }
0xb4: {  	_ =	shalt  }

// kernel: kernel.5.cloned.1.call-start
scs
__scs_entry_jumppad:
0x0: {  	(pc) =	sbr.rel $0x88, $3  }
0x1: {  	(tag) =	ssettag $0x0;
	lr =	simm.s32 $0x1  }
0x2: {  	[smem:$0x3F9D] =	sst lr;
	_ =	strace $0xD0000000  }
0x3: {  	_ = 	snop  }
0x4: {  	_ = 	snop  }
0x5: {  	_ = 	snop  }
0x6: {  	_ = 	snop  }
0x7: {  	_ = 	snop  }
__scs_overlays_trampoline_lowered:
0x8: {  	[smem:$0x3FAC] =	sst s0  }
0x9: {  	[smem:$0x3FAD] =	sst s1  }
0xa: {  	[smem:$0x3FAE] =	sst s2  }
0xb: {  	[smem:$0x3FAF] =	sst s3  }
0xc: {  	[smem:$0x3FB0] =	sst s4  }
0xd: {  	[smem:$0x3FB1] =	sst s5  }
0xe: {  	[smem:$0x3FB2] =	sst s6  }
0xf: {  	[smem:$0x3FB3] =	sst s7  }
0x10: {  	[smem:$0x3FB4] =	sst s8  }
0x11: {  	[smem:$0x3FB5] =	sst s9;
	s0 =	simm.s32 @!p0 $0x0  }
0x12: {  	s1 =	sld [smem:$0x3F9B];
	s0 =	simm.s32 @p0 $0x1  }
0x13: {  	[smem:$0x3FB6] =	sst s0;
	s0 =	simm.s32 @!p1 $0x0  }
0x14: {  	s2 =	sld [smem:$0x3F9A];
	s0 =	simm.s32 @p1 $0x1  }
0x15: {  	[smem:$0x3FB7] =	sst s0;
	s0 =	simm.s32 @!p2 $0x0  }
0x16: {  	s3 =	sld [smem:$0x3FDB];
	s0 =	simm.s32 @p2 $0x1  }
0x17: {  	s4 =	simm.s32 $0x1BF5;
	[smem:$0x3FB9] =	sst s0  }
0x18: {  	s0 =	sld [smem:$0x3F9C];
	_ =	swait.ge [sflag:s4], $0x0  }
0x19: {  	s7 =	sld [smem:$0x3F9D]  }
0x1a: {  	s8 =	sadd.s32 $0xFFFFE003, lr  }
0x1b: {  	s9 =	sadd.s32 $0xFFFFFEF7, lr;
	s5 =	simm.s32 $0xFFFFFFFF;
	p2 =	slt.u32 s8, $0xFFFFF086  }
0x1c: {  	p1 =	slt.u32 s9, $0xF7A;
	s5 =	simm.s32 @!p2 $0x0  }
0x1d: {  	s5 =	simm.s32 @p1 $0x1;
	p0 =	seq.s32 s7, s2  }
0x1e: {  	s7 =	smul.u32 @!p0 $0xF7A, s2;
	p2 =	seq.s32 @!p0 s5, $0x0  }
0x1f: {  	s9 =	smul.u32 $0xF7A, s1;
	s8 =	simm.s32 @!p0 $0x1BF5;
	p2 =	por !p2, p0  }
0x20: {  	[sflag:s8] =	ssyncset.s32 @!p0 $0xFFFFF086;
	s6 =	sadd.s32 @!p0 s3, s7;
	s7 =	simm.s32 @!p0 $0x108  }
0x21: {  	s3 =	sadd.s32 s3, s9;
	s6 =	sadd.s32 @!p0 $0x88, s6;
	s7 =	simm.s32 @p2 $0x1082  }
0x22: {  	[simem:s7], [sflag:s8] =	dma.local @!p0 [hbm:s6], $0xF7A  }
0x23: {  	s9 =	sor.u32 $0xD0000000, s2;
	s6 =	simm.s32 $0x108;
	_ =	swait.ge @!p0 [sflag:s8], $0x0  }
0x24: {  	s3 =	sadd.s32 $0x88, s3;
	s6 =	simm.s32 @!p1 $0x1082;
	[sflag:s4] =	ssyncset.s32 $0xFFFFF086  }
0x25: {  	[simem:s6], [sflag:s4] =	dma.local [hbm:s3], $0xF7A  }
0x26: {  	[smem:$0x3F9D] =	sst s1;
	(tag) =	ssettag s2;
	_ =	strace s9  }
0x27: {  	s1 =	sld [smem:$0x3FAD]  }
0x28: {  	s2 =	sld [smem:$0x3FAE]  }
0x29: {  	s4 =	sld [smem:$0x3FB0]  }
0x2a: {  	p0 =	seq.s32 s5, $0x0;
	s5 =	sld [smem:$0x3FB1]  }
0x2b: {  	s6 =	sld [smem:$0x3FB2]  }
0x2c: {  	s7 =	sld [smem:$0x3FB3]  }
0x2d: {  	s3 =	simm.s32 $0x108;
	s8 =	sld [smem:$0x3FB4]  }
0x2e: {  	s3 =	simm.s32 @!p0 $0x1082;
	s9 =	sld [smem:$0x3FB5]  }
0x2f: {  	lr =	sadd.s32 s0, s3;
	s0 =	sld [smem:$0x3FAC]  }
0x30: {  	s3 =	sld [smem:$0x3FAF]  }
0x31: {  	[smem:$0x3FB8] =	sst s10  }
0x32: {  	s10 =	sld [smem:$0x3FB6];
	_ =	sdelay $0x3  }
0x33: {  	p0 =	seq.s32 s10, $0x1;
	s10 =	sld [smem:$0x3FB8];
	_ =	sdelay $0x3  }
0x34: {  	[smem:$0x3FB8] =	sst s10  }
0x35: {  	s10 =	sld [smem:$0x3FB7];
	_ =	sdelay $0x3  }
0x36: {  	p1 =	seq.s32 s10, $0x1;
	s10 =	sld [smem:$0x3FB8];
	_ =	sdelay $0x3  }
0x37: {  	[smem:$0x3FB8] =	sst s10  }
0x38: {  	s10 =	sld [smem:$0x3FB9]  }
0x39: {  	_ = 	snop;
	(pc) =	sbr.ind lr, $3  }
0x3a: {  	_ = 	snop  }
0x3b: {  	_ = 	snop  }
0x3c: {  	p2 =	seq.s32 s10, $0x1;
	s10 =	sld [smem:$0x3FB8]  }
0x3d: {  	_ =	shalt  }
0x3e: {  	_ =	shalt  }
0x3f: {  	_ =	shalt  }
0x40: {  	_ =	shalt  }
0x41: {  	_ =	shalt  }
0x42: {  	_ =	shalt  }
0x43: {  	_ =	shalt  }
0x44: {  	_ =	shalt  }
0x45: {  	_ =	shalt  }
0x46: {  	_ =	shalt  }
0x47: {  	_ =	shalt  }
0x48: {  	_ =	shalt  }
0x49: {  	_ =	shalt  }
0x4a: {  	_ =	shalt  }
0x4b: {  	_ =	shalt  }
0x4c: {  	_ =	shalt  }
0x4d: {  	_ =	shalt  }
0x4e: {  	_ =	shalt  }
0x4f: {  	_ =	shalt  }
0x50: {  	_ =	shalt  }
0x51: {  	_ =	shalt  }
0x52: {  	_ =	shalt  }
0x53: {  	_ =	shalt  }
0x54: {  	_ =	shalt  }
0x55: {  	_ =	shalt  }
0x56: {  	_ =	shalt  }
0x57: {  	_ =	shalt  }
0x58: {  	_ =	shalt  }
0x59: {  	_ =	shalt  }
0x5a: {  	_ =	shalt  }
0x5b: {  	_ =	shalt  }
0x5c: {  	_ =	shalt  }
0x5d: {  	_ =	shalt  }
0x5e: {  	_ =	shalt  }
0x5f: {  	_ =	shalt  }
0x60: {  	_ =	shalt  }
0x61: {  	_ =	shalt  }
0x62: {  	_ =	shalt  }
0x63: {  	_ =	shalt  }
0x64: {  	_ =	shalt  }
0x65: {  	_ =	shalt  }
0x66: {  	_ =	shalt  }
0x67: {  	_ =	shalt  }
0x68: {  	_ =	shalt  }
0x69: {  	_ =	shalt  }
0x6a: {  	_ =	shalt  }
0x6b: {  	_ =	shalt  }
0x6c: {  	_ =	shalt  }
0x6d: {  	_ =	shalt  }
0x6e: {  	_ =	shalt  }
0x6f: {  	_ =	shalt  }
0x70: {  	_ =	shalt  }
0x71: {  	_ =	shalt  }
0x72: {  	_ =	shalt  }
0x73: {  	_ =	shalt  }
0x74: {  	_ =	shalt  }
0x75: {  	_ =	shalt  }
0x76: {  	_ =	shalt  }
0x77: {  	_ =	shalt  }
0x78: {  	_ =	shalt  }
0x79: {  	_ =	shalt  }
0x7a: {  	_ =	shalt  }
0x7b: {  	_ =	shalt  }
0x7c: {  	_ =	shalt  }
0x7d: {  	_ =	shalt  }
0x7e: {  	_ =	shalt  }
0x7f: {  	_ =	shalt  }
0x80: {  	_ =	shalt  }
0x81: {  	_ =	shalt  }
0x82: {  	_ =	shalt  }
0x83: {  	_ =	shalt  }
0x84: {  	_ =	shalt  }
0x85: {  	_ =	shalt  }
0x86: {  	_ =	shalt  }
0x87: {  	_ =	shalt  }
.Lfunc_end0:
.L_simem_size_0:
called_computation_lowered:
.L_overlay_start_0:
0x88: {  	s2 =	sld [smem:$0x3FD9]  }
0x89: {  	s3 =	sld [smem:$0x3FFE];
	_ =	sdelay $0x1  }
0x8a: {  	s1 =	srdreg.scid  }
0x8b: {  	s0 =	sand.u32 $0x1, s1  }
0x8c: {  	s16 =	sshll.u32 s0, $0xA;
	s2 =	sadd.s32 s3, s2  }
0x8d: {  	s2 =	sadd.s32 s2, s16  }
0x8e: {  	[smem:$0x3FC4] =	sst s2  }
0x8f: {  	_ = 	snop  }
0x90: {  	(tm) =	ssettm $0x1  }
0x91: {  	s17 =	sld [smem:$0x3FFB];
	_ =	sdelay $0x3  }
0x92: {  	_ =	strace s17  }
0x93: {  	s2 =	sld [smem:$0x3FFC];
	_ =	sdelay $0x3  }
0x94: {  	_ =	strace s2  }
0x95: {  	s2 =	sld [smem:$0x3FFD];
	_ =	sdelay $0x3  }
0x96: {  	_ =	strace s2  }
0x97: {  	_ =	strace $0x8FFFFFFF  }
0x98: {  	s18 =	sld [smem:$0x3FDB];
	_ =	sdelay $0x1  }
0x99: {  	s19 =	simm.s32 $_scs_section_size  }
0x9a: {  	s4 =	simm.s32 $_size__tile_overlayer_lowered;
	s5 =	simm.s32 $_tile_overlayer_lowered  }
0x9b: {  	s22 =	simm.s32 $0x1BFF;
	s21 =	sshll.u32 s5, $0x1;
	s2 =	sadd.s32 s19, s18  }
0x9c: {  	s6 =	simm.s32 $0x0;
	s20 =	sshll.u32 s4, $0x1;
	s4 =	sadd.s32 s21, s2  }
0x9d: {  	[timem:s6], [sflag:s22] =	dma.local [hbm:s4], s20  }
0x9e: {  	_ =	swait.ge [sflag:s22], s20  }
0x9f: {  	s3 =	ssub.s32 $0x0, s20;
	[sflag:s22] =	ssyncset.done $0x0  }
0xa0: {  	[sflag:s22] =	ssyncadd.s32 s3;
	_ =	sdelay $0x1  }
0xa1: {  	s23 =	simm.s32 $0x1B8B  }
0xa2: {  	_ =	swait.ge [sflag:s23], $0x1  }
0xa3: {  	[sflag:s23] =	ssyncset.done $0x0  }
0xa4: {  	s25 =	simm.s32 $0x1B8E;
	s24 =	sld [smem:$0x3FFE];
	[sflag:s23] =	ssyncadd.s32 $0xFFFFFFFF  }
0xa5: {  	s26 =	simm.s32 $execute0_lowered;
	[smem:$0x3FD2] =	sst s25  }
0xa6: {  	s4 =	sshll.u32 s26, $0x1;
	_ =	strace $0x80000046;
	[dreg:$0x1] =	wrdreg $0xFFFFFFFF  }
0xa7: {  	s28 =	simm.s32 $_size_execute0_lowered;
	s2 =	sadd.s32 s2, s4;
	[dreg:$0x0] =	wrdreg $0x0  }
0xa8: {  	s4 =	sshll.u32 s28, $0x1;
	[dreg:$0x2] =	wrdreg s2  }
0xa9: {  	[dreg:$0x3] =	wrdreg s4  }
0xaa: {  	[dreg:$0x4] =	wrdreg $0xC0  }
0xab: {  	_ =	task [dreg:s6], $0x5FFFF  }
0xac: {  	[dreg:$0x1] =	wrdreg $0xFFFFFFFF  }
0xad: {  	[dreg:$0x0] =	wrdreg $0x60  }
0xae: {  	[dreg:$0x2] =	wrdreg s24  }
0xaf: {  	[dreg:$0x3] =	wrdreg $0x11F800  }
0xb0: {  	[dreg:$0x4] =	wrdreg $0x138800  }
0xb1: {  	[dreg:$0x5] =	wrdreg $0x9  }
0xb2: {  	_ =	task.clear_ibuf [dreg:s6], $0x6FFFF;
	_ =	strace $0x90000046  }
0xb3: {  	s29 =	simm.s32 $0x9;
	_ =	strace $0x80000048  }
0xb4: {  	_ =	swait.ge [sflag:s29], $0x1  }
0xb5: {  	[sflag:s29] =	ssyncadd.s32 $0xFFFFFFFF  }
0xb6: {  	_ =	strace $0x90000048  }
0xb7: {  	_ =	sfence  }
0xb8: {  	s30 =	sld [smem:$0x0];
	_ =	sdelay $0x2  }
0xb9: {  	s31 =	sshll.u32 s1, $0xD;
	s1 =	sshrl.u32 s1, $0x2  }
0xba: {  	s3 =	sand.u32 $0x4000, s31;
	s1 =	sadd.s32 s1, s30  }
0xbb: {  	s0 =	sor.u32 s3, s0;
	s1 =	sshll.u32 s1, $0x11  }
0xbc: {  	s0 =	sor.u32 s1, s0  }
0xbd: {  	s0 =	sadd.s32 $0x8F2B, s0  }
0xbe: {  	[sflag:s0] =	ssyncadd.remote.s32 $0x1  }
0xbf: {  	_ =	sfence.sel $0xFFFF  }
0xc0: {  	[dreg:$0x0] =	wrdreg $0xFFFFFFFF;
	(pc) =	sbr.abs _section_cstart, $3  }
0xc1: {  	[dreg:$0x1] =	wrdreg $0xFFFFFFFF  }
0xc2: {  	_ =	task.clear_ibuf [dreg:s6], $0x2FFFF;
	_ =	strace $0x9FFFFFFF  }
0xc3: {  	(tm) =	ssettm $0x7FFFFFFF  }
tec
execute0_lowered:
.L_overlay_start_1:
0x0: {  	(tag) =	ssettag $0x1  }
0x1: {  	s0 =	rddreg [dreg:$0x0];
	s2 =	srdreg.scid  }
0x2: {  	s4 =	stileid.u32;
	s1 =	rddreg [dreg:$0x1];
	s5 =	sand.u32 $0x1, s2  }
0x3: {  	s3 =	sshll.u32 s4, $0x1;
	s2 =	rddreg [dreg:$0x2];
	s7 =	smul.u32 $0x1900, s4  }
0x4: {  	s8 =	sadd.s32 $0xC4E00, s0;
	s10 =	sadd.s32 $0xC8400, s0;
	s24 =	sadd.s32 $0xCB600, s0  }
0x5: {  	s19 =	sshll.u32 s4, $0x6;
	p0 =	sne.s32 s4, $0x0;
	s6 =	sor.u32 s5, s3  }
0x6: {  	s3 =	simm.s32 $0x0;
	s17 =	ssub.s32 $0x2, s5;
	s6 =	smul.u32 $0x186A0, s6  }
0x7: {  	p1 =	seq.s32 s5, $0x1;
	s5 =	simm.s32 $0x2780;
	[smem:$0x7FF] =	sst s3  }
0x8: {  	s23 =	sshrl.u32 s7, $0x3;
	s18 =	sshrl.u32 s17, $0x1;
	s6 =	sshrl.u32 s6, $0x3  }
0x9: {  	_ =	strace $0x80000047;
	[dreg:$0x4] =	wrdreg s8;
	s6 =	sadd.s32 s6, s0  }
0xa: {  	s11 =	sadd.s32 s7, s2;
	[dreg:$0x5] =	wrdreg s10;
	s20 =	sadd.s32 $0x64126, s6  }
0xb: {  	s9 =	sadd.s32 s23, s0;
	s21 =	sadd.s32 $0x2B88, s6;
	[dreg:$0x6] =	wrdreg s20  }
0xc: {  	s12 =	ssub.s32 s17, s18;
	s22 =	sadd.s32 $0x64608, s6;
	[dreg:$0x7] =	wrdreg s21  }
0xd: {  	s8 =	sadd.s32 s7, s1;
	s7 =	sadd.s32 $0x306A, s6;
	[dreg:$0x8] =	wrdreg s22  }
0xe: {  	s10 =	sor.u32 $0x1C05, s19;
	s13 =	sadd.s32 $0x64AEA, s6;
	[dreg:$0x9] =	wrdreg s7  }
0xf: {  	s9 =	sadd.s32 $0xC5200, s9;
	s14 =	sadd.s32 $0x354C, s6;
	[dreg:$0xa] =	wrdreg s13  }
0x10: {  	s25 =	sadd.s32 $0x1800, s6;
	s15 =	sadd.s32 $0x64FCC, s6;
	[dreg:$0xb] =	wrdreg s14  }
0x11: {  	s26 =	sadd.s32 $0x63280, s6;
	s16 =	sadd.s32 $0x3A2E, s6;
	[dreg:$0xc] =	wrdreg s15  }
0x12: {  	s28 =	sadd.s32 $0x1CE2, s6;
	s17 =	sadd.s32 $0x654AE, s6;
	[dreg:$0xd] =	wrdreg s16  }
0x13: {  	s29 =	sadd.s32 $0x63762, s6;
	s18 =	sadd.s32 $0x3F10, s6;
	[dreg:$0xe] =	wrdreg s17  }
0x14: {  	s30 =	sadd.s32 $0x21C4, s6;
	s19 =	sadd.s32 $0x65990, s6;
	[dreg:$0xf] =	wrdreg s18  }
0x15: {  	s31 =	sadd.s32 $0x63C44, s6;
	s0 =	sadd.s32 $0x26A6, s6;
	[dreg:$0x10] =	wrdreg s19  }
0x16: {  	s20 =	sadd.s32 $0x43F2, s6;
	s21 =	sadd.s32 $0x65E72, s6;
	s22 =	smax.u32 s12, $0x1  }
.Ltmp0:
0x17: {  	s6 =	simm.s32 $0x5;
	s7 =	simm.s32 $0x4F00;
	(pc) =	sbr.rel .LBB2_1-.Ltmp0, $4  }
0x18: {  	v0 =	vlaneseq.u32;
	s12 =	simm.s32 $0x7680;
	s13 =	simm.s32 $0x1;
	s14 =	simm.s32 $0x3  }
0x19: {  	v0 =	vmul.u32 $0xFFFFFFFF, v0;
	s15 =	simm.s32 $0x2710;
	s16 =	simm.s32 $0x9E00;
	[dreg:$0x11] =	wrdreg s20  }
0x1a: {  	s17 =	simm.s32 $0x2;
	s18 =	simm.s32 $0x4;
	[dreg:$0x12] =	wrdreg s21  }
0x1b: {  	v1 =	vimm.f32 $0.0e+00;
	v0 =	vadd.s32 $0x1388, v0;
	s19 =	simm.s32 $0xC580;
	[dreg:$0x13] =	wrdreg s22;
	s20 =	simm.s32 $0x0  }
.LBB2_8:
0x1c: {  	v3 =	vld [tilespmem:s21+$0xC580];
	_ =	sdelay $0x3  }
0x1d: {  	s23 =	smov.u32 s24  }
0x1e: {  	s24 =	smov.u32 s25;
	s25 =	smov.u32 s26;
	s26 =	smov.u32 s28;
	v2 =	vadd.f32 v2, v3  }
0x1f: {  	s28 =	smov.u32 s29;
	s29 =	smov.u32 s30;
	s30 =	smov.u32 s31  }
0x20: {  	s31 =	smov.u32 s0;
	s0 =	smov.u32 s4;
	[tilespmem:s21+$0xC580] =	vst v2;
	s21 =	rddreg [dreg:$0x5]  }
.LBB2_9:
0x21: {  	s21 =	sadd.s32 s21, s23  }
0x22: {  	[hbm4b:s21+s3] =	stream.linear.scatter [tilespmem:s19], [sflag:$0x5], $0x1900, $0x38;
	[tilespmem:$0x15180] =	vst v63  }
0x23: {  	_ =	swait.ge [sflag:s6], $0x1900  }
0x24: {  	s20 =	sadd.s32 $0x1, s20;
	s4 =	rddreg [dreg:$0x13]  }
0x25: {  	p2 =	sne.s32 s20, s4  }
.Ltmp1:
0x26: {  	_ = 	snop;
	(pc) =	sbr.rel @!p2 .LBB2_10-.Ltmp1, $3  }
0x27: {  	_ =	sdelay $0x1  }
0x28: {  	[sflag:s6] =	ssyncset.done $0x0  }
0x29: {  	[sflag:s6] =	ssyncadd.s32 $0xFFFFE700  }
.LBB2_1:
0x2a: {  	s21 =	sshrl.u32 s8, $0x3  }
0x2b: {  	[spmem:s21], [sflag:s10] =	dma.local [hbm:s9], $0x320  }
0x2c: {  	_ =	swait.ge [sflag:s6], $0x320  }
0x2d: {  	[sflag:s6] =	ssyncset.done $0x0  }
.Ltmp2:
0x2e: {  	s22 =	sshrl.u32 s11, $0x3;
	[sflag:s6] =	ssyncadd.s32 $0xFFFFFCE0;
	(pc) =	sbr.rel @p0 .LBB2_5-.Ltmp2, $4  }
0x2f: {  	[spmem:s22], [sflag:s10] =	dma.local [hbm:s9], $0x320  }
0x30: {  	_ =	swait.ge [sflag:s6], $0x320  }
0x31: {  	[sflag:s6] =	ssyncset.done $0x0  }
0x32: {  	[sflag:s6] =	ssyncadd.s32 $0xFFFFFCE0  }
0x33: {  	s21 =	simm.s32 $0x0;
	s22 =	rddreg [dreg:$0x4];
	s4 =	simm.s32 $0xF780  }
0x34: {  	[tilespmem:s4], [sflag:$0x5] =	stream.linear.gather [hbm4b:s22+s21], $0x1400, $0x38;
	[tilespmem:$0x15180] =	vst v63  }
0x35: {  	v2 =	vmov s21;
	_ =	swait.ge [sflag:s6], $0x1400  }
0x36: {  	vm0 =	vlt.u32 v2, v0;
	[sflag:s6] =	ssyncset.done $0x0  }
0x37: {  	s21 =	simm.s32 $0x10B80;
	v2 =	vsel vm0, $0x3F800000, v1;
	[sflag:s6] =	ssyncadd.s32 $0xFFFFEC00  }
0x38: {  	s22 =	simm.s32 $0x10;
	[tilespmem:s21+$0x0] =	vst v2  }
.LBB2_3:
0x39: {  	p2 =	sne.s32 s22, $0x1380  }
.Ltmp3:
0x3a: {  	_ = 	snop;
	(pc) =	sbr.rel @p2 .LBB2_3-.Ltmp3, $4  }
0x3b: {  	v2 =	vmov s22  }
0x3c: {  	vm0 =	vlt.u32 v2, v0  }
0x3d: {  	s21 =	sadd.s32 $0x10, s21;
	v2 =	vsel vm0, $0x3F800000, v1  }
0x3e: {  	s22 =	sadd.s32 $0x10, s22;
	[tilespmem:s21+$0x0] =	vst v2  }
0x3f: {  	s4 =	simm.s32 $0xF780;
	s21 =	simm.s32 $0x1390;
	s22 =	simm.s32 $0x10B80  }
0x40: {  	[spmem:s1] =	stream.indirect.scatter.add.f32 [tilespmem:s22], [sflag:$0x5], $0x1, s4, s21, $0xb8;
	[tilespmem:$0x15180] =	vst v63  }
0x41: {  	_ =	swait.ge [sflag:s6], $0x1390  }
0x42: {  	[sflag:s6] =	ssyncset.done $0x0  }
0x43: {  	[sflag:s6] =	ssyncadd.s32 $0xFFFFEC70  }
.LBB2_5:
0x44: {  	[bflag:$0x0] =	sbarrier.arrive $0xFFFF  }
0x45: {  	[tilespmem:s3], [sflag:$0x1] =	stream.linear.gather [hbm4b:s25+s3], $0x2710, $0x38;
	[tilespmem:$0x15180] =	vst v63  }
0x46: {  	_ = 	snop  }
0x47: {  	[tilespmem:s7], [sflag:$0x3] =	stream.linear.gather [hbm4b:s26+s3], $0x2710, $0x38;
	[tilespmem:$0x15180] =	vst v63  }
0x48: {  	_ = 	snop  }
0x49: {  	[tilespmem:s5], [sflag:$0x2] =	stream.linear.gather [hbm4b:s28+s3], $0x2710, $0x38;
	[tilespmem:$0x15180] =	vst v63  }
0x4a: {  	_ = 	snop  }
0x4b: {  	[tilespmem:s12], [sflag:$0x4] =	stream.linear.gather [hbm4b:s29+s3], $0x2710, $0x38;
	[tilespmem:$0x15180] =	vst v63  }
0x4c: {  	_ =	swait.ge [sflag:s13], $0x2710  }
0x4d: {  	[sflag:s13] =	ssyncset.done $0x0  }
0x4e: {  	[sflag:s13] =	ssyncadd.s32 $0xFFFFD8F0  }
0x4f: {  	_ =	swait.ge [sflag:s14], $0x2710  }
0x50: {  	[sflag:s14] =	ssyncset.done $0x0  }
0x51: {  	[sflag:s14] =	ssyncadd.s32 $0xFFFFD8F0  }
0x52: {  	[tilespmem:s16], [sflag:$0x5] =	stream.indirect.gather [spmem:s1], $0x1, s3, s15, $0xb8;
	[tilespmem:$0x15180] =	vst v63  }
0x53: {  	_ =	swait.ge [sflag:s6], $0x2710  }
0x54: {  	[sflag:s6] =	ssyncset.done $0x0  }
0x55: {  	[sflag:s6] =	ssyncadd.s32 $0xFFFFD8F0  }
0x56: {  	[spmem:s2] =	stream.indirect.scatter.add.f32 [tilespmem:s16], [sflag:$0x5], $0x1, s7, s15, $0xb8;
	[tilespmem:$0x15180] =	vst v63  }
0x57: {  	_ =	swait.ge [sflag:s6], $0x2710  }
0x58: {  	[sflag:s6] =	ssyncset.done $0x0  }
0x59: {  	[sflag:s6] =	ssyncadd.s32 $0xFFFFD8F0  }
0x5a: {  	[tilespmem:s3], [sflag:$0x1] =	stream.linear.gather [hbm4b:s30+s3], $0x2710, $0x38;
	[tilespmem:$0x15180] =	vst v63  }
0x5b: {  	_ = 	snop  }
0x5c: {  	[tilespmem:s7], [sflag:$0x3] =	stream.linear.gather [hbm4b:s31+s3], $0x2710, $0x38;
	[tilespmem:$0x15180] =	vst v63  }
0x5d: {  	_ =	swait.ge [sflag:s17], $0x2710  }
0x5e: {  	[sflag:s17] =	ssyncset.done $0x0  }
0x5f: {  	[sflag:s17] =	ssyncadd.s32 $0xFFFFD8F0  }
0x60: {  	_ =	swait.ge [sflag:s18], $0x2710  }
0x61: {  	[sflag:s18] =	ssyncset.done $0x0  }
0x62: {  	[sflag:s18] =	ssyncadd.s32 $0xFFFFD8F0  }
0x63: {  	[tilespmem:s16], [sflag:$0x5] =	stream.indirect.gather [spmem:s1], $0x1, s5, s15, $0xb8;
	[tilespmem:$0x15180] =	vst v63  }
0x64: {  	_ =	swait.ge [sflag:s6], $0x2710  }
0x65: {  	[sflag:s6] =	ssyncset.done $0x0  }
0x66: {  	[sflag:s6] =	ssyncadd.s32 $0xFFFFD8F0  }
0x67: {  	[spmem:s2] =	stream.indirect.scatter.add.f32 [tilespmem:s16], [sflag:$0x5], $0x1, s12, s15, $0xb8;
	[tilespmem:$0x15180] =	vst v63  }
0x68: {  	_ =	swait.ge [sflag:s6], $0x2710  }
0x69: {  	[sflag:s6] =	ssyncset.done $0x0  }
0x6a: {  	[sflag:s6] =	ssyncadd.s32 $0xFFFFD8F0  }
0x6b: {  	[tilespmem:s5], [sflag:$0x2] =	stream.linear.gather [hbm4b:s0+s3], $0x2710, $0x38;
	[tilespmem:$0x15180] =	vst v63  }
0x6c: {  	s4 =	rddreg [dreg:$0x6]  }
0x6d: {  	[tilespmem:s12], [sflag:$0x4] =	stream.linear.gather [hbm4b:s4+s3], $0x2710, $0x38;
	[tilespmem:$0x15180] =	vst v63  }
0x6e: {  	_ =	swait.ge [sflag:s13], $0x2710  }
0x6f: {  	[sflag:s13] =	ssyncset.done $0x0  }
0x70: {  	[sflag:s13] =	ssyncadd.s32 $0xFFFFD8F0  }
0x71: {  	_ =	swait.ge [sflag:s14], $0x2710  }
0x72: {  	[sflag:s14] =	ssyncset.done $0x0  }
0x73: {  	[sflag:s14] =	ssyncadd.s32 $0xFFFFD8F0  }
0x74: {  	[tilespmem:s16], [sflag:$0x5] =	stream.indirect.gather [spmem:s1], $0x1, s3, s15, $0xb8;
	[tilespmem:$0x15180] =	vst v63  }
0x75: {  	_ =	swait.ge [sflag:s6], $0x2710  }
0x76: {  	[sflag:s6] =	ssyncset.done $0x0  }
0x77: {  	[sflag:s6] =	ssyncadd.s32 $0xFFFFD8F0  }
0x78: {  	[spmem:s2] =	stream.indirect.scatter.add.f32 [tilespmem:s16], [sflag:$0x5], $0x1, s7, s15, $0xb8;
	[tilespmem:$0x15180] =	vst v63  }
0x79: {  	_ =	swait.ge [sflag:s6], $0x2710  }
0x7a: {  	[sflag:s6] =	ssyncset.done $0x0  }
0x7b: {  	s21 =	rddreg [dreg:$0x7];
	[sflag:s6] =	ssyncadd.s32 $0xFFFFD8F0  }
0x7c: {  	[tilespmem:s3], [sflag:$0x1] =	stream.linear.gather [hbm4b:s21+s3], $0x2710, $0x38;
	[tilespmem:$0x15180] =	vst v63  }
0x7d: {  	s22 =	rddreg [dreg:$0x8]  }
0x7e: {  	[tilespmem:s7], [sflag:$0x3] =	stream.linear.gather [hbm4b:s22+s3], $0x2710, $0x38;
	[tilespmem:$0x15180] =	vst v63  }
0x7f: {  	_ =	swait.ge [sflag:s17], $0x2710  }
0x80: {  	[sflag:s17] =	ssyncset.done $0x0  }
0x81: {  	[sflag:s17] =	ssyncadd.s32 $0xFFFFD8F0  }
0x82: {  	_ =	swait.ge [sflag:s18], $0x2710  }
0x83: {  	[sflag:s18] =	ssyncset.done $0x0  }
0x84: {  	[sflag:s18] =	ssyncadd.s32 $0xFFFFD8F0  }
0x85: {  	[tilespmem:s16], [sflag:$0x5] =	stream.indirect.gather [spmem:s1], $0x1, s5, s15, $0xb8;
	[tilespmem:$0x15180] =	vst v63  }
0x86: {  	_ =	swait.ge [sflag:s6], $0x2710  }
0x87: {  	[sflag:s6] =	ssyncset.done $0x0  }
0x88: {  	[sflag:s6] =	ssyncadd.s32 $0xFFFFD8F0  }
0x89: {  	[spmem:s2] =	stream.indirect.scatter.add.f32 [tilespmem:s16], [sflag:$0x5], $0x1, s12, s15, $0xb8;
	[tilespmem:$0x15180] =	vst v63  }
0x8a: {  	_ =	swait.ge [sflag:s6], $0x2710  }
0x8b: {  	[sflag:s6] =	ssyncset.done $0x0  }
0x8c: {  	s21 =	rddreg [dreg:$0x9];
	[sflag:s6] =	ssyncadd.s32 $0xFFFFD8F0  }
0x8d: {  	[tilespmem:s5], [sflag:$0x2] =	stream.linear.gather [hbm4b:s21+s3], $0x2710, $0x38;
	[tilespmem:$0x15180] =	vst v63  }
0x8e: {  	s22 =	rddreg [dreg:$0xa]  }
0x8f: {  	[tilespmem:s12], [sflag:$0x4] =	stream.linear.gather [hbm4b:s22+s3], $0x2710, $0x38;
	[tilespmem:$0x15180] =	vst v63  }
0x90: {  	_ =	swait.ge [sflag:s13], $0x2710  }
0x91: {  	[sflag:s13] =	ssyncset.done $0x0  }
0x92: {  	[sflag:s13] =	ssyncadd.s32 $0xFFFFD8F0  }
0x93: {  	_ =	swait.ge [sflag:s14], $0x2710  }
0x94: {  	[sflag:s14] =	ssyncset.done $0x0  }
0x95: {  	[sflag:s14] =	ssyncadd.s32 $0xFFFFD8F0  }
0x96: {  	[tilespmem:s16], [sflag:$0x5] =	stream.indirect.gather [spmem:s1], $0x1, s3, s15, $0xb8;
	[tilespmem:$0x15180] =	vst v63  }
0x97: {  	_ =	swait.ge [sflag:s6], $0x2710  }
0x98: {  	[sflag:s6] =	ssyncset.done $0x0  }
0x99: {  	[sflag:s6] =	ssyncadd.s32 $0xFFFFD8F0  }
0x9a: {  	[spmem:s2] =	stream.indirect.scatter.add.f32 [tilespmem:s16], [sflag:$0x5], $0x1, s7, s15, $0xb8;
	[tilespmem:$0x15180] =	vst v63  }
0x9b: {  	_ =	swait.ge [sflag:s6], $0x2710  }
0x9c: {  	[sflag:s6] =	ssyncset.done $0x0  }
0x9d: {  	s21 =	rddreg [dreg:$0xb];
	[sflag:s6] =	ssyncadd.s32 $0xFFFFD8F0  }
0x9e: {  	[tilespmem:s3], [sflag:$0x1] =	stream.linear.gather [hbm4b:s21+s3], $0x2710, $0x38;
	[tilespmem:$0x15180] =	vst v63  }
0x9f: {  	s22 =	rddreg [dreg:$0xc]  }
0xa0: {  	[tilespmem:s7], [sflag:$0x3] =	stream.linear.gather [hbm4b:s22+s3], $0x2710, $0x38;
	[tilespmem:$0x15180] =	vst v63  }
0xa1: {  	_ =	swait.ge [sflag:s17], $0x2710  }
0xa2: {  	[sflag:s17] =	ssyncset.done $0x0  }
0xa3: {  	[sflag:s17] =	ssyncadd.s32 $0xFFFFD8F0  }
0xa4: {  	_ =	swait.ge [sflag:s18], $0x2710  }
0xa5: {  	[sflag:s18] =	ssyncset.done $0x0  }
0xa6: {  	[sflag:s18] =	ssyncadd.s32 $0xFFFFD8F0  }
0xa7: {  	[tilespmem:s16], [sflag:$0x5] =	stream.indirect.gather [spmem:s1], $0x1, s5, s15, $0xb8;
	[tilespmem:$0x15180] =	vst v63  }
0xa8: {  	_ =	swait.ge [sflag:s6], $0x2710  }
0xa9: {  	[sflag:s6] =	ssyncset.done $0x0  }
0xaa: {  	[sflag:s6] =	ssyncadd.s32 $0xFFFFD8F0  }
0xab: {  	[spmem:s2] =	stream.indirect.scatter.add.f32 [tilespmem:s16], [sflag:$0x5], $0x1, s12, s15, $0xb8;
	[tilespmem:$0x15180] =	vst v63  }
0xac: {  	_ =	swait.ge [sflag:s6], $0x2710  }
0xad: {  	[sflag:s6] =	ssyncset.done $0x0  }
0xae: {  	s21 =	rddreg [dreg:$0xd];
	[sflag:s6] =	ssyncadd.s32 $0xFFFFD8F0  }
0xaf: {  	[tilespmem:s5], [sflag:$0x2] =	stream.linear.gather [hbm4b:s21+s3], $0x2710, $0x38;
	[tilespmem:$0x15180] =	vst v63  }
0xb0: {  	s22 =	rddreg [dreg:$0xe]  }
0xb1: {  	[tilespmem:s12], [sflag:$0x4] =	stream.linear.gather [hbm4b:s22+s3], $0x2710, $0x38;
	[tilespmem:$0x15180] =	vst v63  }
0xb2: {  	_ =	swait.ge [sflag:s13], $0x2710  }
0xb3: {  	[sflag:s13] =	ssyncset.done $0x0  }
0xb4: {  	[sflag:s13] =	ssyncadd.s32 $0xFFFFD8F0  }
0xb5: {  	_ =	swait.ge [sflag:s14], $0x2710  }
0xb6: {  	[sflag:s14] =	ssyncset.done $0x0  }
0xb7: {  	[sflag:s14] =	ssyncadd.s32 $0xFFFFD8F0  }
0xb8: {  	[tilespmem:s16], [sflag:$0x5] =	stream.indirect.gather [spmem:s1], $0x1, s3, s15, $0xb8;
	[tilespmem:$0x15180] =	vst v63  }
0xb9: {  	_ =	swait.ge [sflag:s6], $0x2710  }
0xba: {  	[sflag:s6] =	ssyncset.done $0x0  }
0xbb: {  	[sflag:s6] =	ssyncadd.s32 $0xFFFFD8F0  }
0xbc: {  	[spmem:s2] =	stream.indirect.scatter.add.f32 [tilespmem:s16], [sflag:$0x5], $0x1, s7, s15, $0xb8;
	[tilespmem:$0x15180] =	vst v63  }
0xbd: {  	_ =	swait.ge [sflag:s6], $0x2710  }
0xbe: {  	[sflag:s6] =	ssyncset.done $0x0  }
0xbf: {  	s21 =	rddreg [dreg:$0xf];
	[sflag:s6] =	ssyncadd.s32 $0xFFFFD8F0  }
0xc0: {  	[tilespmem:s3], [sflag:$0x1] =	stream.linear.gather [hbm4b:s21+s3], $0x2710, $0x38;
	[tilespmem:$0x15180] =	vst v63  }
0xc1: {  	s22 =	rddreg [dreg:$0x10]  }
0xc2: {  	[tilespmem:s7], [sflag:$0x3] =	stream.linear.gather [hbm4b:s22+s3], $0x2710, $0x38;
	[tilespmem:$0x15180] =	vst v63  }
0xc3: {  	_ =	swait.ge [sflag:s17], $0x2710  }
0xc4: {  	[sflag:s17] =	ssyncset.done $0x0  }
0xc5: {  	[sflag:s17] =	ssyncadd.s32 $0xFFFFD8F0  }
0xc6: {  	_ =	swait.ge [sflag:s18], $0x2710  }
0xc7: {  	[sflag:s18] =	ssyncset.done $0x0  }
0xc8: {  	[sflag:s18] =	ssyncadd.s32 $0xFFFFD8F0  }
0xc9: {  	[tilespmem:s16], [sflag:$0x5] =	stream.indirect.gather [spmem:s1], $0x1, s5, s15, $0xb8;
	[tilespmem:$0x15180] =	vst v63  }
0xca: {  	_ =	swait.ge [sflag:s6], $0x2710  }
0xcb: {  	[sflag:s6] =	ssyncset.done $0x0  }
0xcc: {  	[sflag:s6] =	ssyncadd.s32 $0xFFFFD8F0  }
0xcd: {  	[spmem:s2] =	stream.indirect.scatter.add.f32 [tilespmem:s16], [sflag:$0x5], $0x1, s12, s15, $0xb8;
	[tilespmem:$0x15180] =	vst v63  }
0xce: {  	_ =	swait.ge [sflag:s6], $0x2710  }
0xcf: {  	[sflag:s6] =	ssyncset.done $0x0  }
0xd0: {  	s21 =	rddreg [dreg:$0x11];
	[sflag:s6] =	ssyncadd.s32 $0xFFFFD8F0  }
0xd1: {  	[tilespmem:s5], [sflag:$0x2] =	stream.linear.gather [hbm4b:s21+s3], $0x2710, $0x38;
	[tilespmem:$0x15180] =	vst v63  }
0xd2: {  	s22 =	rddreg [dreg:$0x12]  }
0xd3: {  	[tilespmem:s12], [sflag:$0x4] =	stream.linear.gather [hbm4b:s22+s3], $0x2710, $0x38;
	[tilespmem:$0x15180] =	vst v63  }
0xd4: {  	_ =	swait.ge [sflag:s13], $0x2710  }
0xd5: {  	[sflag:s13] =	ssyncset.done $0x0  }
0xd6: {  	[sflag:s13] =	ssyncadd.s32 $0xFFFFD8F0  }
0xd7: {  	_ =	swait.ge [sflag:s14], $0x2710  }
0xd8: {  	[sflag:s14] =	ssyncset.done $0x0  }
0xd9: {  	[sflag:s14] =	ssyncadd.s32 $0xFFFFD8F0  }
0xda: {  	[tilespmem:s16], [sflag:$0x5] =	stream.indirect.gather [spmem:s1], $0x1, s3, s15, $0xb8;
	[tilespmem:$0x15180] =	vst v63  }
0xdb: {  	_ =	swait.ge [sflag:s6], $0x2710  }
0xdc: {  	[sflag:s6] =	ssyncset.done $0x0  }
0xdd: {  	[sflag:s6] =	ssyncadd.s32 $0xFFFFD8F0  }
0xde: {  	[spmem:s2] =	stream.indirect.scatter.add.f32 [tilespmem:s16], [sflag:$0x5], $0x1, s7, s15, $0xb8;
	[tilespmem:$0x15180] =	vst v63  }
0xdf: {  	_ =	swait.ge [sflag:s6], $0x2710  }
0xe0: {  	[sflag:s6] =	ssyncset.done $0x0  }
0xe1: {  	[sflag:s6] =	ssyncadd.s32 $0xFFFFD8F0  }
0xe2: {  	_ =	swait.ge [sflag:s17], $0x2710  }
0xe3: {  	[sflag:s17] =	ssyncset.done $0x0  }
0xe4: {  	[sflag:s17] =	ssyncadd.s32 $0xFFFFD8F0  }
0xe5: {  	_ =	swait.ge [sflag:s18], $0x2710  }
0xe6: {  	[sflag:s18] =	ssyncset.done $0x0  }
0xe7: {  	[sflag:s18] =	ssyncadd.s32 $0xFFFFD8F0  }
0xe8: {  	[tilespmem:s16], [sflag:$0x5] =	stream.indirect.gather [spmem:s1], $0x1, s5, s15, $0xb8;
	[tilespmem:$0x15180] =	vst v63  }
0xe9: {  	_ =	swait.ge [sflag:s6], $0x2710  }
0xea: {  	[sflag:s6] =	ssyncset.done $0x0  }
0xeb: {  	[sflag:s6] =	ssyncadd.s32 $0xFFFFD8F0  }
0xec: {  	[spmem:s2] =	stream.indirect.scatter.add.f32 [tilespmem:s16], [sflag:$0x5], $0x1, s12, s15, $0xb8;
	[tilespmem:$0x15180] =	vst v63  }
0xed: {  	_ =	swait.ge [sflag:s6], $0x2710  }
0xee: {  	[sflag:s6] =	ssyncset.done $0x0  }
0xef: {  	[sflag:s6] =	ssyncadd.s32 $0xFFFFD8F0  }
.Ltmp4:
0xf0: {  	[bflag:$0x0] =	sbarrier.arrive $0xFFFF;
	(pc) =	sbr.rel @p1 .LBB2_9-.Ltmp4, $4  }
0xf1: {  	[tilespmem:s19], [sflag:$0x5] =	stream.linear.gather [spmem:s11], $0x1900, $0x38;
	[tilespmem:$0x15180] =	vst v63  }
0xf2: {  	_ =	swait.ge [sflag:s6], $0x1900  }
0xf3: {  	[sflag:s6] =	ssyncset.done $0x0  }
0xf4: {  	s21 =	smov.u32 s24;
	[sflag:s6] =	ssyncadd.s32 $0xFFFFE700  }
0xf5: {  	s4 =	smov.u32 s0;
	s0 =	smov.u32 s31;
	s21 =	simm.s32 $0xDE80  }
0xf6: {  	[tilespmem:s21], [sflag:$0x5] =	stream.linear.gather [spmem:s8], $0x1900, $0x38;
	[tilespmem:$0x15180] =	vst v63  }
0xf7: {  	s31 =	smov.u32 s30;
	s30 =	smov.u32 s29;
	_ =	swait.ge [sflag:s6], $0x1900  }
0xf8: {  	s29 =	smov.u32 s28;
	s28 =	smov.u32 s26;
	[sflag:s6] =	ssyncset.done $0x0  }
0xf9: {  	s26 =	smov.u32 s25;
	s21 =	simm.s32 $0x0;
	[sflag:s6] =	ssyncadd.s32 $0xFFFFE700  }
0xfa: {  	s25 =	smov.u32 s24;
	s24 =	smov.u32 s23;
	s22 =	simm.s32 $0x40;
	v2 =	vld [tilespmem:s21+$0xDE80]  }
.LBB2_7:
0xfb: {  	p2 =	sne.s32 s22, $0x63C0;
	v3 =	vld [tilespmem:s21+$0xC580];
	_ =	sdelay $0x2  }
.Ltmp5:
0xfc: {  	(pc) =	sbr.rel @p2 .LBB2_7-.Ltmp5, $4  }
0xfd: {  	_ = 	snop  }
0xfe: {  	v3 =	vadd.f32 v2, v3  }
0xff: {  	s23 =	sshra.s32 s22, $0x2  }
0x100: {  	s22 =	sadd.s32 $0x40, s22;
	v2 =	vld [tilespmem:s23+$0xDE80];
	[tilespmem:s21+$0xC580] =	vst v3;
	s21 =	smov.u32 s23  }
.Ltmp6:
0x101: {  	_ = 	snop;
	(pc) =	sbr.rel .LBB2_8-.Ltmp6, $1  }
0x102: {  	_ =	sdelay $0x3  }
.LBB2_10:
0x103: {  	_ =	sfence.sel $0x180000  }
0x104: {  	[bflag:$0x0] =	sbarrier.arrive $0xFFFF  }
0x105: {  	_ =	strace $0x90000047  }
0x106: {  	[bflag:$0x2] =	sbarrier.arrive $0xFFFF  }
0x107: {  	s0 =	rddreg [dreg:$0x3]  }
0x108: {  	s0 =	sadd.s32 @!p0 $0x100000, s0  }
0x109: {  	[sflag:s0] =	ssyncadd.tile.s32 @!p0 $0x1;
	_ =	shalt  }
.Lfunc_end2:
_tile_overlayer_lowered:
.L_overlay_start_2:
0x10a: {  	(tag) =	ssettag $0x2  }
0x10b: {  	s0 =	rddreg [dreg:$0x0];
	s2 =	stileid.u32  }
0x10c: {  	s1 =	rddreg [dreg:$0x1];
	p0 =	sne.s32 s2, $0x0  }
0x10d: {  	s3 =	rddreg [dreg:$0x2];
	[bflag:$0x3] =	sbarrier.arrive $0xFFFF;
	s2 =	simm.s32 @!p0 $0x1C05  }
0x10e: {  	[timem:s3], [sflag:s2] =	dma.local @!p0 [hbm:s0], s1  }
0x10f: {  	s0 =	simm.s32 @!p0 $0x5  }
0x110: {  	_ =	swait.ge @!p0 [sflag:s0], s1  }
0x111: {  	s1 =	ssub.s32 @!p0 $0x0, s1;
	[sflag:s0] =	ssyncset.done @!p0 $0x0  }
0x112: {  	[sflag:s0] =	ssyncadd.s32 @!p0 s1  }
0x113: {  	[bflag:$0x3] =	sbarrier.arrive $0xFFFF  }
0x114: {  	_ =	shalt  }

// kernel: kernel.8.cloned.1.call-start
scs
__scs_entry_jumppad:
0x0: {  	(pc) =	sbr.rel $0x88, $3  }
0x1: {  	(tag) =	ssettag $0x0;
	lr =	simm.s32 $0x1  }
0x2: {  	[smem:$0x3F9D] =	sst lr;
	_ =	strace $0xD0000000  }
0x3: {  	_ = 	snop  }
0x4: {  	_ = 	snop  }
0x5: {  	_ = 	snop  }
0x6: {  	_ = 	snop  }
0x7: {  	_ = 	snop  }
__scs_overlays_trampoline_lowered:
0x8: {  	[smem:$0x3FAC] =	sst s0  }
0x9: {  	[smem:$0x3FAD] =	sst s1  }
0xa: {  	[smem:$0x3FAE] =	sst s2  }
0xb: {  	[smem:$0x3FAF] =	sst s3  }
0xc: {  	[smem:$0x3FB0] =	sst s4  }
0xd: {  	[smem:$0x3FB1] =	sst s5  }
0xe: {  	[smem:$0x3FB2] =	sst s6  }
0xf: {  	[smem:$0x3FB3] =	sst s7  }
0x10: {  	[smem:$0x3FB4] =	sst s8  }
0x11: {  	[smem:$0x3FB5] =	sst s9;
	s0 =	simm.s32 @!p0 $0x0  }
0x12: {  	s1 =	sld [smem:$0x3F9B];
	s0 =	simm.s32 @p0 $0x1  }
0x13: {  	[smem:$0x3FB6] =	sst s0;
	s0 =	simm.s32 @!p1 $0x0  }
0x14: {  	s2 =	sld [smem:$0x3F9A];
	s0 =	simm.s32 @p1 $0x1  }
0x15: {  	[smem:$0x3FB7] =	sst s0;
	s0 =	simm.s32 @!p2 $0x0  }
0x16: {  	s3 =	sld [smem:$0x3FDB];
	s0 =	simm.s32 @p2 $0x1  }
0x17: {  	s4 =	simm.s32 $0x1BF5;
	[smem:$0x3FB9] =	sst s0  }
0x18: {  	s0 =	sld [smem:$0x3F9C];
	_ =	swait.ge [sflag:s4], $0x0  }
0x19: {  	s7 =	sld [smem:$0x3F9D]  }
0x1a: {  	s8 =	sadd.s32 $0xFFFFE003, lr  }
0x1b: {  	s9 =	sadd.s32 $0xFFFFFEF7, lr;
	s5 =	simm.s32 $0xFFFFFFFF;
	p2 =	slt.u32 s8, $0xFFFFF086  }
0x1c: {  	p1 =	slt.u32 s9, $0xF7A;
	s5 =	simm.s32 @!p2 $0x0  }
0x1d: {  	s5 =	simm.s32 @p1 $0x1;
	p0 =	seq.s32 s7, s2  }
0x1e: {  	s7 =	smul.u32 @!p0 $0xF7A, s2;
	p2 =	seq.s32 @!p0 s5, $0x0  }
0x1f: {  	s9 =	smul.u32 $0xF7A, s1;
	s8 =	simm.s32 @!p0 $0x1BF5;
	p2 =	por !p2, p0  }
0x20: {  	[sflag:s8] =	ssyncset.s32 @!p0 $0xFFFFF086;
	s6 =	sadd.s32 @!p0 s3, s7;
	s7 =	simm.s32 @!p0 $0x108  }
0x21: {  	s3 =	sadd.s32 s3, s9;
	s6 =	sadd.s32 @!p0 $0x88, s6;
	s7 =	simm.s32 @p2 $0x1082  }
0x22: {  	[simem:s7], [sflag:s8] =	dma.local @!p0 [hbm:s6], $0xF7A  }
0x23: {  	s9 =	sor.u32 $0xD0000000, s2;
	s6 =	simm.s32 $0x108;
	_ =	swait.ge @!p0 [sflag:s8], $0x0  }
0x24: {  	s3 =	sadd.s32 $0x88, s3;
	s6 =	simm.s32 @!p1 $0x1082;
	[sflag:s4] =	ssyncset.s32 $0xFFFFF086  }
0x25: {  	[simem:s6], [sflag:s4] =	dma.local [hbm:s3], $0xF7A  }
0x26: {  	[smem:$0x3F9D] =	sst s1;
	(tag) =	ssettag s2;
	_ =	strace s9  }
0x27: {  	s1 =	sld [smem:$0x3FAD]  }
0x28: {  	s2 =	sld [smem:$0x3FAE]  }
0x29: {  	s4 =	sld [smem:$0x3FB0]  }
0x2a: {  	p0 =	seq.s32 s5, $0x0;
	s5 =	sld [smem:$0x3FB1]  }
0x2b: {  	s6 =	sld [smem:$0x3FB2]  }
0x2c: {  	s7 =	sld [smem:$0x3FB3]  }
0x2d: {  	s3 =	simm.s32 $0x108;
	s8 =	sld [smem:$0x3FB4]  }
0x2e: {  	s3 =	simm.s32 @!p0 $0x1082;
	s9 =	sld [smem:$0x3FB5]  }
0x2f: {  	lr =	sadd.s32 s0, s3;
	s0 =	sld [smem:$0x3FAC]  }
0x30: {  	s3 =	sld [smem:$0x3FAF]  }
0x31: {  	[smem:$0x3FB8] =	sst s10  }
0x32: {  	s10 =	sld [smem:$0x3FB6];
	_ =	sdelay $0x3  }
0x33: {  	p0 =	seq.s32 s10, $0x1;
	s10 =	sld [smem:$0x3FB8];
	_ =	sdelay $0x3  }
0x34: {  	[smem:$0x3FB8] =	sst s10  }
0x35: {  	s10 =	sld [smem:$0x3FB7];
	_ =	sdelay $0x3  }
0x36: {  	p1 =	seq.s32 s10, $0x1;
	s10 =	sld [smem:$0x3FB8];
	_ =	sdelay $0x3  }
0x37: {  	[smem:$0x3FB8] =	sst s10  }
0x38: {  	s10 =	sld [smem:$0x3FB9]  }
0x39: {  	_ = 	snop;
	(pc) =	sbr.ind lr, $3  }
0x3a: {  	_ = 	snop  }
0x3b: {  	_ = 	snop  }
0x3c: {  	p2 =	seq.s32 s10, $0x1;
	s10 =	sld [smem:$0x3FB8]  }
0x3d: {  	_ =	shalt  }
0x3e: {  	_ =	shalt  }
0x3f: {  	_ =	shalt  }
0x40: {  	_ =	shalt  }
0x41: {  	_ =	shalt  }
0x42: {  	_ =	shalt  }
0x43: {  	_ =	shalt  }
0x44: {  	_ =	shalt  }
0x45: {  	_ =	shalt  }
0x46: {  	_ =	shalt  }
0x47: {  	_ =	shalt  }
0x48: {  	_ =	shalt  }
0x49: {  	_ =	shalt  }
0x4a: {  	_ =	shalt  }
0x4b: {  	_ =	shalt  }
0x4c: {  	_ =	shalt  }
0x4d: {  	_ =	shalt  }
0x4e: {  	_ =	shalt  }
0x4f: {  	_ =	shalt  }
0x50: {  	_ =	shalt  }
0x51: {  	_ =	shalt  }
0x52: {  	_ =	shalt  }
0x53: {  	_ =	shalt  }
0x54: {  	_ =	shalt  }
0x55: {  	_ =	shalt  }
0x56: {  	_ =	shalt  }
0x57: {  	_ =	shalt  }
0x58: {  	_ =	shalt  }
0x59: {  	_ =	shalt  }
0x5a: {  	_ =	shalt  }
0x5b: {  	_ =	shalt  }
0x5c: {  	_ =	shalt  }
0x5d: {  	_ =	shalt  }
0x5e: {  	_ =	shalt  }
0x5f: {  	_ =	shalt  }
0x60: {  	_ =	shalt  }
0x61: {  	_ =	shalt  }
0x62: {  	_ =	shalt  }
0x63: {  	_ =	shalt  }
0x64: {  	_ =	shalt  }
0x65: {  	_ =	shalt  }
0x66: {  	_ =	shalt  }
0x67: {  	_ =	shalt  }
0x68: {  	_ =	shalt  }
0x69: {  	_ =	shalt  }
0x6a: {  	_ =	shalt  }
0x6b: {  	_ =	shalt  }
0x6c: {  	_ =	shalt  }
0x6d: {  	_ =	shalt  }
0x6e: {  	_ =	shalt  }
0x6f: {  	_ =	shalt  }
0x70: {  	_ =	shalt  }
0x71: {  	_ =	shalt  }
0x72: {  	_ =	shalt  }
0x73: {  	_ =	shalt  }
0x74: {  	_ =	shalt  }
0x75: {  	_ =	shalt  }
0x76: {  	_ =	shalt  }
0x77: {  	_ =	shalt  }
0x78: {  	_ =	shalt  }
0x79: {  	_ =	shalt  }
0x7a: {  	_ =	shalt  }
0x7b: {  	_ =	shalt  }
0x7c: {  	_ =	shalt  }
0x7d: {  	_ =	shalt  }
0x7e: {  	_ =	shalt  }
0x7f: {  	_ =	shalt  }
0x80: {  	_ =	shalt  }
0x81: {  	_ =	shalt  }
0x82: {  	_ =	shalt  }
0x83: {  	_ =	shalt  }
0x84: {  	_ =	shalt  }
0x85: {  	_ =	shalt  }
0x86: {  	_ =	shalt  }
0x87: {  	_ =	shalt  }
.Lfunc_end0:
.L_simem_size_0:
called_computation.1_lowered:
.L_overlay_start_0:
0x88: {  	s2 =	sld [smem:$0x3FD9]  }
0x89: {  	s3 =	sld [smem:$0x3FFE];
	_ =	sdelay $0x1  }
0x8a: {  	s1 =	srdreg.scid  }
0x8b: {  	s0 =	sand.u32 $0x1, s1  }
0x8c: {  	s17 =	sshll.u32 s0, $0xA;
	s2 =	sadd.s32 s3, s2  }
0x8d: {  	s2 =	sadd.s32 s2, s17  }
0x8e: {  	[smem:$0x3FC4] =	sst s2  }
0x8f: {  	_ = 	snop  }
0x90: {  	s2 =	sld [smem:$0x3FC9];
	(tm) =	ssettm $0x1  }
0x91: {  	s18 =	sld [smem:$0x3FFB];
	_ =	sdelay $0x3  }
0x92: {  	_ =	strace s18  }
0x93: {  	s3 =	sld [smem:$0x3FFC];
	_ =	sdelay $0x3  }
0x94: {  	_ =	strace s3  }
0x95: {  	s3 =	sld [smem:$0x3FFD];
	_ =	sdelay $0x3  }
0x96: {  	_ =	strace s3  }
0x97: {  	_ =	strace $0x8FFFFFFF  }
0x98: {  	s19 =	sld [smem:$0x3FDB];
	_ =	sdelay $0x1  }
0x99: {  	s4 =	simm.s32 $_scs_section_size  }
0x9a: {  	s5 =	simm.s32 $_size__tile_overlayer_lowered;
	s6 =	simm.s32 $_tile_overlayer_lowered  }
0x9b: {  	s22 =	simm.s32 $0x1BFF;
	s21 =	sshll.u32 s6, $0x1;
	s3 =	sadd.s32 s4, s19  }
0x9c: {  	s7 =	simm.s32 $0x0;
	s20 =	sshll.u32 s5, $0x1;
	s5 =	sadd.s32 s21, s3  }
0x9d: {  	[timem:s7], [sflag:s22] =	dma.local [hbm:s5], s20  }
0x9e: {  	_ =	swait.ge [sflag:s22], s20  }
0x9f: {  	s4 =	ssub.s32 $0x0, s20;
	[sflag:s22] =	ssyncset.done $0x0  }
0xa0: {  	[sflag:s22] =	ssyncadd.s32 s4;
	_ =	sdelay $0x1  }
0xa1: {  	s23 =	simm.s32 $0x1B8B  }
0xa2: {  	_ =	swait.ge [sflag:s23], $0x1  }
0xa3: {  	[sflag:s23] =	ssyncset.done $0x0  }
0xa4: {  	s25 =	simm.s32 $0x1B8E;
	s24 =	sld [smem:$0x3FFE];
	[sflag:s23] =	ssyncadd.s32 $0xFFFFFFFF  }
0xa5: {  	s26 =	simm.s32 $execute0_lowered;
	[smem:$0x3FD2] =	sst s25  }
0xa6: {  	s5 =	sshll.u32 s26, $0x1;
	_ =	strace $0x80000049;
	[dreg:$0x1] =	wrdreg $0xFFFFFFFF  }
0xa7: {  	s28 =	simm.s32 $_size_execute0_lowered;
	s3 =	sadd.s32 s3, s5;
	[dreg:$0x0] =	wrdreg $0x0  }
0xa8: {  	s5 =	sshll.u32 s28, $0x1;
	[dreg:$0x2] =	wrdreg s3  }
0xa9: {  	[dreg:$0x3] =	wrdreg s5  }
0xaa: {  	[dreg:$0x4] =	wrdreg $0xC0  }
0xab: {  	_ =	task [dreg:s7], $0x5FFFF  }
0xac: {  	[dreg:$0x1] =	wrdreg $0xFFFFFFFF  }
0xad: {  	[dreg:$0x0] =	wrdreg $0x60  }
0xae: {  	[dreg:$0x2] =	wrdreg s24  }
0xaf: {  	[dreg:$0x3] =	wrdreg s2  }
0xb0: {  	[dreg:$0x4] =	wrdreg $0x128800  }
0xb1: {  	[dreg:$0x5] =	wrdreg $0x10F800  }
0xb2: {  	[dreg:$0x6] =	wrdreg $0x9  }
0xb3: {  	_ =	task.clear_ibuf [dreg:s7], $0x7FFFF;
	_ =	strace $0x90000049  }
0xb4: {  	s29 =	simm.s32 $0x9;
	_ =	strace $0x8000004B  }
0xb5: {  	_ =	swait.ge [sflag:s29], $0x1  }
0xb6: {  	[sflag:s29] =	ssyncadd.s32 $0xFFFFFFFF  }
0xb7: {  	_ =	strace $0x9000004B  }
0xb8: {  	_ =	sfence  }
0xb9: {  	s30 =	sld [smem:$0x0];
	_ =	sdelay $0x2  }
0xba: {  	s31 =	sshll.u32 s1, $0xD;
	s1 =	sshrl.u32 s1, $0x2  }
0xbb: {  	s3 =	sand.u32 $0x4000, s31;
	s1 =	sadd.s32 s1, s30  }
0xbc: {  	s0 =	sor.u32 s3, s0;
	s1 =	sshll.u32 s1, $0x11  }
0xbd: {  	s0 =	sor.u32 s1, s0  }
0xbe: {  	s0 =	sadd.s32 $0x8F2B, s0  }
0xbf: {  	[sflag:s0] =	ssyncadd.remote.s32 $0x1  }
0xc0: {  	_ =	sfence.sel $0xFFFF  }
0xc1: {  	[dreg:$0x0] =	wrdreg $0xFFFFFFFF;
	(pc) =	sbr.abs _section_cstart, $3  }
0xc2: {  	[dreg:$0x1] =	wrdreg $0xFFFFFFFF  }
0xc3: {  	_ =	task.clear_ibuf [dreg:s7], $0x2FFFF;
	_ =	strace $0x9FFFFFFF  }
0xc4: {  	(tm) =	ssettm $0x7FFFFFFF  }
0xc5: {  	_ =	shalt  }
tec
execute0_lowered:
.L_overlay_start_1:
0x0: {  	(tag) =	ssettag $0x1  }
0x1: {  	s0 =	rddreg [dreg:$0x0]  }
0x2: {  	s1 =	srdreg.scid;
	s3 =	rddreg [dreg:$0x2]  }
0x3: {  	s7 =	stileid.u32;
	s4 =	rddreg [dreg:$0x3];
	s5 =	simm.s32 $0x0  }
0x4: {  	s1 =	sand.u32 $0x1, s1;
	s2 =	sshll.u32 s7, $0x1;
	s7 =	smul.u32 $0x1900, s7  }
0x5: {  	[smem:$0x7FF] =	sst s5;
	s11 =	sadd.s32 $0xD4A00, s0;
	s12 =	sadd.s32 $0xD7C00, s0  }
0x6: {  	s2 =	sor.u32 s1, s2;
	_ =	strace $0x8000004A;
	p0 =	sne.s32 s1, $0x0  }
0x7: {  	s6 =	smul.u32 $0x186A0, s2;
	s8 =	sshrl.u32 s7, $0x3;
	s23 =	sadd.s32 s7, s3  }
0x8: {  	s28 =	sadd.s32 s7, s4;
	s11 =	smov.u32 @p0 s12;
	[dreg:$0x5] =	wrdreg s23  }
0x9: {  	s9 =	sadd.s32 s8, s0;
	[dreg:$0x9] =	wrdreg s28;
	s21 =	sadd.s32 s11, s8  }
0xa: {  	s2 =	smul.u32 $0x174, s2;
	s24 =	sadd.s32 $0xC5200, s9;
	[dreg:$0x14] =	wrdreg s21  }
0xb: {  	s6 =	sshrl.u32 s6, $0x3;
	s25 =	sadd.s32 $0xC8400, s9;
	[dreg:$0x6] =	wrdreg s24  }
0xc: {  	s14 =	sadd.s32 s2, s0;
	s26 =	sadd.s32 $0xCB600, s9;
	[dreg:$0x7] =	wrdreg s25  }
0xd: {  	s2 =	sadd.s32 $0xD1800, s9;
	s6 =	sadd.s32 s6, s0;
	[dreg:$0x8] =	wrdreg s26  }
0xe: {  	s10 =	ssub.s32 $0x2, s1;
	[dreg:$0xa] =	wrdreg s2;
	s7 =	sadd.s32 $0x1800, s6  }
0xf: {  	s13 =	sshrl.u32 s10, $0x1;
	s9 =	sadd.s32 $0x63280, s6;
	[dreg:$0xb] =	wrdreg s7  }
0x10: {  	s10 =	ssub.s32 s10, s13;
	s13 =	sadd.s32 $0x1CE2, s6;
	[dreg:$0xc] =	wrdreg s9  }
0x11: {  	s12 =	simm.s32 $0x4F00;
	s15 =	sadd.s32 $0x63762, s6;
	[dreg:$0xd] =	wrdreg s13  }
0x12: {  	s8 =	simm.s32 $0xF780;
	s16 =	sadd.s32 $0x21C4, s6;
	[dreg:$0xe] =	wrdreg s15  }
0x13: {  	s11 =	simm.s32 $0xC580;
	s17 =	sadd.s32 $0x63C44, s6;
	[dreg:$0xf] =	wrdreg s16  }
0x14: {  	s21 =	simm.s32 $0x5;
	s18 =	sadd.s32 $0x26A6, s6;
	[dreg:$0x10] =	wrdreg s17  }
0x15: {  	s0 =	sadd.s32 $0xCE800, s14;
	s19 =	sadd.s32 $0x64126, s6;
	[dreg:$0x11] =	wrdreg s18  }
0x16: {  	s20 =	sadd.s32 $0x2B88, s6;
	s22 =	sadd.s32 $0x64608, s6;
	[dreg:$0x12] =	wrdreg s19  }
0x17: {  	s23 =	sadd.s32 $0x306A, s6;
	s24 =	sadd.s32 $0x64AEA, s6;
	[dreg:$0x13] =	wrdreg s20  }
0x18: {  	s25 =	sadd.s32 $0x354C, s6;
	s26 =	sadd.s32 $0x64FCC, s6;
	[dreg:$0x15] =	wrdreg s22  }
0x19: {  	s28 =	sadd.s32 $0x3A2E, s6;
	s29 =	sadd.s32 $0x654AE, s6;
	[dreg:$0x16] =	wrdreg s23  }
0x1a: {  	s30 =	sadd.s32 $0x3F10, s6;
	s31 =	sadd.s32 $0x65990, s6;
	[dreg:$0x17] =	wrdreg s24  }
0x1b: {  	s2 =	sadd.s32 $0x43F2, s6;
	s1 =	sadd.s32 $0x65E72, s6;
	[dreg:$0x18] =	wrdreg s25  }
0x1c: {  	s6 =	sadd.s32 $0xDAE00, s14;
	s14 =	simm.s32 $0x7680;
	[dreg:$0x19] =	wrdreg s26  }
0x1d: {  	[dreg:$0x1a] =	wrdreg s28;
	s7 =	smax.u32 s10, $0x1;
	s9 =	simm.s32 $0x6  }
0x1e: {  	s10 =	simm.s32 $0x10380;
	s13 =	simm.s32 $0x2780;
	s15 =	simm.s32 $0x1  }
0x1f: {  	s16 =	simm.s32 $0x3;
	s17 =	simm.s32 $0x2710;
	s18 =	simm.s32 $0x9E00  }
0x20: {  	s19 =	simm.s32 $0x2;
	s20 =	simm.s32 $0x4;
	s22 =	simm.s32 $0x0  }
.LBB2_1:
0x21: {  	[tilespmem:s8], [sflag:$0x6] =	stream.linear.gather [hbm4b:s0+s5], $0xBA0, $0x38;
	[tilespmem:$0x14180] =	vst v63  }
0x22: {  	_ =	swait.ge [sflag:s9], $0xBA0  }
0x23: {  	[sflag:s9] =	ssyncset.done $0x0  }
0x24: {  	[sflag:s9] =	ssyncadd.s32 $0xFFFFF460  }
0x25: {  	s24 =	simm.s32 $0xBA0;
	s23 =	rddreg [dreg:$0x1]  }
0x26: {  	[tilespmem:s10], [sflag:$0x5] =	stream.indirect.gather [hbm4b:s23+s24], $0x1, s8, s24, $0xb8;
	[tilespmem:$0x14180] =	vst v63  }
0x27: {  	s24 =	stileid.u32  }
0x28: {  	s25 =	rddreg [dreg:$0x5];
	s23 =	sshll.u32 s24, $0x6  }
0x29: {  	s24 =	sshrl.u32 s25, $0x3;
	s25 =	rddreg [dreg:$0x6];
	s23 =	sor.u32 $0x1C06, s23  }
0x2a: {  	[spmem:s24], [sflag:s23] =	dma.local [hbm:s25], $0x320  }
0x2b: {  	_ =	swait.ge [sflag:s9], $0x320  }
0x2c: {  	[sflag:s9] =	ssyncset.done $0x0  }
0x2d: {  	s26 =	rddreg [dreg:$0x7];
	[sflag:s9] =	ssyncadd.s32 $0xFFFFFCE0  }
0x2e: {  	[tilespmem:s11], [sflag:$0x6] =	stream.linear.gather [hbm4b:s26+s5], $0x1900, $0x38;
	[tilespmem:$0x14180] =	vst v63  }
0x2f: {  	_ =	swait.ge [sflag:s9], $0x1900  }
0x30: {  	[sflag:s9] =	ssyncset.done $0x0  }
0x31: {  	s26 =	simm.s32 $0xDE80;
	s28 =	rddreg [dreg:$0x8];
	[sflag:s9] =	ssyncadd.s32 $0xFFFFE700  }
0x32: {  	[tilespmem:s26], [sflag:$0x6] =	stream.linear.gather [hbm4b:s28+s5], $0x1900, $0x38;
	[tilespmem:$0x14180] =	vst v63  }
0x33: {  	_ =	swait.ge [sflag:s9], $0x1900  }
0x34: {  	[sflag:s9] =	ssyncset.done $0x0  }
0x35: {  	s25 =	simm.s32 $0x0;
	[sflag:s9] =	ssyncadd.s32 $0xFFFFE700  }
0x36: {  	s26 =	simm.s32 $0x40;
	v0 =	vld [tilespmem:s25+$0xDE80]  }
.LBB2_2:
0x37: {  	p1 =	sne.s32 s26, $0x63C0;
	v1 =	vld [tilespmem:s25+$0xC580];
	_ =	sdelay $0x2  }
.Ltmp0:
0x38: {  	(pc) =	sbr.rel @p1 .LBB2_2-.Ltmp0, $4  }
0x39: {  	_ = 	snop  }
0x3a: {  	v1 =	vadd.f32 v0, v1  }
0x3b: {  	s28 =	sshra.s32 s26, $0x2  }
0x3c: {  	s26 =	sadd.s32 $0x40, s26;
	v0 =	vld [tilespmem:s28+$0xDE80];
	[tilespmem:s25+$0xC580] =	vst v1;
	s25 =	smov.u32 s28  }
0x3d: {  	v1 =	vld [tilespmem:s25+$0xC580];
	_ =	sdelay $0x4  }
0x3e: {  	v0 =	vadd.f32 v0, v1;
	_ =	sdelay $0x1  }
0x3f: {  	s28 =	rddreg [dreg:$0x9];
	[tilespmem:s25+$0xC580] =	vst v0  }
0x40: {  	[spmem:s28] =	stream.linear.scatter [tilespmem:s11], [sflag:$0x6], $0x1900, $0x38;
	[tilespmem:$0x14180] =	vst v63  }
0x41: {  	_ =	swait.ge [sflag:s9], $0x1900  }
0x42: {  	s26 =	simm.s32 @!p0 $0xC580;
	[sflag:s9] =	ssyncset.done $0x0  }
0x43: {  	s25 =	simm.s32 @!p0 $0x0;
	s28 =	rddreg [dreg:$0xa];
	[sflag:s9] =	ssyncadd.s32 $0xFFFFE700  }
0x44: {  	[hbm4b:s28+s25] =	stream.linear.scatter @!p0 [tilespmem:s26], [sflag:$0x6], $0x1900, $0x38;
	[tilespmem:$0x14180] =	vst v63  }
0x45: {  	s25 =	simm.s32 @!p0 $0x6  }
0x46: {  	_ =	swait.ge @!p0 [sflag:s25], $0x1900  }
0x47: {  	[sflag:s25] =	ssyncset.done @!p0 $0x0  }
0x48: {  	[sflag:s25] =	ssyncadd.s32 @!p0 $0xFFFFE700  }
0x49: {  	[bflag:$0x0] =	sbarrier.arrive $0xFFFF  }
0x4a: {  	s26 =	rddreg [dreg:$0xb]  }
0x4b: {  	[tilespmem:s5], [sflag:$0x1] =	stream.linear.gather [hbm4b:s26+s5], $0x2710, $0x38;
	[tilespmem:$0x14180] =	vst v63  }
0x4c: {  	s28 =	rddreg [dreg:$0xc]  }
0x4d: {  	[tilespmem:s12], [sflag:$0x3] =	stream.linear.gather [hbm4b:s28+s5], $0x2710, $0x38;
	[tilespmem:$0x14180] =	vst v63  }
0x4e: {  	s26 =	rddreg [dreg:$0xd]  }
0x4f: {  	[tilespmem:s13], [sflag:$0x2] =	stream.linear.gather [hbm4b:s26+s5], $0x2710, $0x38;
	[tilespmem:$0x14180] =	vst v63  }
0x50: {  	s28 =	rddreg [dreg:$0xe]  }
0x51: {  	[tilespmem:s14], [sflag:$0x4] =	stream.linear.gather [hbm4b:s28+s5], $0x2710, $0x38;
	[tilespmem:$0x14180] =	vst v63  }
0x52: {  	_ =	swait.ge [sflag:s15], $0x2710  }
0x53: {  	[sflag:s15] =	ssyncset.done $0x0  }
0x54: {  	[sflag:s15] =	ssyncadd.s32 $0xFFFFD8F0  }
0x55: {  	_ =	swait.ge [sflag:s16], $0x2710  }
0x56: {  	[sflag:s16] =	ssyncset.done $0x0  }
0x57: {  	[sflag:s16] =	ssyncadd.s32 $0xFFFFD8F0  }
0x58: {  	[tilespmem:s18], [sflag:$0x6] =	stream.indirect.gather [spmem:s4], $0x1, s5, s17, $0xb8;
	[tilespmem:$0x14180] =	vst v63  }
0x59: {  	_ =	swait.ge [sflag:s9], $0x2710  }
0x5a: {  	[sflag:s9] =	ssyncset.done $0x0  }
0x5b: {  	[sflag:s9] =	ssyncadd.s32 $0xFFFFD8F0  }
0x5c: {  	[spmem:s3] =	stream.indirect.scatter.add.f32 [tilespmem:s18], [sflag:$0x6], $0x1, s12, s17, $0xb8;
	[tilespmem:$0x14180] =	vst v63  }
0x5d: {  	_ =	swait.ge [sflag:s9], $0x2710  }
0x5e: {  	[sflag:s9] =	ssyncset.done $0x0  }
0x5f: {  	s26 =	rddreg [dreg:$0xf];
	[sflag:s9] =	ssyncadd.s32 $0xFFFFD8F0  }
0x60: {  	[tilespmem:s5], [sflag:$0x1] =	stream.linear.gather [hbm4b:s26+s5], $0x2710, $0x38;
	[tilespmem:$0x14180] =	vst v63  }
0x61: {  	s28 =	rddreg [dreg:$0x10]  }
0x62: {  	[tilespmem:s12], [sflag:$0x3] =	stream.linear.gather [hbm4b:s28+s5], $0x2710, $0x38;
	[tilespmem:$0x14180] =	vst v63  }
0x63: {  	_ =	swait.ge [sflag:s19], $0x2710  }
0x64: {  	[sflag:s19] =	ssyncset.done $0x0  }
0x65: {  	[sflag:s19] =	ssyncadd.s32 $0xFFFFD8F0  }
0x66: {  	_ =	swait.ge [sflag:s20], $0x2710  }
0x67: {  	[sflag:s20] =	ssyncset.done $0x0  }
0x68: {  	[sflag:s20] =	ssyncadd.s32 $0xFFFFD8F0  }
0x69: {  	[tilespmem:s18], [sflag:$0x6] =	stream.indirect.gather [spmem:s4], $0x1, s13, s17, $0xb8;
	[tilespmem:$0x14180] =	vst v63  }
0x6a: {  	_ =	swait.ge [sflag:s9], $0x2710  }
0x6b: {  	[sflag:s9] =	ssyncset.done $0x0  }
0x6c: {  	[sflag:s9] =	ssyncadd.s32 $0xFFFFD8F0  }
0x6d: {  	[spmem:s3] =	stream.indirect.scatter.add.f32 [tilespmem:s18], [sflag:$0x6], $0x1, s14, s17, $0xb8;
	[tilespmem:$0x14180] =	vst v63  }
0x6e: {  	_ =	swait.ge [sflag:s9], $0x2710  }
0x6f: {  	[sflag:s9] =	ssyncset.done $0x0  }
0x70: {  	s26 =	rddreg [dreg:$0x11];
	[sflag:s9] =	ssyncadd.s32 $0xFFFFD8F0  }
0x71: {  	[tilespmem:s13], [sflag:$0x2] =	stream.linear.gather [hbm4b:s26+s5], $0x2710, $0x38;
	[tilespmem:$0x14180] =	vst v63  }
0x72: {  	s28 =	rddreg [dreg:$0x12]  }
0x73: {  	[tilespmem:s14], [sflag:$0x4] =	stream.linear.gather [hbm4b:s28+s5], $0x2710, $0x38;
	[tilespmem:$0x14180] =	vst v63  }
0x74: {  	_ =	swait.ge [sflag:s15], $0x2710  }
0x75: {  	[sflag:s15] =	ssyncset.done $0x0  }
0x76: {  	[sflag:s15] =	ssyncadd.s32 $0xFFFFD8F0  }
0x77: {  	_ =	swait.ge [sflag:s16], $0x2710  }
0x78: {  	[sflag:s16] =	ssyncset.done $0x0  }
0x79: {  	[sflag:s16] =	ssyncadd.s32 $0xFFFFD8F0  }
0x7a: {  	[tilespmem:s18], [sflag:$0x6] =	stream.indirect.gather [spmem:s4], $0x1, s5, s17, $0xb8;
	[tilespmem:$0x14180] =	vst v63  }
0x7b: {  	_ =	swait.ge [sflag:s9], $0x2710  }
0x7c: {  	[sflag:s9] =	ssyncset.done $0x0  }
0x7d: {  	[sflag:s9] =	ssyncadd.s32 $0xFFFFD8F0  }
0x7e: {  	[spmem:s3] =	stream.indirect.scatter.add.f32 [tilespmem:s18], [sflag:$0x6], $0x1, s12, s17, $0xb8;
	[tilespmem:$0x14180] =	vst v63  }
0x7f: {  	_ =	swait.ge [sflag:s9], $0x2710  }
0x80: {  	[sflag:s9] =	ssyncset.done $0x0  }
0x81: {  	s26 =	rddreg [dreg:$0x13];
	[sflag:s9] =	ssyncadd.s32 $0xFFFFD8F0  }
0x82: {  	[tilespmem:s5], [sflag:$0x1] =	stream.linear.gather [hbm4b:s26+s5], $0x2710, $0x38;
	[tilespmem:$0x14180] =	vst v63  }
0x83: {  	s28 =	rddreg [dreg:$0x15]  }
0x84: {  	[tilespmem:s12], [sflag:$0x3] =	stream.linear.gather [hbm4b:s28+s5], $0x2710, $0x38;
	[tilespmem:$0x14180] =	vst v63  }
0x85: {  	_ =	swait.ge [sflag:s19], $0x2710  }
0x86: {  	[sflag:s19] =	ssyncset.done $0x0  }
0x87: {  	[sflag:s19] =	ssyncadd.s32 $0xFFFFD8F0  }
0x88: {  	_ =	swait.ge [sflag:s20], $0x2710  }
0x89: {  	[sflag:s20] =	ssyncset.done $0x0  }
0x8a: {  	[sflag:s20] =	ssyncadd.s32 $0xFFFFD8F0  }
0x8b: {  	[tilespmem:s18], [sflag:$0x6] =	stream.indirect.gather [spmem:s4], $0x1, s13, s17, $0xb8;
	[tilespmem:$0x14180] =	vst v63  }
0x8c: {  	_ =	swait.ge [sflag:s9], $0x2710  }
0x8d: {  	[sflag:s9] =	ssyncset.done $0x0  }
0x8e: {  	[sflag:s9] =	ssyncadd.s32 $0xFFFFD8F0  }
0x8f: {  	[spmem:s3] =	stream.indirect.scatter.add.f32 [tilespmem:s18], [sflag:$0x6], $0x1, s14, s17, $0xb8;
	[tilespmem:$0x14180] =	vst v63  }
0x90: {  	_ =	swait.ge [sflag:s9], $0x2710  }
0x91: {  	[sflag:s9] =	ssyncset.done $0x0  }
0x92: {  	s26 =	rddreg [dreg:$0x16];
	[sflag:s9] =	ssyncadd.s32 $0xFFFFD8F0  }
0x93: {  	[tilespmem:s13], [sflag:$0x2] =	stream.linear.gather [hbm4b:s26+s5], $0x2710, $0x38;
	[tilespmem:$0x14180] =	vst v63  }
0x94: {  	s28 =	rddreg [dreg:$0x17]  }
0x95: {  	[tilespmem:s14], [sflag:$0x4] =	stream.linear.gather [hbm4b:s28+s5], $0x2710, $0x38;
	[tilespmem:$0x14180] =	vst v63  }
0x96: {  	_ =	swait.ge [sflag:s15], $0x2710  }
0x97: {  	[sflag:s15] =	ssyncset.done $0x0  }
0x98: {  	[sflag:s15] =	ssyncadd.s32 $0xFFFFD8F0  }
0x99: {  	_ =	swait.ge [sflag:s16], $0x2710  }
0x9a: {  	[sflag:s16] =	ssyncset.done $0x0  }
0x9b: {  	[sflag:s16] =	ssyncadd.s32 $0xFFFFD8F0  }
0x9c: {  	[tilespmem:s18], [sflag:$0x6] =	stream.indirect.gather [spmem:s4], $0x1, s5, s17, $0xb8;
	[tilespmem:$0x14180] =	vst v63  }
0x9d: {  	_ =	swait.ge [sflag:s9], $0x2710  }
0x9e: {  	[sflag:s9] =	ssyncset.done $0x0  }
0x9f: {  	[sflag:s9] =	ssyncadd.s32 $0xFFFFD8F0  }
0xa0: {  	[spmem:s3] =	stream.indirect.scatter.add.f32 [tilespmem:s18], [sflag:$0x6], $0x1, s12, s17, $0xb8;
	[tilespmem:$0x14180] =	vst v63  }
0xa1: {  	_ =	swait.ge [sflag:s9], $0x2710  }
0xa2: {  	[sflag:s9] =	ssyncset.done $0x0  }
0xa3: {  	s26 =	rddreg [dreg:$0x18];
	[sflag:s9] =	ssyncadd.s32 $0xFFFFD8F0  }
0xa4: {  	[tilespmem:s5], [sflag:$0x1] =	stream.linear.gather [hbm4b:s26+s5], $0x2710, $0x38;
	[tilespmem:$0x14180] =	vst v63  }
0xa5: {  	s28 =	rddreg [dreg:$0x19]  }
0xa6: {  	[tilespmem:s12], [sflag:$0x3] =	stream.linear.gather [hbm4b:s28+s5], $0x2710, $0x38;
	[tilespmem:$0x14180] =	vst v63  }
0xa7: {  	_ =	swait.ge [sflag:s19], $0x2710  }
0xa8: {  	[sflag:s19] =	ssyncset.done $0x0  }
0xa9: {  	[sflag:s19] =	ssyncadd.s32 $0xFFFFD8F0  }
0xaa: {  	_ =	swait.ge [sflag:s20], $0x2710  }
0xab: {  	[sflag:s20] =	ssyncset.done $0x0  }
0xac: {  	[sflag:s20] =	ssyncadd.s32 $0xFFFFD8F0  }
0xad: {  	[tilespmem:s18], [sflag:$0x6] =	stream.indirect.gather [spmem:s4], $0x1, s13, s17, $0xb8;
	[tilespmem:$0x14180] =	vst v63  }
0xae: {  	_ =	swait.ge [sflag:s9], $0x2710  }
0xaf: {  	[sflag:s9] =	ssyncset.done $0x0  }
0xb0: {  	[sflag:s9] =	ssyncadd.s32 $0xFFFFD8F0  }
0xb1: {  	[spmem:s3] =	stream.indirect.scatter.add.f32 [tilespmem:s18], [sflag:$0x6], $0x1, s14, s17, $0xb8;
	[tilespmem:$0x14180] =	vst v63  }
0xb2: {  	_ =	swait.ge [sflag:s9], $0x2710  }
0xb3: {  	[sflag:s9] =	ssyncset.done $0x0  }
0xb4: {  	s26 =	rddreg [dreg:$0x1a];
	[sflag:s9] =	ssyncadd.s32 $0xFFFFD8F0  }
0xb5: {  	[tilespmem:s13], [sflag:$0x2] =	stream.linear.gather [hbm4b:s26+s5], $0x2710, $0x38;
	[tilespmem:$0x14180] =	vst v63  }
0xb6: {  	_ = 	snop  }
0xb7: {  	[tilespmem:s14], [sflag:$0x4] =	stream.linear.gather [hbm4b:s29+s5], $0x2710, $0x38;
	[tilespmem:$0x14180] =	vst v63  }
0xb8: {  	_ =	swait.ge [sflag:s15], $0x2710  }
0xb9: {  	[sflag:s15] =	ssyncset.done $0x0  }
0xba: {  	[sflag:s15] =	ssyncadd.s32 $0xFFFFD8F0  }
0xbb: {  	_ =	swait.ge [sflag:s16], $0x2710  }
0xbc: {  	[sflag:s16] =	ssyncset.done $0x0  }
0xbd: {  	[sflag:s16] =	ssyncadd.s32 $0xFFFFD8F0  }
0xbe: {  	[tilespmem:s18], [sflag:$0x6] =	stream.indirect.gather [spmem:s4], $0x1, s5, s17, $0xb8;
	[tilespmem:$0x14180] =	vst v63  }
0xbf: {  	_ =	swait.ge [sflag:s9], $0x2710  }
0xc0: {  	[sflag:s9] =	ssyncset.done $0x0  }
0xc1: {  	[sflag:s9] =	ssyncadd.s32 $0xFFFFD8F0  }
0xc2: {  	[spmem:s3] =	stream.indirect.scatter.add.f32 [tilespmem:s18], [sflag:$0x6], $0x1, s12, s17, $0xb8;
	[tilespmem:$0x14180] =	vst v63  }
0xc3: {  	_ =	swait.ge [sflag:s9], $0x2710  }
0xc4: {  	[sflag:s9] =	ssyncset.done $0x0  }
0xc5: {  	[sflag:s9] =	ssyncadd.s32 $0xFFFFD8F0  }
0xc6: {  	[tilespmem:s5], [sflag:$0x1] =	stream.linear.gather [hbm4b:s30+s5], $0x2710, $0x38;
	[tilespmem:$0x14180] =	vst v63  }
0xc7: {  	_ = 	snop  }
0xc8: {  	[tilespmem:s12], [sflag:$0x3] =	stream.linear.gather [hbm4b:s31+s5], $0x2710, $0x38;
	[tilespmem:$0x14180] =	vst v63  }
0xc9: {  	_ =	swait.ge [sflag:s19], $0x2710  }
0xca: {  	[sflag:s19] =	ssyncset.done $0x0  }
0xcb: {  	[sflag:s19] =	ssyncadd.s32 $0xFFFFD8F0  }
0xcc: {  	_ =	swait.ge [sflag:s20], $0x2710  }
0xcd: {  	[sflag:s20] =	ssyncset.done $0x0  }
0xce: {  	[sflag:s20] =	ssyncadd.s32 $0xFFFFD8F0  }
0xcf: {  	[tilespmem:s18], [sflag:$0x6] =	stream.indirect.gather [spmem:s4], $0x1, s13, s17, $0xb8;
	[tilespmem:$0x14180] =	vst v63  }
0xd0: {  	_ =	swait.ge [sflag:s9], $0x2710  }
0xd1: {  	[sflag:s9] =	ssyncset.done $0x0  }
0xd2: {  	[sflag:s9] =	ssyncadd.s32 $0xFFFFD8F0  }
0xd3: {  	[spmem:s3] =	stream.indirect.scatter.add.f32 [tilespmem:s18], [sflag:$0x6], $0x1, s14, s17, $0xb8;
	[tilespmem:$0x14180] =	vst v63  }
0xd4: {  	_ =	swait.ge [sflag:s9], $0x2710  }
0xd5: {  	[sflag:s9] =	ssyncset.done $0x0  }
0xd6: {  	[sflag:s9] =	ssyncadd.s32 $0xFFFFD8F0  }
0xd7: {  	[tilespmem:s13], [sflag:$0x2] =	stream.linear.gather [hbm4b:s2+s5], $0x2710, $0x38;
	[tilespmem:$0x14180] =	vst v63  }
0xd8: {  	_ = 	snop  }
0xd9: {  	[tilespmem:s14], [sflag:$0x4] =	stream.linear.gather [hbm4b:s1+s5], $0x2710, $0x38;
	[tilespmem:$0x14180] =	vst v63  }
0xda: {  	_ =	swait.ge [sflag:s15], $0x2710  }
0xdb: {  	[sflag:s15] =	ssyncset.done $0x0  }
0xdc: {  	[sflag:s15] =	ssyncadd.s32 $0xFFFFD8F0  }
0xdd: {  	_ =	swait.ge [sflag:s16], $0x2710  }
0xde: {  	[sflag:s16] =	ssyncset.done $0x0  }
0xdf: {  	[sflag:s16] =	ssyncadd.s32 $0xFFFFD8F0  }
0xe0: {  	[tilespmem:s18], [sflag:$0x6] =	stream.indirect.gather [spmem:s4], $0x1, s5, s17, $0xb8;
	[tilespmem:$0x14180] =	vst v63  }
0xe1: {  	_ =	swait.ge [sflag:s9], $0x2710  }
0xe2: {  	[sflag:s9] =	ssyncset.done $0x0  }
0xe3: {  	[sflag:s9] =	ssyncadd.s32 $0xFFFFD8F0  }
0xe4: {  	[spmem:s3] =	stream.indirect.scatter.add.f32 [tilespmem:s18], [sflag:$0x6], $0x1, s12, s17, $0xb8;
	[tilespmem:$0x14180] =	vst v63  }
0xe5: {  	_ =	swait.ge [sflag:s9], $0x2710  }
0xe6: {  	[sflag:s9] =	ssyncset.done $0x0  }
0xe7: {  	[sflag:s9] =	ssyncadd.s32 $0xFFFFD8F0  }
0xe8: {  	_ =	swait.ge [sflag:s19], $0x2710  }
0xe9: {  	[sflag:s19] =	ssyncset.done $0x0  }
0xea: {  	[sflag:s19] =	ssyncadd.s32 $0xFFFFD8F0  }
0xeb: {  	_ =	swait.ge [sflag:s20], $0x2710  }
0xec: {  	[sflag:s20] =	ssyncset.done $0x0  }
0xed: {  	[sflag:s20] =	ssyncadd.s32 $0xFFFFD8F0  }
0xee: {  	[tilespmem:s18], [sflag:$0x6] =	stream.indirect.gather [spmem:s4], $0x1, s13, s17, $0xb8;
	[tilespmem:$0x14180] =	vst v63  }
0xef: {  	_ =	swait.ge [sflag:s9], $0x2710  }
0xf0: {  	[sflag:s9] =	ssyncset.done $0x0  }
0xf1: {  	[sflag:s9] =	ssyncadd.s32 $0xFFFFD8F0  }
0xf2: {  	[spmem:s3] =	stream.indirect.scatter.add.f32 [tilespmem:s18], [sflag:$0x6], $0x1, s14, s17, $0xb8;
	[tilespmem:$0x14180] =	vst v63  }
0xf3: {  	_ =	swait.ge [sflag:s9], $0x2710  }
0xf4: {  	[sflag:s9] =	ssyncset.done $0x0  }
0xf5: {  	[sflag:s9] =	ssyncadd.s32 $0xFFFFD8F0  }
0xf6: {  	[bflag:$0x0] =	sbarrier.arrive $0xFFFF  }
0xf7: {  	s28 =	rddreg [dreg:$0x14]  }
0xf8: {  	[hbm:s28], [sflag:s23] =	dma.local [spmem:s24], $0x320  }
0xf9: {  	_ =	swait.ge [sflag:s9], $0x320  }
0xfa: {  	[sflag:s9] =	ssyncset.done $0x0  }
0xfb: {  	[sflag:s9] =	ssyncadd.s32 $0xFFFFFCE0  }
0xfc: {  	s22 =	sadd.s32 $0x1, s22;
	_ =	swait.ge [sflag:s21], $0xBA0  }
0xfd: {  	p1 =	sne.s32 s22, s7;
	[sflag:s21] =	ssyncset.done $0x0  }
.Ltmp1:
0xfe: {  	[sflag:s21] =	ssyncadd.s32 $0xFFFFF460;
	(pc) =	sbr.rel @p1 .LBB2_1-.Ltmp1, $4  }
0xff: {  	[hbm4b:s6+s5] =	stream.linear.scatter [tilespmem:s10], [sflag:$0x6], $0xBA0, $0x38;
	[tilespmem:$0x14180] =	vst v63  }
0x100: {  	_ =	swait.ge [sflag:s9], $0xBA0  }
0x101: {  	[sflag:s9] =	ssyncset.done $0x0  }
0x102: {  	[sflag:s9] =	ssyncadd.s32 $0xFFFFF460  }
0x103: {  	_ =	sfence.sel $0x180000  }
0x104: {  	[bflag:$0x0] =	sbarrier.arrive $0xFFFF  }
0x105: {  	_ =	strace $0x9000004A  }
0x106: {  	s0 =	stileid.u32;
	[bflag:$0x2] =	sbarrier.arrive $0xFFFF  }
0x107: {  	p0 =	sne.s32 s0, $0x0;
	s0 =	rddreg [dreg:$0x4]  }
0x108: {  	s0 =	sadd.s32 @!p0 $0x100000, s0  }
0x109: {  	[sflag:s0] =	ssyncadd.tile.s32 @!p0 $0x1;
	_ =	shalt  }
.Lfunc_end2:
_tile_overlayer_lowered:
.L_overlay_start_2:
0x10a: {  	(tag) =	ssettag $0x2  }
0x10b: {  	s0 =	rddreg [dreg:$0x0];
	s2 =	stileid.u32  }
0x10c: {  	s1 =	rddreg [dreg:$0x1];
	p0 =	sne.s32 s2, $0x0  }
0x10d: {  	s3 =	rddreg [dreg:$0x2];
	[bflag:$0x3] =	sbarrier.arrive $0xFFFF;
	s2 =	simm.s32 @!p0 $0x1C06  }
0x10e: {  	[timem:s3], [sflag:s2] =	dma.local @!p0 [hbm:s0], s1  }
0x10f: {  	s0 =	simm.s32 @!p0 $0x6  }
0x110: {  	_ =	swait.ge @!p0 [sflag:s0], s1  }
0x111: {  	s1 =	ssub.s32 @!p0 $0x0, s1;
	[sflag:s0] =	ssyncset.done @!p0 $0x0  }
0x112: {  	[sflag:s0] =	ssyncadd.s32 @!p0 s1  }
0x113: {  	[bflag:$0x3] =	sbarrier.arrive $0xFFFF  }
0x114: {  	_ =	shalt  }

</sc_bundles>
